<compile_context>
chip_gen: v7x
topology: tpu7x:2x2x1
jax: 0.10.2.dev20260603
libtpu: 0.0.44.dev20260713+nightly
codegen_flags: <defaults>
</compile_context>

<pallas_src>
import functools
import numpy as np
import jax
from jax import lax
import jax.numpy as jnp
from jax.experimental import pallas as pl
import jax.experimental.pallas.tpu as pltpu
from jax.experimental.pallas import tpu_sc as plsc

HID = 1024
NH = 16
NKV = 4
HD = 64
E = 8
TOPK = 2
FF = 512
EPS = 1e-06
THETA = 1000000.0

_LOG_THETA = float(np.log(THETA))
_HALF = HD // 2


def _dot(a, b):
    return jax.lax.dot_general(a, b, (((1,), (0,)), ((), ())),
                               preferred_element_type=jnp.float32)


def _dot_t(a, b):
    return jax.lax.dot_general(a, b, (((1,), (1,)), ((), ())),
                               preferred_element_type=jnp.float32)


def _dot_tl(a, b):
    return jax.lax.dot_general(a, b, (((1,), (1,)), ((), ())),
                               preferred_element_type=jnp.float32)


def _rms(x, w, eps=EPS):
    return x * jax.lax.rsqrt(jnp.mean(x * x, axis=-1, keepdims=True) + eps) * w


def _seg(nheads):
    n = nheads * _HALF
    l = jax.lax.broadcasted_iota(jnp.int32, (n, nheads), 0)
    h = jax.lax.broadcasted_iota(jnp.int32, (n, nheads), 1)
    return (l // _HALF == h).astype(jnp.float32)


def _tile_mat(nheads):
    n = nheads * _HALF
    j = jax.lax.broadcasted_iota(jnp.int32, (_HALF, n), 0)
    l = jax.lax.broadcasted_iota(jnp.int32, (_HALF, n), 1)
    return (l % _HALF == j).astype(jnp.float32)


def _pre_attn_kernel(x_ref, ln_ref, w_ref, qn1_ref, qn2_ref, kn1_ref, kn2_ref,
                     q_ref, k_ref, v_ref, *, bt):
    t = pl.program_id(0)
    x = x_ref[...]
    xn = _rms(x, ln_ref[...])
    qkv = _dot(xn, w_ref[...])

    pos = (jax.lax.broadcasted_iota(jnp.int32, (bt, 1), 0) + t * bt).astype(jnp.float32)
    j = jax.lax.broadcasted_iota(jnp.int32, (1, _HALF), 1).astype(jnp.float32)
    inv = jnp.exp(j * (-2.0 / HD * _LOG_THETA))
    freqs = pos * inv
    cos = jnp.cos(freqs)
    sin = jnp.sin(freqs)

    nq = NH * _HALF
    nk = NKV * _HALF
    q1 = qkv[:, :nq]
    q2 = qkv[:, nq:2 * nq]
    k1 = qkv[:, 2 * nq:2 * nq + nk]
    k2 = qkv[:, 2 * nq + nk:2 * nq + 2 * nk]
    v = qkv[:, 2 * nq + 2 * nk:]

    segq = _seg(NH)
    ssq = _dot(q1 * q1 + q2 * q2, segq)
    rstd = jax.lax.rsqrt(ssq * (1.0 / HD) + EPS)
    rstd_w = _dot_tl(rstd, segq)
    tq = _tile_mat(NH)
    cos_q = _dot(cos, tq)
    sin_q = _dot(sin, tq)
    q1n = q1 * rstd_w * qn1_ref[...]
    q2n = q2 * rstd_w * qn2_ref[...]
    q_ref[...] = jnp.concatenate([q1n * cos_q - q2n * sin_q,
                                  q2n * cos_q + q1n * sin_q], axis=1)

    segk = _seg(NKV)
    ssk = _dot(k1 * k1 + k2 * k2, segk)
    rstdk = jax.lax.rsqrt(ssk * (1.0 / HD) + EPS)
    rstdk_w = _dot_tl(rstdk, segk)
    tk = _tile_mat(NKV)
    cos_k = _dot(cos, tk)
    sin_k = _dot(sin, tk)
    k1n = k1 * rstdk_w * kn1_ref[...]
    k2n = k2 * rstdk_w * kn2_ref[...]
    k1r = k1n * cos_k - k2n * sin_k
    k2r = k2n * cos_k + k1n * sin_k
    for g in range(NKV):
        k_ref[g] = jnp.concatenate(
            [k1r[:, g * _HALF:(g + 1) * _HALF], k2r[:, g * _HALF:(g + 1) * _HALF]], axis=1)
        v_ref[g] = v[:, g * HD:(g + 1) * HD]


def _attn_kernel(qa_ref, qb_ref, k_ref, v_ref, o_ref, *, bq, T, rep):
    i = pl.program_id(1)
    scale = HD ** -0.5
    qs = [jnp.concatenate([qa_ref[:, hh * _HALF:(hh + 1) * _HALF],
                           qb_ref[:, hh * _HALF:(hh + 1) * _HALF]], axis=1) * scale
          for hh in range(rep)]

    def body(j, carry):
        accs, ls = carry
        kj = k_ref[0, pl.ds(j * bq, bq), :]
        vj = v_ref[0, pl.ds(j * bq, bq), :]
        new_accs = []
        new_ls = []
        for hh in range(rep):
            p = jnp.exp(_dot_t(qs[hh], kj))
            new_ls.append(ls[hh] + jnp.sum(p, axis=-1, keepdims=True))
            new_accs.append(accs[hh] + _dot(p, vj))
        return new_accs, new_ls

    init = ([jnp.zeros((bq, HD), jnp.float32) for _ in range(rep)],
            [jnp.zeros((bq, 1), jnp.float32) for _ in range(rep)])
    accs, ls = jax.lax.fori_loop(0, i, body, init)

    kd = k_ref[0, pl.ds(i * bq, bq), :]
    vd = v_ref[0, pl.ds(i * bq, bq), :]
    rowl = jax.lax.broadcasted_iota(jnp.int32, (bq, bq), 0)
    coll = jax.lax.broadcasted_iota(jnp.int32, (bq, bq), 1)
    causal = coll <= rowl
    outs = []
    for hh in range(rep):
        p = jnp.where(causal, jnp.exp(_dot_t(qs[hh], kd)), 0.0)
        l = ls[hh] + jnp.sum(p, axis=-1, keepdims=True)
        acc = accs[hh] + _dot(p, vd)
        outs.append(acc / l)
    o_ref[...] = jnp.concatenate(outs, axis=-1)


def _post_attn_kernel(o_ref, x_ref, ow_ref, pln_ref, h1_ref, h2_ref):
    h1 = x_ref[...] + _dot(o_ref[...], ow_ref[...])
    h1_ref[...] = h1
    h2_ref[...] = _rms(h1, pln_ref[...])


def _router_kernel(h2_ref, gw_ref, w12_ref, d1_ref, d2_ref, meta_ref,
                   *, T, bs, dump):
    h2 = h2_ref[...]
    logits = _dot(h2, gw_ref[...])
    lm = jnp.max(logits, axis=-1, keepdims=True)
    ex = jnp.exp(logits - lm)
    probs = ex / jnp.sum(ex, axis=-1, keepdims=True)
    lane = jax.lax.broadcasted_iota(jnp.int32, (T, E), 1)
    m1 = jnp.max(probs, axis=-1, keepdims=True)
    i1 = jnp.min(jnp.where(probs == m1, lane, E), axis=-1, keepdims=True)
    oh1 = lane == i1
    p2 = jnp.where(oh1, -1.0, probs)
    m2 = jnp.max(p2, axis=-1, keepdims=True)
    i2 = jnp.min(jnp.where(p2 == m2, lane, E), axis=-1, keepdims=True)
    oh2 = lane == i2
    denom = m1 + m2
    denom = jnp.where(denom == 0, 1.0, denom)
    w1 = m1 / denom
    w2 = m2 / denom
    w12_ref[...] = jnp.concatenate([w1, w2, jnp.zeros((T, 6), jnp.float32)], axis=1)

    sel = (jnp.where(oh1, w1, 0.0) + jnp.where(oh2, w2, 0.0)) > 0.0
    sm = sel.astype(jnp.float32)

    nb = T // 256
    r0 = jax.lax.broadcasted_iota(jnp.int32, (256, 256), 0)
    c0 = jax.lax.broadcasted_iota(jnp.int32, (256, 256), 1)
    tril = (c0 < r0).astype(jnp.float32)
    ones_row = jnp.ones((1, 256), jnp.float32)
    running = jnp.zeros((1, E), jnp.float32)
    ranks = []
    for b in range(nb):
        sb = sm[b * 256:(b + 1) * 256, :]
        ranks.append(_dot(tril, sb) + running)
        running = running + _dot(ones_row, sb)
    rank = jnp.concatenate(ranks, axis=0)
    counts = running

    pc = jnp.ceil(counts * (1.0 / bs)) * bs
    eu = jax.lax.broadcasted_iota(jnp.int32, (E, E), 0)
    ev = jax.lax.broadcasted_iota(jnp.int32, (E, E), 1)
    upper = (eu < ev).astype(jnp.float32)
    po = _dot(pc, upper)

    dest = po + rank
    s1 = jnp.sum(jnp.where(oh1, dest, 0.0), axis=1, keepdims=True)
    s2 = jnp.sum(jnp.where(oh2, dest, 0.0), axis=1, keepdims=True)
    d1_ref[...] = jnp.where(w1 > 0, s1, float(dump)).astype(jnp.int32)
    d2_ref[...] = jnp.where(w2 > 0, s2, float(dump)).astype(jnp.int32)

    po_t = jax.lax.dot_general(po, jnp.ones((1, 1), jnp.float32),
                               (((0,), (0,)), ((), ())),
                               preferred_element_type=jnp.float32)
    sb_l = (jax.lax.broadcasted_iota(jnp.int32, (1, 32), 1) * bs).astype(jnp.float32)
    ge = (jnp.broadcast_to(sb_l, (E, 32)) >= po_t).astype(jnp.float32)
    bexp = jnp.sum(ge, axis=0, keepdims=True) - 1.0
    bexp = jnp.clip(bexp, 0.0, float(E - 1))
    used = po[:, E - 1:E] + pc[:, E - 1:E]
    nblk_used = used * (1.0 / bs)
    lane32 = jax.lax.broadcasted_iota(jnp.int32, (1, 32), 1)
    meta = jnp.where(lane32 == 31, nblk_used, bexp)
    meta = jnp.where(sb_l >= used, jnp.where(lane32 == 31, meta, 0.0), meta)
    meta_ref[...] = meta.astype(jnp.int32)


def _group_mlp_kernel(meta_ref, slots_ref, gup_ref, dw_ref, out_ref):
    b = pl.program_id(0)

    @pl.when(b < meta_ref[31])
    def _():
        h = slots_ref[...]
        gu = _dot(h, gup_ref[0])
        g = gu[:, :FF]
        u = gu[:, FF:]
        act = g * jax.lax.logistic(g) * u
        out_ref[...] = _dot(act, dw_ref[0])

    @pl.when(b >= meta_ref[31])
    def _():
        out_ref[...] = jnp.zeros(out_ref.shape, out_ref.dtype)


def _combine_kernel(h1_ref, g1_ref, g2_ref, w12_ref, out_ref):
    w1 = w12_ref[:, 0:1]
    w2 = w12_ref[:, 1:2]
    m1 = jnp.where(w1 > 0, g1_ref[...] * w1, 0.0)
    m2 = jnp.where(w2 > 0, g2_ref[...] * w2, 0.0)
    out_ref[...] = h1_ref[...] + m1 + m2


def _make_sc_scatter(T, slots, chunk):
    info = plsc.get_sparse_core_info()
    nw = info.num_cores * info.num_subcores

    @functools.partial(
        pl.kernel,
        mesh=plsc.VectorSubcoreMesh(core_axis_name="c", subcore_axis_name="s"),
        out_type=jax.ShapeDtypeStruct((slots, HID), jnp.float32),
        scratch_types=[
            pltpu.VMEM((chunk,), jnp.int32),
            pltpu.VMEM((chunk,), jnp.int32),
            pltpu.VMEM((chunk, HID), jnp.float32),
            pltpu.SemaphoreType.DMA,
        ],
    )
    def sc_scatter(h2_hbm, d1_hbm, d2_hbm, out_hbm,
                   idx1_v, idx2_v, rows_v, sem):
        wid = lax.axis_index("s") * info.num_cores + lax.axis_index("c")
        base = wid * chunk
        pltpu.sync_copy(d1_hbm.at[pl.ds(base, chunk)], idx1_v)
        pltpu.sync_copy(d2_hbm.at[pl.ds(base, chunk)], idx2_v)
        pltpu.sync_copy(h2_hbm.at[pl.ds(base, chunk)], rows_v)
        c1 = pltpu.async_copy(rows_v, out_hbm.at[idx1_v], sem)
        c2 = pltpu.async_copy(rows_v, out_hbm.at[idx2_v], sem)
        c1.wait()
        c2.wait()

    assert T % nw == 0 and T // nw == chunk
    return sc_scatter


def _make_sc_gather(T, slots, chunk):
    info = plsc.get_sparse_core_info()
    nw = info.num_cores * info.num_subcores

    @functools.partial(
        pl.kernel,
        mesh=plsc.VectorSubcoreMesh(core_axis_name="c", subcore_axis_name="s"),
        out_type=[jax.ShapeDtypeStruct((T, HID), jnp.float32),
                  jax.ShapeDtypeStruct((T, HID), jnp.float32)],
        scratch_types=[
            pltpu.VMEM((chunk,), jnp.int32),
            pltpu.VMEM((chunk,), jnp.int32),
            pltpu.VMEM((chunk, HID), jnp.float32),
            pltpu.SemaphoreType.DMA,
        ],
    )
    def sc_gather(dslots_hbm, d1_hbm, d2_hbm, g1_hbm, g2_hbm,
                  idx1_v, idx2_v, rows_v, sem):
        wid = lax.axis_index("s") * info.num_cores + lax.axis_index("c")
        base = wid * chunk
        pltpu.sync_copy(d1_hbm.at[pl.ds(base, chunk)], idx1_v)
        pltpu.sync_copy(d2_hbm.at[pl.ds(base, chunk)], idx2_v)
        pltpu.async_copy(dslots_hbm.at[idx1_v], rows_v, sem).wait()
        pltpu.sync_copy(rows_v, g1_hbm.at[pl.ds(base, chunk)])
        pltpu.async_copy(dslots_hbm.at[idx2_v], rows_v, sem).wait()
        pltpu.sync_copy(rows_v, g2_hbm.at[pl.ds(base, chunk)])

    assert T % nw == 0 and T // nw == chunk
    return sc_gather


def kernel(hidden_states, positions, input_ln_w, qkv_w, q_norm_w, k_norm_w,
           o_proj_w, post_ln_w, gate_w, gate_up_w, down_w):
    T = hidden_states.shape[0]
    qkv_dim = NH * HD + 2 * NKV * HD

    qperm = np.concatenate([
        np.concatenate([np.arange(h * HD, h * HD + _HALF) for h in range(NH)]),
        np.concatenate([np.arange(h * HD + _HALF, (h + 1) * HD) for h in range(NH)]),
        np.concatenate([np.arange(NH * HD + g * HD, NH * HD + g * HD + _HALF) for g in range(NKV)]),
        np.concatenate([np.arange(NH * HD + g * HD + _HALF, NH * HD + (g + 1) * HD) for g in range(NKV)]),
        np.arange(NH * HD + NKV * HD, qkv_dim),
    ])
    qkv_wT = qkv_w.T[:, qperm]
    o_wT = o_proj_w.T
    gate_wT = gate_w.T
    ln2 = input_ln_w.reshape(1, HID)
    qn1 = jnp.tile(q_norm_w[:_HALF], NH).reshape(1, NH * _HALF)
    qn2 = jnp.tile(q_norm_w[_HALF:], NH).reshape(1, NH * _HALF)
    kn1 = jnp.tile(k_norm_w[:_HALF], NKV).reshape(1, NKV * _HALF)
    kn2 = jnp.tile(k_norm_w[_HALF:], NKV).reshape(1, NKV * _HALF)
    pln2 = post_ln_w.reshape(1, HID)

    bt = 256
    q, k, v = pl.pallas_call(
        functools.partial(_pre_attn_kernel, bt=bt),
        grid=(T // bt,),
        in_specs=[
            pl.BlockSpec((bt, HID), lambda t: (t, 0)),
            pl.BlockSpec((1, HID), lambda t: (0, 0)),
            pl.BlockSpec((HID, qkv_dim), lambda t: (0, 0)),
            pl.BlockSpec((1, NH * _HALF), lambda t: (0, 0)),
            pl.BlockSpec((1, NH * _HALF), lambda t: (0, 0)),
            pl.BlockSpec((1, NKV * _HALF), lambda t: (0, 0)),
            pl.BlockSpec((1, NKV * _HALF), lambda t: (0, 0)),
        ],
        out_specs=[
            pl.BlockSpec((bt, NH * HD), lambda t: (t, 0)),
            pl.BlockSpec((NKV, bt, HD), lambda t: (0, t, 0)),
            pl.BlockSpec((NKV, bt, HD), lambda t: (0, t, 0)),
        ],
        out_shape=[
            jax.ShapeDtypeStruct((T, NH * HD), jnp.float32),
            jax.ShapeDtypeStruct((NKV, T, HD), jnp.float32),
            jax.ShapeDtypeStruct((NKV, T, HD), jnp.float32),
        ],
    )(hidden_states, ln2, qkv_wT, qn1, qn2, kn1, kn2)

    bq = 256
    rep = NH // NKV
    o = pl.pallas_call(
        functools.partial(_attn_kernel, bq=bq, T=T, rep=rep),
        grid=(NKV, T // bq),
        in_specs=[
            pl.BlockSpec((bq, rep * _HALF), lambda g, i: (i, g)),
            pl.BlockSpec((bq, rep * _HALF), lambda g, i: (i, NKV + g)),
            pl.BlockSpec((1, T, HD), lambda g, i: (g, 0, 0)),
            pl.BlockSpec((1, T, HD), lambda g, i: (g, 0, 0)),
        ],
        out_specs=pl.BlockSpec((bq, rep * HD), lambda g, i: (i, g)),
        out_shape=jax.ShapeDtypeStruct((T, NH * HD), jnp.float32),
    )(q, q, k, v)

    bt2 = min(512, T)
    h1, h2 = pl.pallas_call(
        _post_attn_kernel,
        grid=(T // bt2,),
        in_specs=[
            pl.BlockSpec((bt2, NH * HD), lambda t: (t, 0)),
            pl.BlockSpec((bt2, HID), lambda t: (t, 0)),
            pl.BlockSpec((NH * HD, HID), lambda t: (0, 0)),
            pl.BlockSpec((1, HID), lambda t: (0, 0)),
        ],
        out_specs=[
            pl.BlockSpec((bt2, HID), lambda t: (t, 0)),
            pl.BlockSpec((bt2, HID), lambda t: (t, 0)),
        ],
        out_shape=[
            jax.ShapeDtypeStruct((T, HID), jnp.float32),
            jax.ShapeDtypeStruct((T, HID), jnp.float32),
        ],
    )(o, hidden_states, o_wT, pln2)

    BS = 256
    nblk = (TOPK * T + E * BS) // BS + 1
    dump = (nblk - 1) * BS
    slots = nblk * BS

    w12, d1, d2, meta = pl.pallas_call(
        functools.partial(_router_kernel, T=T, bs=BS, dump=dump),
        grid=(1,),
        in_specs=[
            pl.BlockSpec((T, HID), lambda i: (0, 0)),
            pl.BlockSpec((HID, E), lambda i: (0, 0)),
        ],
        out_specs=[
            pl.BlockSpec((T, E), lambda i: (0, 0)),
            pl.BlockSpec((T, 1), lambda i: (0, 0)),
            pl.BlockSpec((T, 1), lambda i: (0, 0)),
            pl.BlockSpec((1, 32), lambda i: (0, 0)),
        ],
        out_shape=[
            jax.ShapeDtypeStruct((T, E), jnp.float32),
            jax.ShapeDtypeStruct((T, 1), jnp.int32),
            jax.ShapeDtypeStruct((T, 1), jnp.int32),
            jax.ShapeDtypeStruct((1, 32), jnp.int32),
        ],
    )(h2, gate_wT)
    d1f = d1.reshape(T)
    d2f = d2.reshape(T)
    metaf = meta.reshape(32)

    chunk = T // 32
    slots_h2 = _make_sc_scatter(T, slots, chunk)(h2, d1f, d2f)

    dslots = pl.pallas_call(
        _group_mlp_kernel,
        grid_spec=pltpu.PrefetchScalarGridSpec(
            num_scalar_prefetch=1,
            grid=(nblk,),
            in_specs=[
                pl.BlockSpec((BS, HID), lambda b, m: (b, 0)),
                pl.BlockSpec((1, HID, 2 * FF), lambda b, m: (m[b], 0, 0)),
                pl.BlockSpec((1, FF, HID), lambda b, m: (m[b], 0, 0)),
            ],
            out_specs=pl.BlockSpec((BS, HID), lambda b, m: (b, 0)),
        ),
        out_shape=jax.ShapeDtypeStruct((slots, HID), jnp.float32),
    )(metaf, slots_h2, gate_up_w, down_w)

    g1, g2 = _make_sc_gather(T, slots, chunk)(dslots, d1f, d2f)

    bc = min(1024, T)
    out = pl.pallas_call(
        _combine_kernel,
        grid=(T // bc,),
        in_specs=[
            pl.BlockSpec((bc, HID), lambda t: (t, 0)),
            pl.BlockSpec((bc, HID), lambda t: (t, 0)),
            pl.BlockSpec((bc, HID), lambda t: (t, 0)),
            pl.BlockSpec((bc, E), lambda t: (t, 0)),
        ],
        out_specs=pl.BlockSpec((bc, HID), lambda t: (t, 0)),
        out_shape=jax.ShapeDtypeStruct((T, HID), jnp.float32),
    )(h1, g1, g2, w12)
    return out

# --- scband reference (transcript-rebuilt; emitter-appended) ---
"""Pipeline reference for scband-qwen3-moe-decoder-layer-2551210574777 (READ-ONLY COPY).

The authoritative reference and input builder live on the scoring server;
editing this copy changes nothing except your own understanding.
"""

import jax, jax.numpy as jnp
import numpy as np

HID = 1024; NH = 16; NKV = 4; HD = 64; E = 8; TOPK = 2; FF = 512; EPS = 1e-06; THETA = 1000000.0


def rmsnorm(x, w, eps=EPS):
    return x / jnp.sqrt(jnp.mean(x * x, axis=-1, keepdims=True) + eps) * w


def apply_rope(x, positions, theta=THETA):
    dh = x.shape[-1]
    inv = 1.0 / (theta ** (np.arange(0, dh, 2, dtype=np.float32) / dh))
    freqs = positions.astype(jnp.float32)[:, None] * inv
    cos = jnp.cos(freqs)[:, None, :]
    sin = jnp.sin(freqs)[:, None, :]
    x1 = x[..., : dh // 2]
    x2 = x[..., dh // 2 :]
    return jnp.concatenate([x1 * cos - x2 * sin, x2 * cos + x1 * sin], axis=-1)


def setup_inputs(seed: int = 0) -> dict:
    key = jax.random.key(seed)
    ks = jax.random.split(key, 8)
    T = 2048
    inp = {}
    inp['hidden_states'] = jax.random.normal(ks[0], (T, HID), dtype=jnp.float32)
    inp['positions'] = jnp.arange(T, dtype=jnp.int32)
    inp['input_ln_w'] = jnp.ones((HID,), dtype=jnp.float32)
    inp['qkv_w'] = jax.random.normal(ks[1], (NH * HD + 2 * NKV * HD, HID), dtype=jnp.float32) * 0.02
    inp['q_norm_w'] = jnp.ones((HD,), dtype=jnp.float32)
    inp['k_norm_w'] = jnp.ones((HD,), dtype=jnp.float32)
    inp['o_proj_w'] = jax.random.normal(ks[2], (HID, NH * HD), dtype=jnp.float32) * 0.02
    inp['post_ln_w'] = jnp.ones((HID,), dtype=jnp.float32)
    inp['gate_w'] = jax.random.normal(ks[3], (E, HID), dtype=jnp.float32) * 0.02
    inp['gate_up_w'] = jax.random.normal(ks[4], (E, HID, 2 * FF), dtype=jnp.float32) * 0.02
    inp['down_w'] = jax.random.normal(ks[5], (E, FF, HID), dtype=jnp.float32) * 0.02
    return inp


def reference(hidden_states, positions, input_ln_w, qkv_w, q_norm_w, k_norm_w, o_proj_w, post_ln_w, gate_w, gate_up_w, down_w):
    T = hidden_states.shape[0]
    # --- self attention (pre-norm) ---
    h = rmsnorm(hidden_states, input_ln_w)
    qkv = h @ qkv_w.T
    q = qkv[:, : NH * HD].reshape(T, NH, HD)
    k = qkv[:, NH * HD : NH * HD + NKV * HD].reshape(T, NKV, HD)
    v = qkv[:, NH * HD + NKV * HD :].reshape(T, NKV, HD)
    q = rmsnorm(q, q_norm_w)
    k = rmsnorm(k, k_norm_w)
    q = apply_rope(q, positions)
    k = apply_rope(k, positions)
    rep = NH // NKV
    kr = jnp.repeat(k, rep, axis=1)
    vr = jnp.repeat(v, rep, axis=1)
    scores = jnp.einsum('thd,shd->hts', q, kr) * (HD ** -0.5)
    mask = jnp.tril(jnp.ones((T, T), dtype=bool))
    scores = jnp.where(mask[None, :, :], scores, -1e30)
    p = jax.nn.softmax(scores, axis=-1)
    o = jnp.einsum('hts,shd->thd', p, vr).reshape(T, NH * HD)
    h1 = hidden_states + o @ o_proj_w.T
    # --- sparse MoE block (pre-norm) ---
    h2 = rmsnorm(h1, post_ln_w)
    logits = h2 @ gate_w.T
    probs = jax.nn.softmax(logits.astype(jnp.float32), axis=-1)
    rw, sel = jax.lax.top_k(probs, TOPK)
    s = rw.sum(axis=-1, keepdims=True)
    s = jnp.where(s == 0, 1.0, s)
    rw = (rw / s).astype(hidden_states.dtype)
    cw = (rw[..., None] * jax.nn.one_hot(sel, E, dtype=rw.dtype)).sum(axis=1)  # [T, E]
    gu = jnp.einsum('td,edf->etf', h2, gate_up_w)
    g, u = jnp.split(gu, 2, axis=-1)
    act = jax.nn.silu(g) * u
    down = jnp.einsum('etf,efd->etd', act, down_w)
    moe = jnp.einsum('etd,te->td', down, cw)
    return h1 + moe

if __name__ == "__main__":
    import jax
    _d = setup_inputs()
    print(jax.jit(kernel)(*tuple(_d.values())))

</pallas_src>

<mosaic_0001>
#map = affine_map<(d0, d1) -> (0, 0)>
#map1 = affine_map<(d0, d1) -> (0)>
module attributes {stable_mosaic.version = 14 : i64} {
  func.func @sc_gather(%arg0: i32, %arg1: i32, %arg2: memref<6400x1024xf32, #tpu.memory_space<hbm>>, %arg3: memref<2048xi32, #tpu.memory_space<hbm>>, %arg4: memref<2048xi32, #tpu.memory_space<hbm>>, %arg5: memref<2048x1024xf32, #tpu.memory_space<hbm>>, %arg6: memref<2048x1024xf32, #tpu.memory_space<hbm>>, %arg7: memref<64xi32, #tpu.memory_space<vmem>>, %arg8: memref<64xi32, #tpu.memory_space<vmem>>, %arg9: memref<64x1024xf32, #tpu.memory_space<vmem>>, %arg10: memref<!tpu.dma_semaphore, #tpu.memory_space<semaphore_mem>>) attributes {dimension_semantics = [#tpu.dimension_semantics<core_parallel>, #tpu.dimension_semantics<subcore_parallel>], iteration_bounds = array<i64: 2, 16>, scalar_prefetch = 0 : i64, scratch_operands = 4 : i64, tpu.core_type = #tpu.core_type<sc_vector_subcore>, window_params = [{transform_indices = #map}, {transform_indices = #map1}, {transform_indices = #map1}, {transform_indices = #map}, {transform_indices = #map}]} {
    %mul3A = arith.constant 2 : i32
    %mul3A_0 = arith.muli %arg1, %mul3A : i32
    %add3A = arith.addi %mul3A_0, %arg0 : i32
    %mul3A_1 = arith.constant 64 : i32
    %mul3A_2 = arith.muli %add3A, %mul3A_1 : i32
    "tpu.region"() ({
      %run_scoped3A = tpu.sem_alloc : memref<!tpu.dma_semaphore, #tpu.memory_space<semaphore_mem>>
      %dma_start3A_13 = tpu.memref_slice %arg3[%mul3A_2] : memref<2048xi32, #tpu.memory_space<hbm>> -> memref<64xi32, #tpu.memory_space<hbm>>
      %dma_start3A_14 = tpu.memref_slice %arg3[%mul3A_2] : memref<2048xi32, #tpu.memory_space<hbm>> -> memref<64xi32, #tpu.memory_space<hbm>>
      tpu.enqueue_dma source(%dma_start3A_14 : memref<64xi32, #tpu.memory_space<hbm>>) target(%arg7 : memref<64xi32, #tpu.memory_space<vmem>>) target_semaphore(%run_scoped3A : memref<!tpu.dma_semaphore, #tpu.memory_space<semaphore_mem>>)
      %dma_wait3A_15 = tpu.memref_slice %arg3[%mul3A_2] : memref<2048xi32, #tpu.memory_space<hbm>> -> memref<64xi32, #tpu.memory_space<hbm>>
      %dma_wait3A_16 = tpu.memref_slice %arg3[%mul3A_2] : memref<2048xi32, #tpu.memory_space<hbm>> -> memref<64xi32, #tpu.memory_space<hbm>>
      tpu.wait_dma2 semaphore(%run_scoped3A : memref<!tpu.dma_semaphore, #tpu.memory_space<semaphore_mem>>) src(%dma_wait3A_16 : memref<64xi32, #tpu.memory_space<hbm>>) dst(%arg7 : memref<64xi32, #tpu.memory_space<vmem>>)
      tpu.yield
    }) : () -> ()
    "tpu.region"() ({
      %run_scoped3A = tpu.sem_alloc : memref<!tpu.dma_semaphore, #tpu.memory_space<semaphore_mem>>
      %dma_start3A_13 = tpu.memref_slice %arg4[%mul3A_2] : memref<2048xi32, #tpu.memory_space<hbm>> -> memref<64xi32, #tpu.memory_space<hbm>>
      %dma_start3A_14 = tpu.memref_slice %arg4[%mul3A_2] : memref<2048xi32, #tpu.memory_space<hbm>> -> memref<64xi32, #tpu.memory_space<hbm>>
      tpu.enqueue_dma source(%dma_start3A_14 : memref<64xi32, #tpu.memory_space<hbm>>) target(%arg8 : memref<64xi32, #tpu.memory_space<vmem>>) target_semaphore(%run_scoped3A : memref<!tpu.dma_semaphore, #tpu.memory_space<semaphore_mem>>)
      %dma_wait3A_15 = tpu.memref_slice %arg4[%mul3A_2] : memref<2048xi32, #tpu.memory_space<hbm>> -> memref<64xi32, #tpu.memory_space<hbm>>
      %dma_wait3A_16 = tpu.memref_slice %arg4[%mul3A_2] : memref<2048xi32, #tpu.memory_space<hbm>> -> memref<64xi32, #tpu.memory_space<hbm>>
      tpu.wait_dma2 semaphore(%run_scoped3A : memref<!tpu.dma_semaphore, #tpu.memory_space<semaphore_mem>>) src(%dma_wait3A_16 : memref<64xi32, #tpu.memory_space<hbm>>) dst(%arg8 : memref<64xi32, #tpu.memory_space<vmem>>)
      tpu.yield
    }) : () -> ()
    %dma_start3A = arith.constant 0 : i32
    %dma_start3A_3 = arith.constant 0 : i32
    %dma_start3A_4 = tpu.memref_slice %arg2[%dma_start3A, %dma_start3A_3] : memref<6400x1024xf32, #tpu.memory_space<hbm>> -> memref<6400x1024xf32, #tpu.memory_space<hbm>>
    tpu.enqueue_indirect_dma source(%dma_start3A_4 : memref<6400x1024xf32, #tpu.memory_space<hbm>>) target(%arg9 : memref<64x1024xf32, #tpu.memory_space<vmem>>) offsets(%arg7 : memref<64xi32, #tpu.memory_space<vmem>>) semaphore(%arg10 : memref<!tpu.dma_semaphore, #tpu.memory_space<semaphore_mem>>)
    %dma_wait3A = arith.constant 0 : i32
    %dma_wait3A_5 = arith.constant 0 : i32
    %dma_wait3A_6 = tpu.memref_slice %arg2[%dma_wait3A, %dma_wait3A_5] : memref<6400x1024xf32, #tpu.memory_space<hbm>> -> memref<6400x1024xf32, #tpu.memory_space<hbm>>
    tpu.wait_indirect_dma semaphore(%arg10 : memref<!tpu.dma_semaphore, #tpu.memory_space<semaphore_mem>>) src(%dma_wait3A_6 : memref<6400x1024xf32, #tpu.memory_space<hbm>>) dst(%arg9 : memref<64x1024xf32, #tpu.memory_space<vmem>>)
    "tpu.region"() ({
      %run_scoped3A = tpu.sem_alloc : memref<!tpu.dma_semaphore, #tpu.memory_space<semaphore_mem>>
      %dma_start3A_13 = arith.constant 0 : i32
      %dma_start3A_14 = tpu.memref_slice %arg5[%mul3A_2, %dma_start3A_13] : memref<2048x1024xf32, #tpu.memory_space<hbm>> -> memref<64x1024xf32, #tpu.memory_space<hbm>>
      %dma_start3A_15 = arith.constant 0 : i32
      %dma_start3A_16 = tpu.memref_slice %arg5[%mul3A_2, %dma_start3A_15] : memref<2048x1024xf32, #tpu.memory_space<hbm>> -> memref<64x1024xf32, #tpu.memory_space<hbm>>
      tpu.enqueue_dma source(%arg9 : memref<64x1024xf32, #tpu.memory_space<vmem>>) target(%dma_start3A_16 : memref<64x1024xf32, #tpu.memory_space<hbm>>) target_semaphore(%run_scoped3A : memref<!tpu.dma_semaphore, #tpu.memory_space<semaphore_mem>>)
      %dma_wait3A_17 = arith.constant 0 : i32
      %dma_wait3A_18 = tpu.memref_slice %arg5[%mul3A_2, %dma_wait3A_17] : memref<2048x1024xf32, #tpu.memory_space<hbm>> -> memref<64x1024xf32, #tpu.memory_space<hbm>>
      %dma_wait3A_19 = arith.constant 0 : i32
      %dma_wait3A_20 = tpu.memref_slice %arg5[%mul3A_2, %dma_wait3A_19] : memref<2048x1024xf32, #tpu.memory_space<hbm>> -> memref<64x1024xf32, #tpu.memory_space<hbm>>
      tpu.wait_dma2 semaphore(%run_scoped3A : memref<!tpu.dma_semaphore, #tpu.memory_space<semaphore_mem>>) src(%arg9 : memref<64x1024xf32, #tpu.memory_space<vmem>>) dst(%dma_wait3A_20 : memref<64x1024xf32, #tpu.memory_space<hbm>>)
      tpu.yield
    }) : () -> ()
    %dma_start3A_7 = arith.constant 0 : i32
    %dma_start3A_8 = arith.constant 0 : i32
    %dma_start3A_9 = tpu.memref_slice %arg2[%dma_start3A_7, %dma_start3A_8] : memref<6400x1024xf32, #tpu.memory_space<hbm>> -> memref<6400x1024xf32, #tpu.memory_space<hbm>>
    tpu.enqueue_indirect_dma source(%dma_start3A_9 : memref<6400x1024xf32, #tpu.memory_space<hbm>>) target(%arg9 : memref<64x1024xf32, #tpu.memory_space<vmem>>) offsets(%arg8 : memref<64xi32, #tpu.memory_space<vmem>>) semaphore(%arg10 : memref<!tpu.dma_semaphore, #tpu.memory_space<semaphore_mem>>)
    %dma_wait3A_10 = arith.constant 0 : i32
    %dma_wait3A_11 = arith.constant 0 : i32
    %dma_wait3A_12 = tpu.memref_slice %arg2[%dma_wait3A_10, %dma_wait3A_11] : memref<6400x1024xf32, #tpu.memory_space<hbm>> -> memref<6400x1024xf32, #tpu.memory_space<hbm>>
    tpu.wait_indirect_dma semaphore(%arg10 : memref<!tpu.dma_semaphore, #tpu.memory_space<semaphore_mem>>) src(%dma_wait3A_12 : memref<6400x1024xf32, #tpu.memory_space<hbm>>) dst(%arg9 : memref<64x1024xf32, #tpu.memory_space<vmem>>)
    "tpu.region"() ({
      %run_scoped3A = tpu.sem_alloc : memref<!tpu.dma_semaphore, #tpu.memory_space<semaphore_mem>>
      %dma_start3A_13 = arith.constant 0 : i32
      %dma_start3A_14 = tpu.memref_slice %arg6[%mul3A_2, %dma_start3A_13] : memref<2048x1024xf32, #tpu.memory_space<hbm>> -> memref<64x1024xf32, #tpu.memory_space<hbm>>
      %dma_start3A_15 = arith.constant 0 : i32
      %dma_start3A_16 = tpu.memref_slice %arg6[%mul3A_2, %dma_start3A_15] : memref<2048x1024xf32, #tpu.memory_space<hbm>> -> memref<64x1024xf32, #tpu.memory_space<hbm>>
      tpu.enqueue_dma source(%arg9 : memref<64x1024xf32, #tpu.memory_space<vmem>>) target(%dma_start3A_16 : memref<64x1024xf32, #tpu.memory_space<hbm>>) target_semaphore(%run_scoped3A : memref<!tpu.dma_semaphore, #tpu.memory_space<semaphore_mem>>)
      %dma_wait3A_17 = arith.constant 0 : i32
      %dma_wait3A_18 = tpu.memref_slice %arg6[%mul3A_2, %dma_wait3A_17] : memref<2048x1024xf32, #tpu.memory_space<hbm>> -> memref<64x1024xf32, #tpu.memory_space<hbm>>
      %dma_wait3A_19 = arith.constant 0 : i32
      %dma_wait3A_20 = tpu.memref_slice %arg6[%mul3A_2, %dma_wait3A_19] : memref<2048x1024xf32, #tpu.memory_space<hbm>> -> memref<64x1024xf32, #tpu.memory_space<hbm>>
      tpu.wait_dma2 semaphore(%run_scoped3A : memref<!tpu.dma_semaphore, #tpu.memory_space<semaphore_mem>>) src(%arg9 : memref<64x1024xf32, #tpu.memory_space<vmem>>) dst(%dma_wait3A_20 : memref<64x1024xf32, #tpu.memory_space<hbm>>)
      tpu.yield
    }) : () -> ()
    return
  }
}

#map = affine_map<(d0, d1) -> (0, 0)>
#map1 = affine_map<(d0, d1) -> (0)>
module attributes {stable_mosaic.version = 14 : i64} {
  func.func @sc_scatter(%arg0: i32, %arg1: i32, %arg2: memref<2048x1024xf32, #tpu.memory_space<hbm>>, %arg3: memref<2048xi32, #tpu.memory_space<hbm>>, %arg4: memref<2048xi32, #tpu.memory_space<hbm>>, %arg5: memref<6400x1024xf32, #tpu.memory_space<hbm>>, %arg6: memref<64xi32, #tpu.memory_space<vmem>>, %arg7: memref<64xi32, #tpu.memory_space<vmem>>, %arg8: memref<64x1024xf32, #tpu.memory_space<vmem>>, %arg9: memref<!tpu.dma_semaphore, #tpu.memory_space<semaphore_mem>>) attributes {dimension_semantics = [#tpu.dimension_semantics<core_parallel>, #tpu.dimension_semantics<subcore_parallel>], iteration_bounds = array<i64: 2, 16>, scalar_prefetch = 0 : i64, scratch_operands = 4 : i64, tpu.core_type = #tpu.core_type<sc_vector_subcore>, window_params = [{transform_indices = #map}, {transform_indices = #map1}, {transform_indices = #map1}, {transform_indices = #map}]} {
    %mul3A = arith.constant 2 : i32
    %mul3A_0 = arith.muli %arg1, %mul3A : i32
    %add3A = arith.addi %mul3A_0, %arg0 : i32
    %mul3A_1 = arith.constant 64 : i32
    %mul3A_2 = arith.muli %add3A, %mul3A_1 : i32
    "tpu.region"() ({
      %run_scoped3A = tpu.sem_alloc : memref<!tpu.dma_semaphore, #tpu.memory_space<semaphore_mem>>
      %dma_start3A_13 = tpu.memref_slice %arg3[%mul3A_2] : memref<2048xi32, #tpu.memory_space<hbm>> -> memref<64xi32, #tpu.memory_space<hbm>>
      %dma_start3A_14 = tpu.memref_slice %arg3[%mul3A_2] : memref<2048xi32, #tpu.memory_space<hbm>> -> memref<64xi32, #tpu.memory_space<hbm>>
      tpu.enqueue_dma source(%dma_start3A_14 : memref<64xi32, #tpu.memory_space<hbm>>) target(%arg6 : memref<64xi32, #tpu.memory_space<vmem>>) target_semaphore(%run_scoped3A : memref<!tpu.dma_semaphore, #tpu.memory_space<semaphore_mem>>)
      %dma_wait3A_15 = tpu.memref_slice %arg3[%mul3A_2] : memref<2048xi32, #tpu.memory_space<hbm>> -> memref<64xi32, #tpu.memory_space<hbm>>
      %dma_wait3A_16 = tpu.memref_slice %arg3[%mul3A_2] : memref<2048xi32, #tpu.memory_space<hbm>> -> memref<64xi32, #tpu.memory_space<hbm>>
      tpu.wait_dma2 semaphore(%run_scoped3A : memref<!tpu.dma_semaphore, #tpu.memory_space<semaphore_mem>>) src(%dma_wait3A_16 : memref<64xi32, #tpu.memory_space<hbm>>) dst(%arg6 : memref<64xi32, #tpu.memory_space<vmem>>)
      tpu.yield
    }) : () -> ()
    "tpu.region"() ({
      %run_scoped3A = tpu.sem_alloc : memref<!tpu.dma_semaphore, #tpu.memory_space<semaphore_mem>>
      %dma_start3A_13 = tpu.memref_slice %arg4[%mul3A_2] : memref<2048xi32, #tpu.memory_space<hbm>> -> memref<64xi32, #tpu.memory_space<hbm>>
      %dma_start3A_14 = tpu.memref_slice %arg4[%mul3A_2] : memref<2048xi32, #tpu.memory_space<hbm>> -> memref<64xi32, #tpu.memory_space<hbm>>
      tpu.enqueue_dma source(%dma_start3A_14 : memref<64xi32, #tpu.memory_space<hbm>>) target(%arg7 : memref<64xi32, #tpu.memory_space<vmem>>) target_semaphore(%run_scoped3A : memref<!tpu.dma_semaphore, #tpu.memory_space<semaphore_mem>>)
      %dma_wait3A_15 = tpu.memref_slice %arg4[%mul3A_2] : memref<2048xi32, #tpu.memory_space<hbm>> -> memref<64xi32, #tpu.memory_space<hbm>>
      %dma_wait3A_16 = tpu.memref_slice %arg4[%mul3A_2] : memref<2048xi32, #tpu.memory_space<hbm>> -> memref<64xi32, #tpu.memory_space<hbm>>
      tpu.wait_dma2 semaphore(%run_scoped3A : memref<!tpu.dma_semaphore, #tpu.memory_space<semaphore_mem>>) src(%dma_wait3A_16 : memref<64xi32, #tpu.memory_space<hbm>>) dst(%arg7 : memref<64xi32, #tpu.memory_space<vmem>>)
      tpu.yield
    }) : () -> ()
    "tpu.region"() ({
      %run_scoped3A = tpu.sem_alloc : memref<!tpu.dma_semaphore, #tpu.memory_space<semaphore_mem>>
      %dma_start3A_13 = arith.constant 0 : i32
      %dma_start3A_14 = tpu.memref_slice %arg2[%mul3A_2, %dma_start3A_13] : memref<2048x1024xf32, #tpu.memory_space<hbm>> -> memref<64x1024xf32, #tpu.memory_space<hbm>>
      %dma_start3A_15 = arith.constant 0 : i32
      %dma_start3A_16 = tpu.memref_slice %arg2[%mul3A_2, %dma_start3A_15] : memref<2048x1024xf32, #tpu.memory_space<hbm>> -> memref<64x1024xf32, #tpu.memory_space<hbm>>
      tpu.enqueue_dma source(%dma_start3A_16 : memref<64x1024xf32, #tpu.memory_space<hbm>>) target(%arg8 : memref<64x1024xf32, #tpu.memory_space<vmem>>) target_semaphore(%run_scoped3A : memref<!tpu.dma_semaphore, #tpu.memory_space<semaphore_mem>>)
      %dma_wait3A_17 = arith.constant 0 : i32
      %dma_wait3A_18 = tpu.memref_slice %arg2[%mul3A_2, %dma_wait3A_17] : memref<2048x1024xf32, #tpu.memory_space<hbm>> -> memref<64x1024xf32, #tpu.memory_space<hbm>>
      %dma_wait3A_19 = arith.constant 0 : i32
      %dma_wait3A_20 = tpu.memref_slice %arg2[%mul3A_2, %dma_wait3A_19] : memref<2048x1024xf32, #tpu.memory_space<hbm>> -> memref<64x1024xf32, #tpu.memory_space<hbm>>
      tpu.wait_dma2 semaphore(%run_scoped3A : memref<!tpu.dma_semaphore, #tpu.memory_space<semaphore_mem>>) src(%dma_wait3A_20 : memref<64x1024xf32, #tpu.memory_space<hbm>>) dst(%arg8 : memref<64x1024xf32, #tpu.memory_space<vmem>>)
      tpu.yield
    }) : () -> ()
    %dma_start3A = arith.constant 0 : i32
    %dma_start3A_3 = arith.constant 0 : i32
    %dma_start3A_4 = tpu.memref_slice %arg5[%dma_start3A, %dma_start3A_3] : memref<6400x1024xf32, #tpu.memory_space<hbm>> -> memref<6400x1024xf32, #tpu.memory_space<hbm>>
    tpu.enqueue_indirect_dma source(%arg8 : memref<64x1024xf32, #tpu.memory_space<vmem>>) target(%dma_start3A_4 : memref<6400x1024xf32, #tpu.memory_space<hbm>>) offsets(%arg6 : memref<64xi32, #tpu.memory_space<vmem>>) semaphore(%arg9 : memref<!tpu.dma_semaphore, #tpu.memory_space<semaphore_mem>>)
    %dma_start3A_5 = arith.constant 0 : i32
    %dma_start3A_6 = arith.constant 0 : i32
    %dma_start3A_7 = tpu.memref_slice %arg5[%dma_start3A_5, %dma_start3A_6] : memref<6400x1024xf32, #tpu.memory_space<hbm>> -> memref<6400x1024xf32, #tpu.memory_space<hbm>>
    tpu.enqueue_indirect_dma source(%arg8 : memref<64x1024xf32, #tpu.memory_space<vmem>>) target(%dma_start3A_7 : memref<6400x1024xf32, #tpu.memory_space<hbm>>) offsets(%arg7 : memref<64xi32, #tpu.memory_space<vmem>>) semaphore(%arg9 : memref<!tpu.dma_semaphore, #tpu.memory_space<semaphore_mem>>)
    %dma_wait3A = arith.constant 0 : i32
    %dma_wait3A_8 = arith.constant 0 : i32
    %dma_wait3A_9 = tpu.memref_slice %arg5[%dma_wait3A, %dma_wait3A_8] : memref<6400x1024xf32, #tpu.memory_space<hbm>> -> memref<6400x1024xf32, #tpu.memory_space<hbm>>
    tpu.wait_indirect_dma semaphore(%arg9 : memref<!tpu.dma_semaphore, #tpu.memory_space<semaphore_mem>>) src(%arg8 : memref<64x1024xf32, #tpu.memory_space<vmem>>) dst(%dma_wait3A_9 : memref<6400x1024xf32, #tpu.memory_space<hbm>>)
    %dma_wait3A_10 = arith.constant 0 : i32
    %dma_wait3A_11 = arith.constant 0 : i32
    %dma_wait3A_12 = tpu.memref_slice %arg5[%dma_wait3A_10, %dma_wait3A_11] : memref<6400x1024xf32, #tpu.memory_space<hbm>> -> memref<6400x1024xf32, #tpu.memory_space<hbm>>
    tpu.wait_indirect_dma semaphore(%arg9 : memref<!tpu.dma_semaphore, #tpu.memory_space<semaphore_mem>>) src(%arg8 : memref<64x1024xf32, #tpu.memory_space<vmem>>) dst(%dma_wait3A_12 : memref<6400x1024xf32, #tpu.memory_space<hbm>>)
    return
  }
}

module attributes {stable_mosaic.version = 14 : i64} {
  func.func @_attn_kernel(%arg0: i32, %arg1: i32, %arg2: memref<256x128xf32, #tpu.memory_space<vmem>>, %arg3: memref<256x128xf32, #tpu.memory_space<vmem>>, %arg4: memref<1x2048x64xf32, #tpu.memory_space<vmem>>, %arg5: memref<1x2048x64xf32, #tpu.memory_space<vmem>>, %arg6: memref<256x256xf32, #tpu.memory_space<vmem>>) attributes {dimension_semantics = [#tpu.dimension_semantics<arbitrary>, #tpu.dimension_semantics<arbitrary>], iteration_bounds = array<i64: 4, 8>, scalar_prefetch = 0 : i64, scratch_operands = 0 : i64, tpu.core_type = #tpu.core_type<tc>, window_params = [{transform_indices = @transform_0, window_bounds = array<i64: 256, 128>}, {transform_indices = @transform_1, window_bounds = array<i64: 256, 128>}, {transform_indices = @transform_2, window_bounds = array<i64: 1, 2048, 64>}, {transform_indices = @transform_3, window_bounds = array<i64: 1, 2048, 64>}, {transform_indices = @transform_4, window_bounds = array<i64: 256, 256>}]} {
    %get3A = arith.constant 0 : index
    %get3A_0 = arith.constant 0 : index
    %get3A_1 = vector.load %arg2[%get3A, %get3A_0] : memref<256x128xf32, #tpu.memory_space<vmem>>, vector<256x32xf32>
    %get3A_2 = arith.constant 0 : index
    %get3A_3 = arith.constant 0 : index
    %get3A_4 = vector.load %arg3[%get3A_2, %get3A_3] : memref<256x128xf32, #tpu.memory_space<vmem>>, vector<256x32xf32>
    %concatenate3A = tpu.concatenate %get3A_1, %get3A_4 in 1 : vector<256x32xf32>, vector<256x32xf32> -> vector<256x64xf32>
    %mul3A = arith.constant 1.250000e-01 : f32
    %mul3A_5 = vector.broadcast %mul3A : f32 to vector<256x64xf32>
    %mul3A_6 = arith.mulf %concatenate3A, %mul3A_5 : vector<256x64xf32>
    %get3A_7 = arith.constant 0 : index
    %get3A_8 = arith.constant 32 : index
    %get3A_9 = vector.load %arg2[%get3A_7, %get3A_8] : memref<256x128xf32, #tpu.memory_space<vmem>>, vector<256x32xf32>
    %get3A_10 = arith.constant 0 : index
    %get3A_11 = arith.constant 32 : index
    %get3A_12 = vector.load %arg3[%get3A_10, %get3A_11] : memref<256x128xf32, #tpu.memory_space<vmem>>, vector<256x32xf32>
    %concatenate3A_13 = tpu.concatenate %get3A_9, %get3A_12 in 1 : vector<256x32xf32>, vector<256x32xf32> -> vector<256x64xf32>
    %mul3A_14 = arith.constant 1.250000e-01 : f32
    %mul3A_15 = vector.broadcast %mul3A_14 : f32 to vector<256x64xf32>
    %mul3A_16 = arith.mulf %concatenate3A_13, %mul3A_15 : vector<256x64xf32>
    %get3A_17 = arith.constant 0 : index
    %get3A_18 = arith.constant 64 : index
    %get3A_19 = vector.load %arg2[%get3A_17, %get3A_18] : memref<256x128xf32, #tpu.memory_space<vmem>>, vector<256x32xf32>
    %get3A_20 = arith.constant 0 : index
    %get3A_21 = arith.constant 64 : index
    %get3A_22 = vector.load %arg3[%get3A_20, %get3A_21] : memref<256x128xf32, #tpu.memory_space<vmem>>, vector<256x32xf32>
    %concatenate3A_23 = tpu.concatenate %get3A_19, %get3A_22 in 1 : vector<256x32xf32>, vector<256x32xf32> -> vector<256x64xf32>
    %mul3A_24 = arith.constant 1.250000e-01 : f32
    %mul3A_25 = vector.broadcast %mul3A_24 : f32 to vector<256x64xf32>
    %mul3A_26 = arith.mulf %concatenate3A_23, %mul3A_25 : vector<256x64xf32>
    %get3A_27 = arith.constant 0 : index
    %get3A_28 = arith.constant 96 : index
    %get3A_29 = vector.load %arg2[%get3A_27, %get3A_28] : memref<256x128xf32, #tpu.memory_space<vmem>>, vector<256x32xf32>
    %get3A_30 = arith.constant 0 : index
    %get3A_31 = arith.constant 96 : index
    %get3A_32 = vector.load %arg3[%get3A_30, %get3A_31] : memref<256x128xf32, #tpu.memory_space<vmem>>, vector<256x32xf32>
    %concatenate3A_33 = tpu.concatenate %get3A_29, %get3A_32 in 1 : vector<256x32xf32>, vector<256x32xf32> -> vector<256x64xf32>
    %mul3A_34 = arith.constant 1.250000e-01 : f32
    %mul3A_35 = vector.broadcast %mul3A_34 : f32 to vector<256x64xf32>
    %mul3A_36 = arith.mulf %concatenate3A_33, %mul3A_35 : vector<256x64xf32>
    %broadcast_in_dim3A = arith.constant 0.000000e+00 : f32
    %broadcast_in_dim3A_37 = vector.broadcast %broadcast_in_dim3A : f32 to vector<256x64xf32>
    %broadcast_in_dim3A_38 = arith.constant 0.000000e+00 : f32
    %broadcast_in_dim3A_39 = vector.broadcast %broadcast_in_dim3A_38 : f32 to vector<256x64xf32>
    %broadcast_in_dim3A_40 = arith.constant 0.000000e+00 : f32
    %broadcast_in_dim3A_41 = vector.broadcast %broadcast_in_dim3A_40 : f32 to vector<256x64xf32>
    %broadcast_in_dim3A_42 = arith.constant 0.000000e+00 : f32
    %broadcast_in_dim3A_43 = vector.broadcast %broadcast_in_dim3A_42 : f32 to vector<256x64xf32>
    %broadcast_in_dim3A_44 = arith.constant 0.000000e+00 : f32
    %broadcast_in_dim3A_45 = vector.broadcast %broadcast_in_dim3A_44 : f32 to vector<256x1xf32>
    %broadcast_in_dim3A_46 = arith.constant 0.000000e+00 : f32
    %broadcast_in_dim3A_47 = vector.broadcast %broadcast_in_dim3A_46 : f32 to vector<256x1xf32>
    %broadcast_in_dim3A_48 = arith.constant 0.000000e+00 : f32
    %broadcast_in_dim3A_49 = vector.broadcast %broadcast_in_dim3A_48 : f32 to vector<256x1xf32>
    %broadcast_in_dim3A_50 = arith.constant 0.000000e+00 : f32
    %broadcast_in_dim3A_51 = vector.broadcast %broadcast_in_dim3A_50 : f32 to vector<256x1xf32>
    %while3A = arith.constant 0 : i32
    %while3A_52 = arith.subi %arg1, %while3A : i32
    %while3A_53 = arith.addi %while3A, %while3A_52 : i32
    %while3A_54 = arith.constant 1 : i32
    %while3A_55 = arith.divsi %while3A_52, %while3A_54 : i32
    %while3A_56 = arith.muli %while3A_55, %while3A_54 : i32
    %while3A_57 = arith.addi %while3A, %while3A_56 : i32
    %while3A_58 = arith.constant 1 : i32
    %while3A_59:8 = scf.for %while3A_133 = %while3A to %while3A_57 step %while3A_58 iter_args(%while3A_134 = %broadcast_in_dim3A_37, %while3A_135 = %broadcast_in_dim3A_39, %while3A_136 = %broadcast_in_dim3A_41, %while3A_137 = %broadcast_in_dim3A_43, %while3A_138 = %broadcast_in_dim3A_45, %while3A_139 = %broadcast_in_dim3A_47, %while3A_140 = %broadcast_in_dim3A_49, %while3A_141 = %broadcast_in_dim3A_51) -> (vector<256x64xf32>, vector<256x64xf32>, vector<256x64xf32>, vector<256x64xf32>, vector<256x1xf32>, vector<256x1xf32>, vector<256x1xf32>, vector<256x1xf32>)  : i32 {
      %mul3A_142 = arith.constant 256 : i32
      %mul3A_143 = arith.muli %while3A_133, %mul3A_142 : i32
      %get3A_144 = arith.constant 0 : index
      %get3A_145 = arith.index_cast %mul3A_143 : i32 to index
      %get3A_146 = arith.constant 0 : index
      %get3A_147 = vector.load %arg4[%get3A_144, %get3A_145, %get3A_146] : memref<1x2048x64xf32, #tpu.memory_space<vmem>>, vector<1x256x64xf32>
      %get3A_148 = vector.shape_cast %get3A_147 : vector<1x256x64xf32> to vector<256x64xf32>
      %mul3A_149 = arith.constant 256 : i32
      %mul3A_150 = arith.muli %while3A_133, %mul3A_149 : i32
      %get3A_151 = arith.constant 0 : index
      %get3A_152 = arith.index_cast %mul3A_150 : i32 to index
      %get3A_153 = arith.constant 0 : index
      %get3A_154 = vector.load %arg5[%get3A_151, %get3A_152, %get3A_153] : memref<1x2048x64xf32, #tpu.memory_space<vmem>>, vector<1x256x64xf32>
      %get3A_155 = vector.shape_cast %get3A_154 : vector<1x256x64xf32> to vector<256x64xf32>
      %dot_general3A_156 = arith.constant dense<0.000000e+00> : vector<256x256xf32>
      %dot_general3A_157 = tpu.matmul %mul3A_6, %get3A_148, %dot_general3A_156 {dimension_numbers = #tpu.dot_dimension_numbers<[1], [1], [0], [0], [0, 0, 1, 0], [], []>, transpose_lhs_hint = false} : vector<256x64xf32>, vector<256x64xf32>, vector<256x256xf32> -> vector<256x256xf32>
      %exp3A_158 = math.exp %dot_general3A_157 : vector<256x256xf32>
      %reduce_sum3A_159 = arith.constant dense<0.000000e+00> : vector<256xf32>
      %reduce_sum3A_160 = vector.multi_reduction <add>, %exp3A_158, %reduce_sum3A_159 [1] : vector<256x256xf32> to vector<256xf32>
      %broadcast_in_dim3A_161 = vector.shape_cast %reduce_sum3A_160 : vector<256xf32> to vector<256x1xf32>
      %add3A_162 = arith.addf %while3A_138, %broadcast_in_dim3A_161 : vector<256x1xf32>
      %dot_general3A_163 = arith.constant dense<0.000000e+00> : vector<256x64xf32>
      %dot_general3A_164 = tpu.matmul %exp3A_158, %get3A_155, %dot_general3A_163 {dimension_numbers = #tpu.dot_dimension_numbers<[1], [0], [0], [1], [0, 0, 1, 1], [], []>, transpose_lhs_hint = false} : vector<256x256xf32>, vector<256x64xf32>, vector<256x64xf32> -> vector<256x64xf32>
      %add3A_165 = arith.addf %while3A_134, %dot_general3A_164 : vector<256x64xf32>
      %dot_general3A_166 = arith.constant dense<0.000000e+00> : vector<256x256xf32>
      %dot_general3A_167 = tpu.matmul %mul3A_16, %get3A_148, %dot_general3A_166 {dimension_numbers = #tpu.dot_dimension_numbers<[1], [1], [0], [0], [0, 0, 1, 0], [], []>, transpose_lhs_hint = false} : vector<256x64xf32>, vector<256x64xf32>, vector<256x256xf32> -> vector<256x256xf32>
      %exp3A_168 = math.exp %dot_general3A_167 : vector<256x256xf32>
      %reduce_sum3A_169 = arith.constant dense<0.000000e+00> : vector<256xf32>
      %reduce_sum3A_170 = vector.multi_reduction <add>, %exp3A_168, %reduce_sum3A_169 [1] : vector<256x256xf32> to vector<256xf32>
      %broadcast_in_dim3A_171 = vector.shape_cast %reduce_sum3A_170 : vector<256xf32> to vector<256x1xf32>
      %add3A_172 = arith.addf %while3A_139, %broadcast_in_dim3A_171 : vector<256x1xf32>
      %dot_general3A_173 = arith.constant dense<0.000000e+00> : vector<256x64xf32>
      %dot_general3A_174 = tpu.matmul %exp3A_168, %get3A_155, %dot_general3A_173 {dimension_numbers = #tpu.dot_dimension_numbers<[1], [0], [0], [1], [0, 0, 1, 1], [], []>, transpose_lhs_hint = false} : vector<256x256xf32>, vector<256x64xf32>, vector<256x64xf32> -> vector<256x64xf32>
      %add3A_175 = arith.addf %while3A_135, %dot_general3A_174 : vector<256x64xf32>
      %dot_general3A_176 = arith.constant dense<0.000000e+00> : vector<256x256xf32>
      %dot_general3A_177 = tpu.matmul %mul3A_26, %get3A_148, %dot_general3A_176 {dimension_numbers = #tpu.dot_dimension_numbers<[1], [1], [0], [0], [0, 0, 1, 0], [], []>, transpose_lhs_hint = false} : vector<256x64xf32>, vector<256x64xf32>, vector<256x256xf32> -> vector<256x256xf32>
      %exp3A_178 = math.exp %dot_general3A_177 : vector<256x256xf32>
      %reduce_sum3A_179 = arith.constant dense<0.000000e+00> : vector<256xf32>
      %reduce_sum3A_180 = vector.multi_reduction <add>, %exp3A_178, %reduce_sum3A_179 [1] : vector<256x256xf32> to vector<256xf32>
      %broadcast_in_dim3A_181 = vector.shape_cast %reduce_sum3A_180 : vector<256xf32> to vector<256x1xf32>
      %add3A_182 = arith.addf %while3A_140, %broadcast_in_dim3A_181 : vector<256x1xf32>
      %dot_general3A_183 = arith.constant dense<0.000000e+00> : vector<256x64xf32>
      %dot_general3A_184 = tpu.matmul %exp3A_178, %get3A_155, %dot_general3A_183 {dimension_numbers = #tpu.dot_dimension_numbers<[1], [0], [0], [1], [0, 0, 1, 1], [], []>, transpose_lhs_hint = false} : vector<256x256xf32>, vector<256x64xf32>, vector<256x64xf32> -> vector<256x64xf32>
      %add3A_185 = arith.addf %while3A_136, %dot_general3A_184 : vector<256x64xf32>
      %dot_general3A_186 = arith.constant dense<0.000000e+00> : vector<256x256xf32>
      %dot_general3A_187 = tpu.matmul %mul3A_36, %get3A_148, %dot_general3A_186 {dimension_numbers = #tpu.dot_dimension_numbers<[1], [1], [0], [0], [0, 0, 1, 0], [], []>, transpose_lhs_hint = false} : vector<256x64xf32>, vector<256x64xf32>, vector<256x256xf32> -> vector<256x256xf32>
      %exp3A_188 = math.exp %dot_general3A_187 : vector<256x256xf32>
      %reduce_sum3A_189 = arith.constant dense<0.000000e+00> : vector<256xf32>
      %reduce_sum3A_190 = vector.multi_reduction <add>, %exp3A_188, %reduce_sum3A_189 [1] : vector<256x256xf32> to vector<256xf32>
      %broadcast_in_dim3A_191 = vector.shape_cast %reduce_sum3A_190 : vector<256xf32> to vector<256x1xf32>
      %add3A_192 = arith.addf %while3A_141, %broadcast_in_dim3A_191 : vector<256x1xf32>
      %dot_general3A_193 = arith.constant dense<0.000000e+00> : vector<256x64xf32>
      %dot_general3A_194 = tpu.matmul %exp3A_188, %get3A_155, %dot_general3A_193 {dimension_numbers = #tpu.dot_dimension_numbers<[1], [0], [0], [1], [0, 0, 1, 1], [], []>, transpose_lhs_hint = false} : vector<256x256xf32>, vector<256x64xf32>, vector<256x64xf32> -> vector<256x64xf32>
      %add3A_195 = arith.addf %while3A_137, %dot_general3A_194 : vector<256x64xf32>
      scf.yield %add3A_165, %add3A_175, %add3A_185, %add3A_195, %add3A_162, %add3A_172, %add3A_182, %add3A_192 : vector<256x64xf32>, vector<256x64xf32>, vector<256x64xf32>, vector<256x64xf32>, vector<256x1xf32>, vector<256x1xf32>, vector<256x1xf32>, vector<256x1xf32>
    }
    %while3A_60 = arith.constant 1 : i32
    %while3A_61:8 = scf.for %while3A_133 = %while3A_57 to %while3A_53 step %while3A_60 iter_args(%while3A_134 = %while3A_59#0, %while3A_135 = %while3A_59#1, %while3A_136 = %while3A_59#2, %while3A_137 = %while3A_59#3, %while3A_138 = %while3A_59#4, %while3A_139 = %while3A_59#5, %while3A_140 = %while3A_59#6, %while3A_141 = %while3A_59#7) -> (vector<256x64xf32>, vector<256x64xf32>, vector<256x64xf32>, vector<256x64xf32>, vector<256x1xf32>, vector<256x1xf32>, vector<256x1xf32>, vector<256x1xf32>)  : i32 {
      %mul3A_142 = arith.constant 256 : i32
      %mul3A_143 = arith.muli %while3A_133, %mul3A_142 : i32
      %get3A_144 = arith.constant 0 : index
      %get3A_145 = arith.index_cast %mul3A_143 : i32 to index
      %get3A_146 = arith.constant 0 : index
      %get3A_147 = vector.load %arg4[%get3A_144, %get3A_145, %get3A_146] : memref<1x2048x64xf32, #tpu.memory_space<vmem>>, vector<1x256x64xf32>
      %get3A_148 = vector.shape_cast %get3A_147 : vector<1x256x64xf32> to vector<256x64xf32>
      %mul3A_149 = arith.constant 256 : i32
      %mul3A_150 = arith.muli %while3A_133, %mul3A_149 : i32
      %get3A_151 = arith.constant 0 : index
      %get3A_152 = arith.index_cast %mul3A_150 : i32 to index
      %get3A_153 = arith.constant 0 : index
      %get3A_154 = vector.load %arg5[%get3A_151, %get3A_152, %get3A_153] : memref<1x2048x64xf32, #tpu.memory_space<vmem>>, vector<1x256x64xf32>
      %get3A_155 = vector.shape_cast %get3A_154 : vector<1x256x64xf32> to vector<256x64xf32>
      %dot_general3A_156 = arith.constant dense<0.000000e+00> : vector<256x256xf32>
      %dot_general3A_157 = tpu.matmul %mul3A_6, %get3A_148, %dot_general3A_156 {dimension_numbers = #tpu.dot_dimension_numbers<[1], [1], [0], [0], [0, 0, 1, 0], [], []>, transpose_lhs_hint = false} : vector<256x64xf32>, vector<256x64xf32>, vector<256x256xf32> -> vector<256x256xf32>
      %exp3A_158 = math.exp %dot_general3A_157 : vector<256x256xf32>
      %reduce_sum3A_159 = arith.constant dense<0.000000e+00> : vector<256xf32>
      %reduce_sum3A_160 = vector.multi_reduction <add>, %exp3A_158, %reduce_sum3A_159 [1] : vector<256x256xf32> to vector<256xf32>
      %broadcast_in_dim3A_161 = vector.shape_cast %reduce_sum3A_160 : vector<256xf32> to vector<256x1xf32>
      %add3A_162 = arith.addf %while3A_138, %broadcast_in_dim3A_161 : vector<256x1xf32>
      %dot_general3A_163 = arith.constant dense<0.000000e+00> : vector<256x64xf32>
      %dot_general3A_164 = tpu.matmul %exp3A_158, %get3A_155, %dot_general3A_163 {dimension_numbers = #tpu.dot_dimension_numbers<[1], [0], [0], [1], [0, 0, 1, 1], [], []>, transpose_lhs_hint = false} : vector<256x256xf32>, vector<256x64xf32>, vector<256x64xf32> -> vector<256x64xf32>
      %add3A_165 = arith.addf %while3A_134, %dot_general3A_164 : vector<256x64xf32>
      %dot_general3A_166 = arith.constant dense<0.000000e+00> : vector<256x256xf32>
      %dot_general3A_167 = tpu.matmul %mul3A_16, %get3A_148, %dot_general3A_166 {dimension_numbers = #tpu.dot_dimension_numbers<[1], [1], [0], [0], [0, 0, 1, 0], [], []>, transpose_lhs_hint = false} : vector<256x64xf32>, vector<256x64xf32>, vector<256x256xf32> -> vector<256x256xf32>
      %exp3A_168 = math.exp %dot_general3A_167 : vector<256x256xf32>
      %reduce_sum3A_169 = arith.constant dense<0.000000e+00> : vector<256xf32>
      %reduce_sum3A_170 = vector.multi_reduction <add>, %exp3A_168, %reduce_sum3A_169 [1] : vector<256x256xf32> to vector<256xf32>
      %broadcast_in_dim3A_171 = vector.shape_cast %reduce_sum3A_170 : vector<256xf32> to vector<256x1xf32>
      %add3A_172 = arith.addf %while3A_139, %broadcast_in_dim3A_171 : vector<256x1xf32>
      %dot_general3A_173 = arith.constant dense<0.000000e+00> : vector<256x64xf32>
      %dot_general3A_174 = tpu.matmul %exp3A_168, %get3A_155, %dot_general3A_173 {dimension_numbers = #tpu.dot_dimension_numbers<[1], [0], [0], [1], [0, 0, 1, 1], [], []>, transpose_lhs_hint = false} : vector<256x256xf32>, vector<256x64xf32>, vector<256x64xf32> -> vector<256x64xf32>
      %add3A_175 = arith.addf %while3A_135, %dot_general3A_174 : vector<256x64xf32>
      %dot_general3A_176 = arith.constant dense<0.000000e+00> : vector<256x256xf32>
      %dot_general3A_177 = tpu.matmul %mul3A_26, %get3A_148, %dot_general3A_176 {dimension_numbers = #tpu.dot_dimension_numbers<[1], [1], [0], [0], [0, 0, 1, 0], [], []>, transpose_lhs_hint = false} : vector<256x64xf32>, vector<256x64xf32>, vector<256x256xf32> -> vector<256x256xf32>
      %exp3A_178 = math.exp %dot_general3A_177 : vector<256x256xf32>
      %reduce_sum3A_179 = arith.constant dense<0.000000e+00> : vector<256xf32>
      %reduce_sum3A_180 = vector.multi_reduction <add>, %exp3A_178, %reduce_sum3A_179 [1] : vector<256x256xf32> to vector<256xf32>
      %broadcast_in_dim3A_181 = vector.shape_cast %reduce_sum3A_180 : vector<256xf32> to vector<256x1xf32>
      %add3A_182 = arith.addf %while3A_140, %broadcast_in_dim3A_181 : vector<256x1xf32>
      %dot_general3A_183 = arith.constant dense<0.000000e+00> : vector<256x64xf32>
      %dot_general3A_184 = tpu.matmul %exp3A_178, %get3A_155, %dot_general3A_183 {dimension_numbers = #tpu.dot_dimension_numbers<[1], [0], [0], [1], [0, 0, 1, 1], [], []>, transpose_lhs_hint = false} : vector<256x256xf32>, vector<256x64xf32>, vector<256x64xf32> -> vector<256x64xf32>
      %add3A_185 = arith.addf %while3A_136, %dot_general3A_184 : vector<256x64xf32>
      %dot_general3A_186 = arith.constant dense<0.000000e+00> : vector<256x256xf32>
      %dot_general3A_187 = tpu.matmul %mul3A_36, %get3A_148, %dot_general3A_186 {dimension_numbers = #tpu.dot_dimension_numbers<[1], [1], [0], [0], [0, 0, 1, 0], [], []>, transpose_lhs_hint = false} : vector<256x64xf32>, vector<256x64xf32>, vector<256x256xf32> -> vector<256x256xf32>
      %exp3A_188 = math.exp %dot_general3A_187 : vector<256x256xf32>
      %reduce_sum3A_189 = arith.constant dense<0.000000e+00> : vector<256xf32>
      %reduce_sum3A_190 = vector.multi_reduction <add>, %exp3A_188, %reduce_sum3A_189 [1] : vector<256x256xf32> to vector<256xf32>
      %broadcast_in_dim3A_191 = vector.shape_cast %reduce_sum3A_190 : vector<256xf32> to vector<256x1xf32>
      %add3A_192 = arith.addf %while3A_141, %broadcast_in_dim3A_191 : vector<256x1xf32>
      %dot_general3A_193 = arith.constant dense<0.000000e+00> : vector<256x64xf32>
      %dot_general3A_194 = tpu.matmul %exp3A_188, %get3A_155, %dot_general3A_193 {dimension_numbers = #tpu.dot_dimension_numbers<[1], [0], [0], [1], [0, 0, 1, 1], [], []>, transpose_lhs_hint = false} : vector<256x256xf32>, vector<256x64xf32>, vector<256x64xf32> -> vector<256x64xf32>
      %add3A_195 = arith.addf %while3A_137, %dot_general3A_194 : vector<256x64xf32>
      scf.yield %add3A_165, %add3A_175, %add3A_185, %add3A_195, %add3A_162, %add3A_172, %add3A_182, %add3A_192 : vector<256x64xf32>, vector<256x64xf32>, vector<256x64xf32>, vector<256x64xf32>, vector<256x1xf32>, vector<256x1xf32>, vector<256x1xf32>, vector<256x1xf32>
    }
    %mul3A_62 = arith.constant 256 : i32
    %mul3A_63 = arith.muli %arg1, %mul3A_62 : i32
    %get3A_64 = arith.constant 0 : index
    %get3A_65 = arith.index_cast %mul3A_63 : i32 to index
    %get3A_66 = arith.constant 0 : index
    %get3A_67 = vector.load %arg4[%get3A_64, %get3A_65, %get3A_66] : memref<1x2048x64xf32, #tpu.memory_space<vmem>>, vector<1x256x64xf32>
    %get3A_68 = vector.shape_cast %get3A_67 : vector<1x256x64xf32> to vector<256x64xf32>
    %mul3A_69 = arith.constant 256 : i32
    %mul3A_70 = arith.muli %arg1, %mul3A_69 : i32
    %get3A_71 = arith.constant 0 : index
    %get3A_72 = arith.index_cast %mul3A_70 : i32 to index
    %get3A_73 = arith.constant 0 : index
    %get3A_74 = vector.load %arg5[%get3A_71, %get3A_72, %get3A_73] : memref<1x2048x64xf32, #tpu.memory_space<vmem>>, vector<1x256x64xf32>
    %get3A_75 = vector.shape_cast %get3A_74 : vector<1x256x64xf32> to vector<256x64xf32>
    %iota3A = tpu.iota {dimensions = array<i32: 0>} : vector<256x256xi32>
    %iota3A_76 = tpu.iota {dimensions = array<i32: 1>} : vector<256x256xi32>
    %le3A = arith.cmpi sle, %iota3A_76, %iota3A : vector<256x256xi32>
    %dot_general3A = arith.constant dense<0.000000e+00> : vector<256x256xf32>
    %dot_general3A_77 = tpu.matmul %mul3A_6, %get3A_68, %dot_general3A {dimension_numbers = #tpu.dot_dimension_numbers<[1], [1], [0], [0], [0, 0, 1, 0], [], []>, transpose_lhs_hint = false} : vector<256x64xf32>, vector<256x64xf32>, vector<256x256xf32> -> vector<256x256xf32>
    %exp3A = math.exp %dot_general3A_77 : vector<256x256xf32>
    %jit3A = arith.constant 0.000000e+00 : f32
    %broadcast_in_dim3A_78 = vector.broadcast %jit3A : f32 to vector<256x256xf32>
    %select_n3A = arith.select %le3A, %exp3A, %broadcast_in_dim3A_78 : vector<256x256xi1>, vector<256x256xf32>
    %reduce_sum3A = arith.constant dense<0.000000e+00> : vector<256xf32>
    %reduce_sum3A_79 = vector.multi_reduction <add>, %select_n3A, %reduce_sum3A [1] : vector<256x256xf32> to vector<256xf32>
    %broadcast_in_dim3A_80 = vector.shape_cast %reduce_sum3A_79 : vector<256xf32> to vector<256x1xf32>
    %add3A = arith.addf %while3A_61#4, %broadcast_in_dim3A_80 : vector<256x1xf32>
    %dot_general3A_81 = arith.constant dense<0.000000e+00> : vector<256x64xf32>
    %dot_general3A_82 = tpu.matmul %select_n3A, %get3A_75, %dot_general3A_81 {dimension_numbers = #tpu.dot_dimension_numbers<[1], [0], [0], [1], [0, 0, 1, 1], [], []>, transpose_lhs_hint = false} : vector<256x256xf32>, vector<256x64xf32>, vector<256x64xf32> -> vector<256x64xf32>
    %add3A_83 = arith.addf %while3A_61#0, %dot_general3A_82 : vector<256x64xf32>
    %div3A = vector.broadcast %add3A : vector<256x1xf32> to vector<256x64xf32>
    %div3A_84 = arith.divf %add3A_83, %div3A : vector<256x64xf32>
    %dot_general3A_85 = arith.constant dense<0.000000e+00> : vector<256x256xf32>
    %dot_general3A_86 = tpu.matmul %mul3A_16, %get3A_68, %dot_general3A_85 {dimension_numbers = #tpu.dot_dimension_numbers<[1], [1], [0], [0], [0, 0, 1, 0], [], []>, transpose_lhs_hint = false} : vector<256x64xf32>, vector<256x64xf32>, vector<256x256xf32> -> vector<256x256xf32>
    %exp3A_87 = math.exp %dot_general3A_86 : vector<256x256xf32>
    %jit3A_88 = arith.constant 0.000000e+00 : f32
    %broadcast_in_dim3A_89 = vector.broadcast %jit3A_88 : f32 to vector<256x256xf32>
    %select_n3A_90 = arith.select %le3A, %exp3A_87, %broadcast_in_dim3A_89 : vector<256x256xi1>, vector<256x256xf32>
    %reduce_sum3A_91 = arith.constant dense<0.000000e+00> : vector<256xf32>
    %reduce_sum3A_92 = vector.multi_reduction <add>, %select_n3A_90, %reduce_sum3A_91 [1] : vector<256x256xf32> to vector<256xf32>
    %broadcast_in_dim3A_93 = vector.shape_cast %reduce_sum3A_92 : vector<256xf32> to vector<256x1xf32>
    %add3A_94 = arith.addf %while3A_61#5, %broadcast_in_dim3A_93 : vector<256x1xf32>
    %dot_general3A_95 = arith.constant dense<0.000000e+00> : vector<256x64xf32>
    %dot_general3A_96 = tpu.matmul %select_n3A_90, %get3A_75, %dot_general3A_95 {dimension_numbers = #tpu.dot_dimension_numbers<[1], [0], [0], [1], [0, 0, 1, 1], [], []>, transpose_lhs_hint = false} : vector<256x256xf32>, vector<256x64xf32>, vector<256x64xf32> -> vector<256x64xf32>
    %add3A_97 = arith.addf %while3A_61#1, %dot_general3A_96 : vector<256x64xf32>
    %div3A_98 = vector.broadcast %add3A_94 : vector<256x1xf32> to vector<256x64xf32>
    %div3A_99 = arith.divf %add3A_97, %div3A_98 : vector<256x64xf32>
    %dot_general3A_100 = arith.constant dense<0.000000e+00> : vector<256x256xf32>
    %dot_general3A_101 = tpu.matmul %mul3A_26, %get3A_68, %dot_general3A_100 {dimension_numbers = #tpu.dot_dimension_numbers<[1], [1], [0], [0], [0, 0, 1, 0], [], []>, transpose_lhs_hint = false} : vector<256x64xf32>, vector<256x64xf32>, vector<256x256xf32> -> vector<256x256xf32>
    %exp3A_102 = math.exp %dot_general3A_101 : vector<256x256xf32>
    %jit3A_103 = arith.constant 0.000000e+00 : f32
    %broadcast_in_dim3A_104 = vector.broadcast %jit3A_103 : f32 to vector<256x256xf32>
    %select_n3A_105 = arith.select %le3A, %exp3A_102, %broadcast_in_dim3A_104 : vector<256x256xi1>, vector<256x256xf32>
    %reduce_sum3A_106 = arith.constant dense<0.000000e+00> : vector<256xf32>
    %reduce_sum3A_107 = vector.multi_reduction <add>, %select_n3A_105, %reduce_sum3A_106 [1] : vector<256x256xf32> to vector<256xf32>
    %broadcast_in_dim3A_108 = vector.shape_cast %reduce_sum3A_107 : vector<256xf32> to vector<256x1xf32>
    %add3A_109 = arith.addf %while3A_61#6, %broadcast_in_dim3A_108 : vector<256x1xf32>
    %dot_general3A_110 = arith.constant dense<0.000000e+00> : vector<256x64xf32>
    %dot_general3A_111 = tpu.matmul %select_n3A_105, %get3A_75, %dot_general3A_110 {dimension_numbers = #tpu.dot_dimension_numbers<[1], [0], [0], [1], [0, 0, 1, 1], [], []>, transpose_lhs_hint = false} : vector<256x256xf32>, vector<256x64xf32>, vector<256x64xf32> -> vector<256x64xf32>
    %add3A_112 = arith.addf %while3A_61#2, %dot_general3A_111 : vector<256x64xf32>
    %div3A_113 = vector.broadcast %add3A_109 : vector<256x1xf32> to vector<256x64xf32>
    %div3A_114 = arith.divf %add3A_112, %div3A_113 : vector<256x64xf32>
    %dot_general3A_115 = arith.constant dense<0.000000e+00> : vector<256x256xf32>
    %dot_general3A_116 = tpu.matmul %mul3A_36, %get3A_68, %dot_general3A_115 {dimension_numbers = #tpu.dot_dimension_numbers<[1], [1], [0], [0], [0, 0, 1, 0], [], []>, transpose_lhs_hint = false} : vector<256x64xf32>, vector<256x64xf32>, vector<256x256xf32> -> vector<256x256xf32>
    %exp3A_117 = math.exp %dot_general3A_116 : vector<256x256xf32>
    %jit3A_118 = arith.constant 0.000000e+00 : f32
    %broadcast_in_dim3A_119 = vector.broadcast %jit3A_118 : f32 to vector<256x256xf32>
    %select_n3A_120 = arith.select %le3A, %exp3A_117, %broadcast_in_dim3A_119 : vector<256x256xi1>, vector<256x256xf32>
    %reduce_sum3A_121 = arith.constant dense<0.000000e+00> : vector<256xf32>
    %reduce_sum3A_122 = vector.multi_reduction <add>, %select_n3A_120, %reduce_sum3A_121 [1] : vector<256x256xf32> to vector<256xf32>
    %broadcast_in_dim3A_123 = vector.shape_cast %reduce_sum3A_122 : vector<256xf32> to vector<256x1xf32>
    %add3A_124 = arith.addf %while3A_61#7, %broadcast_in_dim3A_123 : vector<256x1xf32>
    %dot_general3A_125 = arith.constant dense<0.000000e+00> : vector<256x64xf32>
    %dot_general3A_126 = tpu.matmul %select_n3A_120, %get3A_75, %dot_general3A_125 {dimension_numbers = #tpu.dot_dimension_numbers<[1], [0], [0], [1], [0, 0, 1, 1], [], []>, transpose_lhs_hint = false} : vector<256x256xf32>, vector<256x64xf32>, vector<256x64xf32> -> vector<256x64xf32>
    %add3A_127 = arith.addf %while3A_61#3, %dot_general3A_126 : vector<256x64xf32>
    %div3A_128 = vector.broadcast %add3A_124 : vector<256x1xf32> to vector<256x64xf32>
    %div3A_129 = arith.divf %add3A_127, %div3A_128 : vector<256x64xf32>
    %concatenate3A_130 = tpu.concatenate %div3A_84, %div3A_99, %div3A_114, %div3A_129 in 1 : vector<256x64xf32>, vector<256x64xf32>, vector<256x64xf32>, vector<256x64xf32> -> vector<256x256xf32>
    %swap3A = arith.constant 0 : index
    %swap3A_131 = arith.constant 0 : index
    %swap3A_132 = vector.load %arg6[%swap3A, %swap3A_131] : memref<256x256xf32, #tpu.memory_space<vmem>>, vector<256x256xf32>
    tpu.vector_store %arg6[%swap3A, %swap3A_131], %concatenate3A_130 {strides = array<i32>} : memref<256x256xf32, #tpu.memory_space<vmem>>, vector<256x256xf32>,
    return
  }
  func.func @transform_0(%arg0: i32, %arg1: i32) -> (i32, i32) {
    %c0_i32 = arith.constant 0 : i32
    return %arg1, %arg0 : i32, i32
  }
  func.func @transform_1(%arg0: i32, %arg1: i32) -> (i32, i32) {
    %add3A = arith.constant 4 : i32
    %add3A_0 = arith.addi %add3A, %arg0 : i32
    %c0_i32 = arith.constant 0 : i32
    return %arg1, %add3A_0 : i32, i32
  }
  func.func @transform_2(%arg0: i32, %arg1: i32) -> (i32, i32, i32) {
    %c0_i32 = arith.constant 0 : i32
    %c0_i32_0 = arith.constant 0 : i32
    %c0_i32_1 = arith.constant 0 : i32
    return %arg0, %c0_i32, %c0_i32_0 : i32, i32, i32
  }
  func.func @transform_3(%arg0: i32, %arg1: i32) -> (i32, i32, i32) {
    %c0_i32 = arith.constant 0 : i32
    %c0_i32_0 = arith.constant 0 : i32
    %c0_i32_1 = arith.constant 0 : i32
    return %arg0, %c0_i32, %c0_i32_0 : i32, i32, i32
  }
  func.func @transform_4(%arg0: i32, %arg1: i32) -> (i32, i32) {
    %c0_i32 = arith.constant 0 : i32
    return %arg1, %arg0 : i32, i32
  }
}

module attributes {stable_mosaic.version = 14 : i64} {
  func.func @_pre_attn_kernel(%arg0: i32, %arg1: memref<256x1024xf32, #tpu.memory_space<vmem>>, %arg2: memref<1x1024xf32, #tpu.memory_space<vmem>>, %arg3: memref<1024x1536xf32, #tpu.memory_space<vmem>>, %arg4: memref<1x512xf32, #tpu.memory_space<vmem>>, %arg5: memref<1x512xf32, #tpu.memory_space<vmem>>, %arg6: memref<1x128xf32, #tpu.memory_space<vmem>>, %arg7: memref<1x128xf32, #tpu.memory_space<vmem>>, %arg8: memref<256x1024xf32, #tpu.memory_space<vmem>>, %arg9: memref<4x256x64xf32, #tpu.memory_space<vmem>>, %arg10: memref<4x256x64xf32, #tpu.memory_space<vmem>>) attributes {dimension_semantics = [#tpu.dimension_semantics<arbitrary>], iteration_bounds = array<i64: 8>, scalar_prefetch = 0 : i64, scratch_operands = 0 : i64, tpu.core_type = #tpu.core_type<tc>, window_params = [{transform_indices = @transform_0, window_bounds = array<i64: 256, 1024>}, {pipeline_mode = #tpu.pipeline_mode<synchronous>, transform_indices = @transform_1, window_bounds = array<i64: 1, 1024>}, {pipeline_mode = #tpu.pipeline_mode<synchronous>, transform_indices = @transform_2, window_bounds = array<i64: 1024, 1536>}, {pipeline_mode = #tpu.pipeline_mode<synchronous>, transform_indices = @transform_3, window_bounds = array<i64: 1, 512>}, {pipeline_mode = #tpu.pipeline_mode<synchronous>, transform_indices = @transform_4, window_bounds = array<i64: 1, 512>}, {pipeline_mode = #tpu.pipeline_mode<synchronous>, transform_indices = @transform_5, window_bounds = array<i64: 1, 128>}, {pipeline_mode = #tpu.pipeline_mode<synchronous>, transform_indices = @transform_6, window_bounds = array<i64: 1, 128>}, {transform_indices = @transform_7, window_bounds = array<i64: 256, 1024>}, {transform_indices = @transform_8, window_bounds = array<i64: 4, 256, 64>}, {transform_indices = @transform_9, window_bounds = array<i64: 4, 256, 64>}]} {
    %get3A = arith.constant 0 : index
    %get3A_0 = arith.constant 0 : index
    %get3A_1 = vector.load %arg1[%get3A, %get3A_0] : memref<256x1024xf32, #tpu.memory_space<vmem>>, vector<256x1024xf32>
    %get3A_2 = arith.constant 0 : index
    %get3A_3 = arith.constant 0 : index
    %get3A_4 = vector.load %arg2[%get3A_2, %get3A_3] : memref<1x1024xf32, #tpu.memory_space<vmem>>, vector<1x1024xf32>
    %mul3A = arith.mulf %get3A_1, %get3A_1 : vector<256x1024xf32>
    %reduce_sum3A = arith.constant dense<0.000000e+00> : vector<256xf32>
    %reduce_sum3A_5 = vector.multi_reduction <add>, %mul3A, %reduce_sum3A [1] : vector<256x1024xf32> to vector<256xf32>
    %broadcast_in_dim3A = vector.shape_cast %reduce_sum3A_5 : vector<256xf32> to vector<256x1xf32>
    %div3A = arith.constant 1.024000e+03 : f32
    %div3A_6 = vector.broadcast %div3A : f32 to vector<256x1xf32>
    %div3A_7 = arith.divf %broadcast_in_dim3A, %div3A_6 : vector<256x1xf32>
    %add3A = arith.constant 9.99999997E-7 : f32
    %add3A_8 = vector.broadcast %add3A : f32 to vector<256x1xf32>
    %add3A_9 = arith.addf %div3A_7, %add3A_8 : vector<256x1xf32>
    %rsqrt3A = math.rsqrt %add3A_9 : vector<256x1xf32>
    %mul3A_10 = vector.broadcast %rsqrt3A : vector<256x1xf32> to vector<256x1024xf32>
    %mul3A_11 = arith.mulf %get3A_1, %mul3A_10 : vector<256x1024xf32>
    %mul3A_12 = vector.broadcast %get3A_4 : vector<1x1024xf32> to vector<256x1024xf32>
    %mul3A_13 = arith.mulf %mul3A_11, %mul3A_12 : vector<256x1024xf32>
    %get3A_14 = arith.constant 0 : index
    %get3A_15 = arith.constant 0 : index
    %get3A_16 = vector.load %arg3[%get3A_14, %get3A_15] : memref<1024x1536xf32, #tpu.memory_space<vmem>>, vector<1024x1536xf32>
    %dot_general3A = arith.constant dense<0.000000e+00> : vector<256x1536xf32>
    %dot_general3A_17 = tpu.matmul %mul3A_13, %get3A_16, %dot_general3A {dimension_numbers = #tpu.dot_dimension_numbers<[1], [0], [0], [1], [0, 0, 1, 1], [], []>, transpose_lhs_hint = false} : vector<256x1024xf32>, vector<1024x1536xf32>, vector<256x1536xf32> -> vector<256x1536xf32>
    %iota3A = tpu.iota {dimensions = array<i32: 0>} : vector<256x1xi32>
    %mul3A_18 = arith.constant 256 : i32
    %mul3A_19 = arith.muli %arg0, %mul3A_18 : i32
    %add3A_20 = vector.broadcast %mul3A_19 : i32 to vector<256x1xi32>
    %add3A_21 = arith.addi %iota3A, %add3A_20 : vector<256x1xi32>
    %convert_element_type3A = arith.sitofp %add3A_21 : vector<256x1xi32> to vector<256x1xf32>
    %iota3A_22 = tpu.iota {dimensions = array<i32: 1>} : vector<1x32xi32>
    %convert_element_type3A_23 = arith.sitofp %iota3A_22 : vector<1x32xi32> to vector<1x32xf32>
    %mul3A_24 = arith.constant -0.431734711 : f32
    %mul3A_25 = vector.broadcast %mul3A_24 : f32 to vector<1x32xf32>
    %mul3A_26 = arith.mulf %convert_element_type3A_23, %mul3A_25 : vector<1x32xf32>
    %exp3A = math.exp %mul3A_26 : vector<1x32xf32>
    %mul3A_27 = vector.broadcast %convert_element_type3A : vector<256x1xf32> to vector<256x32xf32>
    %mul3A_28 = vector.broadcast %exp3A : vector<1x32xf32> to vector<256x32xf32>
    %mul3A_29 = arith.mulf %mul3A_27, %mul3A_28 : vector<256x32xf32>
    %cos3A = math.cos %mul3A_29 : vector<256x32xf32>
    %sin3A = math.sin %mul3A_29 : vector<256x32xf32>
    %slice3A = vector.extract_strided_slice %dot_general3A_17 {offsets = [0, 0], sizes = [256, 512], strides = [1, 1]} : vector<256x1536xf32> to vector<256x512xf32>
    %slice3A_30 = vector.extract_strided_slice %dot_general3A_17 {offsets = [0, 512], sizes = [256, 512], strides = [1, 1]} : vector<256x1536xf32> to vector<256x512xf32>
    %slice3A_31 = vector.extract_strided_slice %dot_general3A_17 {offsets = [0, 1024], sizes = [256, 128], strides = [1, 1]} : vector<256x1536xf32> to vector<256x128xf32>
    %slice3A_32 = vector.extract_strided_slice %dot_general3A_17 {offsets = [0, 1152], sizes = [256, 128], strides = [1, 1]} : vector<256x1536xf32> to vector<256x128xf32>
    %slice3A_33 = vector.extract_strided_slice %dot_general3A_17 {offsets = [0, 1280], sizes = [256, 256], strides = [1, 1]} : vector<256x1536xf32> to vector<256x256xf32>
    %iota3A_34 = tpu.iota {dimensions = array<i32: 0>} : vector<512x16xi32>
    %iota3A_35 = tpu.iota {dimensions = array<i32: 1>} : vector<512x16xi32>
    %jit3A = arith.constant 32 : i32
    %div3A_36 = vector.broadcast %jit3A : i32 to vector<512x16xi32>
    %div3A_37 = arith.divsi %iota3A_34, %div3A_36 : vector<512x16xi32>
    %sign3A = arith.constant 0 : i32
    %sign3A_38 = vector.broadcast %sign3A : i32 to vector<512x16xi32>
    %sign3A_39 = arith.cmpi sgt, %iota3A_34, %sign3A_38 : vector<512x16xi32>
    %sign3A_40 = arith.extui %sign3A_39 : vector<512x16xi1> to vector<512x16xi32>
    %sign3A_41 = arith.constant 0 : i32
    %sign3A_42 = vector.broadcast %sign3A_41 : i32 to vector<512x16xi32>
    %sign3A_43 = arith.cmpi slt, %iota3A_34, %sign3A_42 : vector<512x16xi32>
    %sign3A_44 = arith.extui %sign3A_43 : vector<512x16xi1> to vector<512x16xi32>
    %sign3A_45 = arith.subi %sign3A_40, %sign3A_44 : vector<512x16xi32>
    %sign3A_46 = arith.constant 0 : i32
    %sign3A_47 = arith.cmpi sgt, %jit3A, %sign3A_46 : i32
    %sign3A_48 = arith.extui %sign3A_47 : i1 to i32
    %sign3A_49 = arith.constant 0 : i32
    %sign3A_50 = arith.cmpi slt, %jit3A, %sign3A_49 : i32
    %sign3A_51 = arith.extui %sign3A_50 : i1 to i32
    %sign3A_52 = arith.subi %sign3A_48, %sign3A_51 : i32
    %ne3A = vector.broadcast %sign3A_52 : i32 to vector<512x16xi32>
    %ne3A_53 = arith.cmpi ne, %sign3A_45, %ne3A : vector<512x16xi32>
    %rem3A = vector.broadcast %jit3A : i32 to vector<512x16xi32>
    %rem3A_54 = arith.remsi %iota3A_34, %rem3A : vector<512x16xi32>
    %ne3A_55 = arith.constant 0 : i32
    %ne3A_56 = vector.broadcast %ne3A_55 : i32 to vector<512x16xi32>
    %ne3A_57 = arith.cmpi ne, %rem3A_54, %ne3A_56 : vector<512x16xi32>
    %and3A = arith.andi %ne3A_53, %ne3A_57 : vector<512x16xi1>
    %sub3A = arith.constant 1 : i32
    %sub3A_58 = vector.broadcast %sub3A : i32 to vector<512x16xi32>
    %sub3A_59 = arith.subi %div3A_37, %sub3A_58 : vector<512x16xi32>
    %select_n3A = arith.select %and3A, %sub3A_59, %div3A_37 : vector<512x16xi1>, vector<512x16xi32>
    %eq3A = arith.cmpi eq, %select_n3A, %iota3A_35 : vector<512x16xi32>
    %convert_element_type3A_60 = arith.extui %eq3A : vector<512x16xi1> to vector<512x16xi32>
    %convert_element_type3A_61 = arith.sitofp %convert_element_type3A_60 : vector<512x16xi32> to vector<512x16xf32>
    %mul3A_62 = arith.mulf %slice3A, %slice3A : vector<256x512xf32>
    %mul3A_63 = arith.mulf %slice3A_30, %slice3A_30 : vector<256x512xf32>
    %add3A_64 = arith.addf %mul3A_62, %mul3A_63 : vector<256x512xf32>
    %dot_general3A_65 = arith.constant dense<0.000000e+00> : vector<256x16xf32>
    %dot_general3A_66 = tpu.matmul %add3A_64, %convert_element_type3A_61, %dot_general3A_65 {dimension_numbers = #tpu.dot_dimension_numbers<[1], [0], [0], [1], [0, 0, 1, 1], [], []>, transpose_lhs_hint = false} : vector<256x512xf32>, vector<512x16xf32>, vector<256x16xf32> -> vector<256x16xf32>
    %mul3A_67 = arith.constant 1.562500e-02 : f32
    %mul3A_68 = vector.broadcast %mul3A_67 : f32 to vector<256x16xf32>
    %mul3A_69 = arith.mulf %dot_general3A_66, %mul3A_68 : vector<256x16xf32>
    %add3A_70 = arith.constant 9.99999997E-7 : f32
    %add3A_71 = vector.broadcast %add3A_70 : f32 to vector<256x16xf32>
    %add3A_72 = arith.addf %mul3A_69, %add3A_71 : vector<256x16xf32>
    %rsqrt3A_73 = math.rsqrt %add3A_72 : vector<256x16xf32>
    %dot_general3A_74 = arith.constant dense<0.000000e+00> : vector<256x512xf32>
    %dot_general3A_75 = tpu.matmul %rsqrt3A_73, %convert_element_type3A_61, %dot_general3A_74 {dimension_numbers = #tpu.dot_dimension_numbers<[1], [1], [0], [0], [0, 0, 1, 0], [], []>, transpose_lhs_hint = false} : vector<256x16xf32>, vector<512x16xf32>, vector<256x512xf32> -> vector<256x512xf32>
    %iota3A_76 = tpu.iota {dimensions = array<i32: 0>} : vector<32x512xi32>
    %iota3A_77 = tpu.iota {dimensions = array<i32: 1>} : vector<32x512xi32>
    %jit3A_78 = arith.constant 32 : i32
    %eq3A_79 = arith.constant 0 : i32
    %eq3A_80 = arith.cmpi eq, %jit3A_78, %eq3A_79 : i32
    %jit3A_81 = arith.constant 1 : i32
    %select_n3A_82 = arith.select %eq3A_80, %jit3A_81, %jit3A_78 : i32
    %rem3A_83 = vector.broadcast %select_n3A_82 : i32 to vector<32x512xi32>
    %rem3A_84 = arith.remsi %iota3A_77, %rem3A_83 : vector<32x512xi32>
    %ne3A_85 = arith.constant 0 : i32
    %ne3A_86 = vector.broadcast %ne3A_85 : i32 to vector<32x512xi32>
    %ne3A_87 = arith.cmpi ne, %rem3A_84, %ne3A_86 : vector<32x512xi32>
    %lt3A = arith.constant 0 : i32
    %lt3A_88 = vector.broadcast %lt3A : i32 to vector<32x512xi32>
    %lt3A_89 = arith.cmpi slt, %rem3A_84, %lt3A_88 : vector<32x512xi32>
    %lt3A_90 = arith.constant 0 : i32
    %lt3A_91 = arith.cmpi slt, %select_n3A_82, %lt3A_90 : i32
    %ne3A_92 = vector.broadcast %lt3A_91 : i1 to vector<32x512xi1>
    %ne3A_93 = vector.broadcast %ne3A_92 : vector<32x512xi1> to vector<32x512xi1>
    %ne3A_94 = arith.xori %lt3A_89, %ne3A_93 : vector<32x512xi1>
    %and3A_95 = arith.andi %ne3A_94, %ne3A_87 : vector<32x512xi1>
    %add3A_96 = vector.broadcast %select_n3A_82 : i32 to vector<32x512xi32>
    %add3A_97 = arith.addi %rem3A_84, %add3A_96 : vector<32x512xi32>
    %select_n3A_98 = arith.select %and3A_95, %add3A_97, %rem3A_84 : vector<32x512xi1>, vector<32x512xi32>
    %eq3A_99 = arith.cmpi eq, %select_n3A_98, %iota3A_76 : vector<32x512xi32>
    %convert_element_type3A_100 = arith.extui %eq3A_99 : vector<32x512xi1> to vector<32x512xi32>
    %convert_element_type3A_101 = arith.sitofp %convert_element_type3A_100 : vector<32x512xi32> to vector<32x512xf32>
    %dot_general3A_102 = arith.constant dense<0.000000e+00> : vector<256x512xf32>
    %dot_general3A_103 = tpu.matmul %cos3A, %convert_element_type3A_101, %dot_general3A_102 {dimension_numbers = #tpu.dot_dimension_numbers<[1], [0], [0], [1], [0, 0, 1, 1], [], []>, transpose_lhs_hint = false} : vector<256x32xf32>, vector<32x512xf32>, vector<256x512xf32> -> vector<256x512xf32>
    %dot_general3A_104 = arith.constant dense<0.000000e+00> : vector<256x512xf32>
    %dot_general3A_105 = tpu.matmul %sin3A, %convert_element_type3A_101, %dot_general3A_104 {dimension_numbers = #tpu.dot_dimension_numbers<[1], [0], [0], [1], [0, 0, 1, 1], [], []>, transpose_lhs_hint = false} : vector<256x32xf32>, vector<32x512xf32>, vector<256x512xf32> -> vector<256x512xf32>
    %mul3A_106 = arith.mulf %slice3A, %dot_general3A_75 : vector<256x512xf32>
    %get3A_107 = arith.constant 0 : index
    %get3A_108 = arith.constant 0 : index
    %get3A_109 = vector.load %arg4[%get3A_107, %get3A_108] : memref<1x512xf32, #tpu.memory_space<vmem>>, vector<1x512xf32>
    %mul3A_110 = vector.broadcast %get3A_109 : vector<1x512xf32> to vector<256x512xf32>
    %mul3A_111 = arith.mulf %mul3A_106, %mul3A_110 : vector<256x512xf32>
    %mul3A_112 = arith.mulf %slice3A_30, %dot_general3A_75 : vector<256x512xf32>
    %get3A_113 = arith.constant 0 : index
    %get3A_114 = arith.constant 0 : index
    %get3A_115 = vector.load %arg5[%get3A_113, %get3A_114] : memref<1x512xf32, #tpu.memory_space<vmem>>, vector<1x512xf32>
    %mul3A_116 = vector.broadcast %get3A_115 : vector<1x512xf32> to vector<256x512xf32>
    %mul3A_117 = arith.mulf %mul3A_112, %mul3A_116 : vector<256x512xf32>
    %mul3A_118 = arith.mulf %mul3A_111, %dot_general3A_103 : vector<256x512xf32>
    %mul3A_119 = arith.mulf %mul3A_117, %dot_general3A_105 : vector<256x512xf32>
    %sub3A_120 = arith.subf %mul3A_118, %mul3A_119 : vector<256x512xf32>
    %mul3A_121 = arith.mulf %mul3A_117, %dot_general3A_103 : vector<256x512xf32>
    %mul3A_122 = arith.mulf %mul3A_111, %dot_general3A_105 : vector<256x512xf32>
    %add3A_123 = arith.addf %mul3A_121, %mul3A_122 : vector<256x512xf32>
    %concatenate3A = tpu.concatenate %sub3A_120, %add3A_123 in 1 : vector<256x512xf32>, vector<256x512xf32> -> vector<256x1024xf32>
    %swap3A = arith.constant 0 : index
    %swap3A_124 = arith.constant 0 : index
    %swap3A_125 = vector.load %arg8[%swap3A, %swap3A_124] : memref<256x1024xf32, #tpu.memory_space<vmem>>, vector<256x1024xf32>
    tpu.vector_store %arg8[%swap3A, %swap3A_124], %concatenate3A {strides = array<i32>} : memref<256x1024xf32, #tpu.memory_space<vmem>>, vector<256x1024xf32>,
    %iota3A_126 = tpu.iota {dimensions = array<i32: 0>} : vector<128x4xi32>
    %iota3A_127 = tpu.iota {dimensions = array<i32: 1>} : vector<128x4xi32>
    %jit3A_128 = arith.constant 32 : i32
    %div3A_129 = vector.broadcast %jit3A_128 : i32 to vector<128x4xi32>
    %div3A_130 = arith.divsi %iota3A_126, %div3A_129 : vector<128x4xi32>
    %sign3A_131 = arith.constant 0 : i32
    %sign3A_132 = vector.broadcast %sign3A_131 : i32 to vector<128x4xi32>
    %sign3A_133 = arith.cmpi sgt, %iota3A_126, %sign3A_132 : vector<128x4xi32>
    %sign3A_134 = arith.extui %sign3A_133 : vector<128x4xi1> to vector<128x4xi32>
    %sign3A_135 = arith.constant 0 : i32
    %sign3A_136 = vector.broadcast %sign3A_135 : i32 to vector<128x4xi32>
    %sign3A_137 = arith.cmpi slt, %iota3A_126, %sign3A_136 : vector<128x4xi32>
    %sign3A_138 = arith.extui %sign3A_137 : vector<128x4xi1> to vector<128x4xi32>
    %sign3A_139 = arith.subi %sign3A_134, %sign3A_138 : vector<128x4xi32>
    %sign3A_140 = arith.constant 0 : i32
    %sign3A_141 = arith.cmpi sgt, %jit3A_128, %sign3A_140 : i32
    %sign3A_142 = arith.extui %sign3A_141 : i1 to i32
    %sign3A_143 = arith.constant 0 : i32
    %sign3A_144 = arith.cmpi slt, %jit3A_128, %sign3A_143 : i32
    %sign3A_145 = arith.extui %sign3A_144 : i1 to i32
    %sign3A_146 = arith.subi %sign3A_142, %sign3A_145 : i32
    %ne3A_147 = vector.broadcast %sign3A_146 : i32 to vector<128x4xi32>
    %ne3A_148 = arith.cmpi ne, %sign3A_139, %ne3A_147 : vector<128x4xi32>
    %rem3A_149 = vector.broadcast %jit3A_128 : i32 to vector<128x4xi32>
    %rem3A_150 = arith.remsi %iota3A_126, %rem3A_149 : vector<128x4xi32>
    %ne3A_151 = arith.constant 0 : i32
    %ne3A_152 = vector.broadcast %ne3A_151 : i32 to vector<128x4xi32>
    %ne3A_153 = arith.cmpi ne, %rem3A_150, %ne3A_152 : vector<128x4xi32>
    %and3A_154 = arith.andi %ne3A_148, %ne3A_153 : vector<128x4xi1>
    %sub3A_155 = arith.constant 1 : i32
    %sub3A_156 = vector.broadcast %sub3A_155 : i32 to vector<128x4xi32>
    %sub3A_157 = arith.subi %div3A_130, %sub3A_156 : vector<128x4xi32>
    %select_n3A_158 = arith.select %and3A_154, %sub3A_157, %div3A_130 : vector<128x4xi1>, vector<128x4xi32>
    %eq3A_159 = arith.cmpi eq, %select_n3A_158, %iota3A_127 : vector<128x4xi32>
    %convert_element_type3A_160 = arith.extui %eq3A_159 : vector<128x4xi1> to vector<128x4xi32>
    %convert_element_type3A_161 = arith.sitofp %convert_element_type3A_160 : vector<128x4xi32> to vector<128x4xf32>
    %mul3A_162 = arith.mulf %slice3A_31, %slice3A_31 : vector<256x128xf32>
    %mul3A_163 = arith.mulf %slice3A_32, %slice3A_32 : vector<256x128xf32>
    %add3A_164 = arith.addf %mul3A_162, %mul3A_163 : vector<256x128xf32>
    %dot_general3A_165 = arith.constant dense<0.000000e+00> : vector<256x4xf32>
    %dot_general3A_166 = tpu.matmul %add3A_164, %convert_element_type3A_161, %dot_general3A_165 {dimension_numbers = #tpu.dot_dimension_numbers<[1], [0], [0], [1], [0, 0, 1, 1], [], []>, transpose_lhs_hint = false} : vector<256x128xf32>, vector<128x4xf32>, vector<256x4xf32> -> vector<256x4xf32>
    %mul3A_167 = arith.constant 1.562500e-02 : f32
    %mul3A_168 = vector.broadcast %mul3A_167 : f32 to vector<256x4xf32>
    %mul3A_169 = arith.mulf %dot_general3A_166, %mul3A_168 : vector<256x4xf32>
    %add3A_170 = arith.constant 9.99999997E-7 : f32
    %add3A_171 = vector.broadcast %add3A_170 : f32 to vector<256x4xf32>
    %add3A_172 = arith.addf %mul3A_169, %add3A_171 : vector<256x4xf32>
    %rsqrt3A_173 = math.rsqrt %add3A_172 : vector<256x4xf32>
    %dot_general3A_174 = arith.constant dense<0.000000e+00> : vector<256x128xf32>
    %dot_general3A_175 = tpu.matmul %rsqrt3A_173, %convert_element_type3A_161, %dot_general3A_174 {dimension_numbers = #tpu.dot_dimension_numbers<[1], [1], [0], [0], [0, 0, 1, 0], [], []>, transpose_lhs_hint = false} : vector<256x4xf32>, vector<128x4xf32>, vector<256x128xf32> -> vector<256x128xf32>
    %iota3A_176 = tpu.iota {dimensions = array<i32: 0>} : vector<32x128xi32>
    %iota3A_177 = tpu.iota {dimensions = array<i32: 1>} : vector<32x128xi32>
    %jit3A_178 = arith.constant 32 : i32
    %eq3A_179 = arith.constant 0 : i32
    %eq3A_180 = arith.cmpi eq, %jit3A_178, %eq3A_179 : i32
    %jit3A_181 = arith.constant 1 : i32
    %select_n3A_182 = arith.select %eq3A_180, %jit3A_181, %jit3A_178 : i32
    %rem3A_183 = vector.broadcast %select_n3A_182 : i32 to vector<32x128xi32>
    %rem3A_184 = arith.remsi %iota3A_177, %rem3A_183 : vector<32x128xi32>
    %ne3A_185 = arith.constant 0 : i32
    %ne3A_186 = vector.broadcast %ne3A_185 : i32 to vector<32x128xi32>
    %ne3A_187 = arith.cmpi ne, %rem3A_184, %ne3A_186 : vector<32x128xi32>
    %lt3A_188 = arith.constant 0 : i32
    %lt3A_189 = vector.broadcast %lt3A_188 : i32 to vector<32x128xi32>
    %lt3A_190 = arith.cmpi slt, %rem3A_184, %lt3A_189 : vector<32x128xi32>
    %lt3A_191 = arith.constant 0 : i32
    %lt3A_192 = arith.cmpi slt, %select_n3A_182, %lt3A_191 : i32
    %ne3A_193 = vector.broadcast %lt3A_192 : i1 to vector<32x128xi1>
    %ne3A_194 = vector.broadcast %ne3A_193 : vector<32x128xi1> to vector<32x128xi1>
    %ne3A_195 = arith.xori %lt3A_190, %ne3A_194 : vector<32x128xi1>
    %and3A_196 = arith.andi %ne3A_195, %ne3A_187 : vector<32x128xi1>
    %add3A_197 = vector.broadcast %select_n3A_182 : i32 to vector<32x128xi32>
    %add3A_198 = arith.addi %rem3A_184, %add3A_197 : vector<32x128xi32>
    %select_n3A_199 = arith.select %and3A_196, %add3A_198, %rem3A_184 : vector<32x128xi1>, vector<32x128xi32>
    %eq3A_200 = arith.cmpi eq, %select_n3A_199, %iota3A_176 : vector<32x128xi32>
    %convert_element_type3A_201 = arith.extui %eq3A_200 : vector<32x128xi1> to vector<32x128xi32>
    %convert_element_type3A_202 = arith.sitofp %convert_element_type3A_201 : vector<32x128xi32> to vector<32x128xf32>
    %dot_general3A_203 = arith.constant dense<0.000000e+00> : vector<256x128xf32>
    %dot_general3A_204 = tpu.matmul %cos3A, %convert_element_type3A_202, %dot_general3A_203 {dimension_numbers = #tpu.dot_dimension_numbers<[1], [0], [0], [1], [0, 0, 1, 1], [], []>, transpose_lhs_hint = false} : vector<256x32xf32>, vector<32x128xf32>, vector<256x128xf32> -> vector<256x128xf32>
    %dot_general3A_205 = arith.constant dense<0.000000e+00> : vector<256x128xf32>
    %dot_general3A_206 = tpu.matmul %sin3A, %convert_element_type3A_202, %dot_general3A_205 {dimension_numbers = #tpu.dot_dimension_numbers<[1], [0], [0], [1], [0, 0, 1, 1], [], []>, transpose_lhs_hint = false} : vector<256x32xf32>, vector<32x128xf32>, vector<256x128xf32> -> vector<256x128xf32>
    %mul3A_207 = arith.mulf %slice3A_31, %dot_general3A_175 : vector<256x128xf32>
    %get3A_208 = arith.constant 0 : index
    %get3A_209 = arith.constant 0 : index
    %get3A_210 = vector.load %arg6[%get3A_208, %get3A_209] : memref<1x128xf32, #tpu.memory_space<vmem>>, vector<1x128xf32>
    %mul3A_211 = vector.broadcast %get3A_210 : vector<1x128xf32> to vector<256x128xf32>
    %mul3A_212 = arith.mulf %mul3A_207, %mul3A_211 : vector<256x128xf32>
    %mul3A_213 = arith.mulf %slice3A_32, %dot_general3A_175 : vector<256x128xf32>
    %get3A_214 = arith.constant 0 : index
    %get3A_215 = arith.constant 0 : index
    %get3A_216 = vector.load %arg7[%get3A_214, %get3A_215] : memref<1x128xf32, #tpu.memory_space<vmem>>, vector<1x128xf32>
    %mul3A_217 = vector.broadcast %get3A_216 : vector<1x128xf32> to vector<256x128xf32>
    %mul3A_218 = arith.mulf %mul3A_213, %mul3A_217 : vector<256x128xf32>
    %mul3A_219 = arith.mulf %mul3A_212, %dot_general3A_204 : vector<256x128xf32>
    %mul3A_220 = arith.mulf %mul3A_218, %dot_general3A_206 : vector<256x128xf32>
    %sub3A_221 = arith.subf %mul3A_219, %mul3A_220 : vector<256x128xf32>
    %mul3A_222 = arith.mulf %mul3A_218, %dot_general3A_204 : vector<256x128xf32>
    %mul3A_223 = arith.mulf %mul3A_212, %dot_general3A_206 : vector<256x128xf32>
    %add3A_224 = arith.addf %mul3A_222, %mul3A_223 : vector<256x128xf32>
    %slice3A_225 = vector.extract_strided_slice %sub3A_221 {offsets = [0, 0], sizes = [256, 32], strides = [1, 1]} : vector<256x128xf32> to vector<256x32xf32>
    %slice3A_226 = vector.extract_strided_slice %add3A_224 {offsets = [0, 0], sizes = [256, 32], strides = [1, 1]} : vector<256x128xf32> to vector<256x32xf32>
    %concatenate3A_227 = tpu.concatenate %slice3A_225, %slice3A_226 in 1 : vector<256x32xf32>, vector<256x32xf32> -> vector<256x64xf32>
    %swap3A_228 = arith.constant 0 : index
    %swap3A_229 = arith.constant 0 : index
    %swap3A_230 = arith.constant 0 : index
    %swap3A_231 = vector.load %arg9[%swap3A_228, %swap3A_229, %swap3A_230] : memref<4x256x64xf32, #tpu.memory_space<vmem>>, vector<1x256x64xf32>
    %swap3A_232 = vector.shape_cast %swap3A_231 : vector<1x256x64xf32> to vector<256x64xf32>
    %swap3A_233 = vector.shape_cast %concatenate3A_227 : vector<256x64xf32> to vector<1x256x64xf32>
    tpu.vector_store %arg9[%swap3A_228, %swap3A_229, %swap3A_230], %swap3A_233 {strides = array<i32>} : memref<4x256x64xf32, #tpu.memory_space<vmem>>, vector<1x256x64xf32>,
    %slice3A_234 = vector.extract_strided_slice %slice3A_33 {offsets = [0, 0], sizes = [256, 64], strides = [1, 1]} : vector<256x256xf32> to vector<256x64xf32>
    %swap3A_235 = arith.constant 0 : index
    %swap3A_236 = arith.constant 0 : index
    %swap3A_237 = arith.constant 0 : index
    %swap3A_238 = vector.load %arg10[%swap3A_235, %swap3A_236, %swap3A_237] : memref<4x256x64xf32, #tpu.memory_space<vmem>>, vector<1x256x64xf32>
    %swap3A_239 = vector.shape_cast %swap3A_238 : vector<1x256x64xf32> to vector<256x64xf32>
    %swap3A_240 = vector.shape_cast %slice3A_234 : vector<256x64xf32> to vector<1x256x64xf32>
    tpu.vector_store %arg10[%swap3A_235, %swap3A_236, %swap3A_237], %swap3A_240 {strides = array<i32>} : memref<4x256x64xf32, #tpu.memory_space<vmem>>, vector<1x256x64xf32>,
    %slice3A_241 = vector.extract_strided_slice %sub3A_221 {offsets = [0, 32], sizes = [256, 32], strides = [1, 1]} : vector<256x128xf32> to vector<256x32xf32>
    %slice3A_242 = vector.extract_strided_slice %add3A_224 {offsets = [0, 32], sizes = [256, 32], strides = [1, 1]} : vector<256x128xf32> to vector<256x32xf32>
    %concatenate3A_243 = tpu.concatenate %slice3A_241, %slice3A_242 in 1 : vector<256x32xf32>, vector<256x32xf32> -> vector<256x64xf32>
    %swap3A_244 = arith.constant 1 : index
    %swap3A_245 = arith.constant 0 : index
    %swap3A_246 = arith.constant 0 : index
    %swap3A_247 = vector.load %arg9[%swap3A_244, %swap3A_245, %swap3A_246] : memref<4x256x64xf32, #tpu.memory_space<vmem>>, vector<1x256x64xf32>
    %swap3A_248 = vector.shape_cast %swap3A_247 : vector<1x256x64xf32> to vector<256x64xf32>
    %swap3A_249 = vector.shape_cast %concatenate3A_243 : vector<256x64xf32> to vector<1x256x64xf32>
    tpu.vector_store %arg9[%swap3A_244, %swap3A_245, %swap3A_246], %swap3A_249 {strides = array<i32>} : memref<4x256x64xf32, #tpu.memory_space<vmem>>, vector<1x256x64xf32>,
    %slice3A_250 = vector.extract_strided_slice %slice3A_33 {offsets = [0, 64], sizes = [256, 64], strides = [1, 1]} : vector<256x256xf32> to vector<256x64xf32>
    %swap3A_251 = arith.constant 1 : index
    %swap3A_252 = arith.constant 0 : index
    %swap3A_253 = arith.constant 0 : index
    %swap3A_254 = vector.load %arg10[%swap3A_251, %swap3A_252, %swap3A_253] : memref<4x256x64xf32, #tpu.memory_space<vmem>>, vector<1x256x64xf32>
    %swap3A_255 = vector.shape_cast %swap3A_254 : vector<1x256x64xf32> to vector<256x64xf32>
    %swap3A_256 = vector.shape_cast %slice3A_250 : vector<256x64xf32> to vector<1x256x64xf32>
    tpu.vector_store %arg10[%swap3A_251, %swap3A_252, %swap3A_253], %swap3A_256 {strides = array<i32>} : memref<4x256x64xf32, #tpu.memory_space<vmem>>, vector<1x256x64xf32>,
    %slice3A_257 = vector.extract_strided_slice %sub3A_221 {offsets = [0, 64], sizes = [256, 32], strides = [1, 1]} : vector<256x128xf32> to vector<256x32xf32>
    %slice3A_258 = vector.extract_strided_slice %add3A_224 {offsets = [0, 64], sizes = [256, 32], strides = [1, 1]} : vector<256x128xf32> to vector<256x32xf32>
    %concatenate3A_259 = tpu.concatenate %slice3A_257, %slice3A_258 in 1 : vector<256x32xf32>, vector<256x32xf32> -> vector<256x64xf32>
    %swap3A_260 = arith.constant 2 : index
    %swap3A_261 = arith.constant 0 : index
    %swap3A_262 = arith.constant 0 : index
    %swap3A_263 = vector.load %arg9[%swap3A_260, %swap3A_261, %swap3A_262] : memref<4x256x64xf32, #tpu.memory_space<vmem>>, vector<1x256x64xf32>
    %swap3A_264 = vector.shape_cast %swap3A_263 : vector<1x256x64xf32> to vector<256x64xf32>
    %swap3A_265 = vector.shape_cast %concatenate3A_259 : vector<256x64xf32> to vector<1x256x64xf32>
    tpu.vector_store %arg9[%swap3A_260, %swap3A_261, %swap3A_262], %swap3A_265 {strides = array<i32>} : memref<4x256x64xf32, #tpu.memory_space<vmem>>, vector<1x256x64xf32>,
    %slice3A_266 = vector.extract_strided_slice %slice3A_33 {offsets = [0, 128], sizes = [256, 64], strides = [1, 1]} : vector<256x256xf32> to vector<256x64xf32>
    %swap3A_267 = arith.constant 2 : index
    %swap3A_268 = arith.constant 0 : index
    %swap3A_269 = arith.constant 0 : index
    %swap3A_270 = vector.load %arg10[%swap3A_267, %swap3A_268, %swap3A_269] : memref<4x256x64xf32, #tpu.memory_space<vmem>>, vector<1x256x64xf32>
    %swap3A_271 = vector.shape_cast %swap3A_270 : vector<1x256x64xf32> to vector<256x64xf32>
    %swap3A_272 = vector.shape_cast %slice3A_266 : vector<256x64xf32> to vector<1x256x64xf32>
    tpu.vector_store %arg10[%swap3A_267, %swap3A_268, %swap3A_269], %swap3A_272 {strides = array<i32>} : memref<4x256x64xf32, #tpu.memory_space<vmem>>, vector<1x256x64xf32>,
    %slice3A_273 = vector.extract_strided_slice %sub3A_221 {offsets = [0, 96], sizes = [256, 32], strides = [1, 1]} : vector<256x128xf32> to vector<256x32xf32>
    %slice3A_274 = vector.extract_strided_slice %add3A_224 {offsets = [0, 96], sizes = [256, 32], strides = [1, 1]} : vector<256x128xf32> to vector<256x32xf32>
    %concatenate3A_275 = tpu.concatenate %slice3A_273, %slice3A_274 in 1 : vector<256x32xf32>, vector<256x32xf32> -> vector<256x64xf32>
    %swap3A_276 = arith.constant 3 : index
    %swap3A_277 = arith.constant 0 : index
    %swap3A_278 = arith.constant 0 : index
    %swap3A_279 = vector.load %arg9[%swap3A_276, %swap3A_277, %swap3A_278] : memref<4x256x64xf32, #tpu.memory_space<vmem>>, vector<1x256x64xf32>
    %swap3A_280 = vector.shape_cast %swap3A_279 : vector<1x256x64xf32> to vector<256x64xf32>
    %swap3A_281 = vector.shape_cast %concatenate3A_275 : vector<256x64xf32> to vector<1x256x64xf32>
    tpu.vector_store %arg9[%swap3A_276, %swap3A_277, %swap3A_278], %swap3A_281 {strides = array<i32>} : memref<4x256x64xf32, #tpu.memory_space<vmem>>, vector<1x256x64xf32>,
    %slice3A_282 = vector.extract_strided_slice %slice3A_33 {offsets = [0, 192], sizes = [256, 64], strides = [1, 1]} : vector<256x256xf32> to vector<256x64xf32>
    %swap3A_283 = arith.constant 3 : index
    %swap3A_284 = arith.constant 0 : index
    %swap3A_285 = arith.constant 0 : index
    %swap3A_286 = vector.load %arg10[%swap3A_283, %swap3A_284, %swap3A_285] : memref<4x256x64xf32, #tpu.memory_space<vmem>>, vector<1x256x64xf32>
    %swap3A_287 = vector.shape_cast %swap3A_286 : vector<1x256x64xf32> to vector<256x64xf32>
    %swap3A_288 = vector.shape_cast %slice3A_282 : vector<256x64xf32> to vector<1x256x64xf32>
    tpu.vector_store %arg10[%swap3A_283, %swap3A_284, %swap3A_285], %swap3A_288 {strides = array<i32>} : memref<4x256x64xf32, #tpu.memory_space<vmem>>, vector<1x256x64xf32>,
    return
  }
  func.func @transform_0(%arg0: i32) -> (i32, i32) {
    %c0_i32 = arith.constant 0 : i32
    %c0_i32_0 = arith.constant 0 : i32
    return %arg0, %c0_i32 : i32, i32
  }
  func.func @transform_1(%arg0: i32) -> (i32, i32) {
    %c0_i32 = arith.constant 0 : i32
    %c0_i32_0 = arith.constant 0 : i32
    %c0_i32_1 = arith.constant 0 : i32
    return %c0_i32, %c0_i32_0 : i32, i32
  }
  func.func @transform_2(%arg0: i32) -> (i32, i32) {
    %c0_i32 = arith.constant 0 : i32
    %c0_i32_0 = arith.constant 0 : i32
    %c0_i32_1 = arith.constant 0 : i32
    return %c0_i32, %c0_i32_0 : i32, i32
  }
  func.func @transform_3(%arg0: i32) -> (i32, i32) {
    %c0_i32 = arith.constant 0 : i32
    %c0_i32_0 = arith.constant 0 : i32
    %c0_i32_1 = arith.constant 0 : i32
    return %c0_i32, %c0_i32_0 : i32, i32
  }
  func.func @transform_4(%arg0: i32) -> (i32, i32) {
    %c0_i32 = arith.constant 0 : i32
    %c0_i32_0 = arith.constant 0 : i32
    %c0_i32_1 = arith.constant 0 : i32
    return %c0_i32, %c0_i32_0 : i32, i32
  }
  func.func @transform_5(%arg0: i32) -> (i32, i32) {
    %c0_i32 = arith.constant 0 : i32
    %c0_i32_0 = arith.constant 0 : i32
    %c0_i32_1 = arith.constant 0 : i32
    return %c0_i32, %c0_i32_0 : i32, i32
  }
  func.func @transform_6(%arg0: i32) -> (i32, i32) {
    %c0_i32 = arith.constant 0 : i32
    %c0_i32_0 = arith.constant 0 : i32
    %c0_i32_1 = arith.constant 0 : i32
    return %c0_i32, %c0_i32_0 : i32, i32
  }
  func.func @transform_7(%arg0: i32) -> (i32, i32) {
    %c0_i32 = arith.constant 0 : i32
    %c0_i32_0 = arith.constant 0 : i32
    return %arg0, %c0_i32 : i32, i32
  }
  func.func @transform_8(%arg0: i32) -> (i32, i32, i32) {
    %c0_i32 = arith.constant 0 : i32
    %c0_i32_0 = arith.constant 0 : i32
    %c0_i32_1 = arith.constant 0 : i32
    return %c0_i32, %arg0, %c0_i32_0 : i32, i32, i32
  }
  func.func @transform_9(%arg0: i32) -> (i32, i32, i32) {
    %c0_i32 = arith.constant 0 : i32
    %c0_i32_0 = arith.constant 0 : i32
    %c0_i32_1 = arith.constant 0 : i32
    return %c0_i32, %arg0, %c0_i32_0 : i32, i32, i32
  }
}

module attributes {stable_mosaic.version = 14 : i64} {
  func.func @_post_attn_kernel(%arg0: i32, %arg1: memref<512x1024xf32, #tpu.memory_space<vmem>>, %arg2: memref<512x1024xf32, #tpu.memory_space<vmem>>, %arg3: memref<1024x1024xf32, #tpu.memory_space<vmem>>, %arg4: memref<1x1024xf32, #tpu.memory_space<vmem>>, %arg5: memref<512x1024xf32, #tpu.memory_space<vmem>>, %arg6: memref<512x1024xf32, #tpu.memory_space<vmem>>) attributes {dimension_semantics = [#tpu.dimension_semantics<arbitrary>], iteration_bounds = array<i64: 4>, scalar_prefetch = 0 : i64, scratch_operands = 0 : i64, tpu.core_type = #tpu.core_type<tc>, window_params = [{transform_indices = @transform_0, window_bounds = array<i64: 512, 1024>}, {transform_indices = @transform_1, window_bounds = array<i64: 512, 1024>}, {pipeline_mode = #tpu.pipeline_mode<synchronous>, transform_indices = @transform_2, window_bounds = array<i64: 1024, 1024>}, {pipeline_mode = #tpu.pipeline_mode<synchronous>, transform_indices = @transform_3, window_bounds = array<i64: 1, 1024>}, {transform_indices = @transform_4, window_bounds = array<i64: 512, 1024>}, {transform_indices = @transform_5, window_bounds = array<i64: 512, 1024>}]} {
    %get3A = arith.constant 0 : index
    %get3A_0 = arith.constant 0 : index
    %get3A_1 = vector.load %arg2[%get3A, %get3A_0] : memref<512x1024xf32, #tpu.memory_space<vmem>>, vector<512x1024xf32>
    %get3A_2 = arith.constant 0 : index
    %get3A_3 = arith.constant 0 : index
    %get3A_4 = vector.load %arg1[%get3A_2, %get3A_3] : memref<512x1024xf32, #tpu.memory_space<vmem>>, vector<512x1024xf32>
    %get3A_5 = arith.constant 0 : index
    %get3A_6 = arith.constant 0 : index
    %get3A_7 = vector.load %arg3[%get3A_5, %get3A_6] : memref<1024x1024xf32, #tpu.memory_space<vmem>>, vector<1024x1024xf32>
    %dot_general3A = arith.constant dense<0.000000e+00> : vector<512x1024xf32>
    %dot_general3A_8 = tpu.matmul %get3A_4, %get3A_7, %dot_general3A {dimension_numbers = #tpu.dot_dimension_numbers<[1], [0], [0], [1], [0, 0, 1, 1], [], []>, transpose_lhs_hint = false} : vector<512x1024xf32>, vector<1024x1024xf32>, vector<512x1024xf32> -> vector<512x1024xf32>
    %add3A = arith.addf %get3A_1, %dot_general3A_8 : vector<512x1024xf32>
    %swap3A = arith.constant 0 : index
    %swap3A_9 = arith.constant 0 : index
    %swap3A_10 = vector.load %arg5[%swap3A, %swap3A_9] : memref<512x1024xf32, #tpu.memory_space<vmem>>, vector<512x1024xf32>
    tpu.vector_store %arg5[%swap3A, %swap3A_9], %add3A {strides = array<i32>} : memref<512x1024xf32, #tpu.memory_space<vmem>>, vector<512x1024xf32>,
    %get3A_11 = arith.constant 0 : index
    %get3A_12 = arith.constant 0 : index
    %get3A_13 = vector.load %arg4[%get3A_11, %get3A_12] : memref<1x1024xf32, #tpu.memory_space<vmem>>, vector<1x1024xf32>
    %mul3A = arith.mulf %add3A, %add3A : vector<512x1024xf32>
    %reduce_sum3A = arith.constant dense<0.000000e+00> : vector<512xf32>
    %reduce_sum3A_14 = vector.multi_reduction <add>, %mul3A, %reduce_sum3A [1] : vector<512x1024xf32> to vector<512xf32>
    %broadcast_in_dim3A = vector.shape_cast %reduce_sum3A_14 : vector<512xf32> to vector<512x1xf32>
    %div3A = arith.constant 1.024000e+03 : f32
    %div3A_15 = vector.broadcast %div3A : f32 to vector<512x1xf32>
    %div3A_16 = arith.divf %broadcast_in_dim3A, %div3A_15 : vector<512x1xf32>
    %add3A_17 = arith.constant 9.99999997E-7 : f32
    %add3A_18 = vector.broadcast %add3A_17 : f32 to vector<512x1xf32>
    %add3A_19 = arith.addf %div3A_16, %add3A_18 : vector<512x1xf32>
    %rsqrt3A = math.rsqrt %add3A_19 : vector<512x1xf32>
    %mul3A_20 = vector.broadcast %rsqrt3A : vector<512x1xf32> to vector<512x1024xf32>
    %mul3A_21 = arith.mulf %add3A, %mul3A_20 : vector<512x1024xf32>
    %mul3A_22 = vector.broadcast %get3A_13 : vector<1x1024xf32> to vector<512x1024xf32>
    %mul3A_23 = arith.mulf %mul3A_21, %mul3A_22 : vector<512x1024xf32>
    %swap3A_24 = arith.constant 0 : index
    %swap3A_25 = arith.constant 0 : index
    %swap3A_26 = vector.load %arg6[%swap3A_24, %swap3A_25] : memref<512x1024xf32, #tpu.memory_space<vmem>>, vector<512x1024xf32>
    tpu.vector_store %arg6[%swap3A_24, %swap3A_25], %mul3A_23 {strides = array<i32>} : memref<512x1024xf32, #tpu.memory_space<vmem>>, vector<512x1024xf32>,
    return
  }
  func.func @transform_0(%arg0: i32) -> (i32, i32) {
    %c0_i32 = arith.constant 0 : i32
    %c0_i32_0 = arith.constant 0 : i32
    return %arg0, %c0_i32 : i32, i32
  }
  func.func @transform_1(%arg0: i32) -> (i32, i32) {
    %c0_i32 = arith.constant 0 : i32
    %c0_i32_0 = arith.constant 0 : i32
    return %arg0, %c0_i32 : i32, i32
  }
  func.func @transform_2(%arg0: i32) -> (i32, i32) {
    %c0_i32 = arith.constant 0 : i32
    %c0_i32_0 = arith.constant 0 : i32
    %c0_i32_1 = arith.constant 0 : i32
    return %c0_i32, %c0_i32_0 : i32, i32
  }
  func.func @transform_3(%arg0: i32) -> (i32, i32) {
    %c0_i32 = arith.constant 0 : i32
    %c0_i32_0 = arith.constant 0 : i32
    %c0_i32_1 = arith.constant 0 : i32
    return %c0_i32, %c0_i32_0 : i32, i32
  }
  func.func @transform_4(%arg0: i32) -> (i32, i32) {
    %c0_i32 = arith.constant 0 : i32
    %c0_i32_0 = arith.constant 0 : i32
    return %arg0, %c0_i32 : i32, i32
  }
  func.func @transform_5(%arg0: i32) -> (i32, i32) {
    %c0_i32 = arith.constant 0 : i32
    %c0_i32_0 = arith.constant 0 : i32
    return %arg0, %c0_i32 : i32, i32
  }
}

module attributes {stable_mosaic.version = 14 : i64} {
  func.func @_router_kernel(%arg0: i32, %arg1: memref<2048x1024xf32, #tpu.memory_space<vmem>>, %arg2: memref<1024x8xf32, #tpu.memory_space<vmem>>, %arg3: memref<2048x8xf32, #tpu.memory_space<vmem>>, %arg4: memref<2048x1xi32, #tpu.memory_space<vmem>>, %arg5: memref<2048x1xi32, #tpu.memory_space<vmem>>, %arg6: memref<1x32xi32, #tpu.memory_space<vmem>>) attributes {dimension_semantics = [#tpu.dimension_semantics<arbitrary>], iteration_bounds = array<i64: 1>, scalar_prefetch = 0 : i64, scratch_operands = 0 : i64, tpu.core_type = #tpu.core_type<tc>, window_params = [{pipeline_mode = #tpu.pipeline_mode<synchronous>, transform_indices = @transform_0, window_bounds = array<i64: 2048, 1024>}, {pipeline_mode = #tpu.pipeline_mode<synchronous>, transform_indices = @transform_1, window_bounds = array<i64: 1024, 8>}, {pipeline_mode = #tpu.pipeline_mode<synchronous>, transform_indices = @transform_2, window_bounds = array<i64: 2048, 8>}, {pipeline_mode = #tpu.pipeline_mode<synchronous>, transform_indices = @transform_3, window_bounds = array<i64: 2048, 1>}, {pipeline_mode = #tpu.pipeline_mode<synchronous>, transform_indices = @transform_4, window_bounds = array<i64: 2048, 1>}, {pipeline_mode = #tpu.pipeline_mode<synchronous>, transform_indices = @transform_5, window_bounds = array<i64: 1, 32>}]} {
    %get3A = arith.constant 0 : index
    %get3A_0 = arith.constant 0 : index
    %get3A_1 = vector.load %arg1[%get3A, %get3A_0] : memref<2048x1024xf32, #tpu.memory_space<vmem>>, vector<2048x1024xf32>
    %get3A_2 = arith.constant 0 : index
    %get3A_3 = arith.constant 0 : index
    %get3A_4 = vector.load %arg2[%get3A_2, %get3A_3] : memref<1024x8xf32, #tpu.memory_space<vmem>>, vector<1024x8xf32>
    %dot_general3A = arith.constant dense<0.000000e+00> : vector<2048x8xf32>
    %dot_general3A_5 = tpu.matmul %get3A_1, %get3A_4, %dot_general3A {dimension_numbers = #tpu.dot_dimension_numbers<[1], [0], [0], [1], [0, 0, 1, 1], [], []>, transpose_lhs_hint = false} : vector<2048x1024xf32>, vector<1024x8xf32>, vector<2048x8xf32> -> vector<2048x8xf32>
    %reduce_max3A = arith.constant dense<0xFF800000> : vector<2048xf32>
    %reduce_max3A_6 = vector.multi_reduction <maximumf>, %dot_general3A_5, %reduce_max3A [1] : vector<2048x8xf32> to vector<2048xf32>
    %broadcast_in_dim3A = vector.shape_cast %reduce_max3A_6 : vector<2048xf32> to vector<2048x1xf32>
    %sub3A = vector.broadcast %broadcast_in_dim3A : vector<2048x1xf32> to vector<2048x8xf32>
    %sub3A_7 = arith.subf %dot_general3A_5, %sub3A : vector<2048x8xf32>
    %exp3A = math.exp %sub3A_7 : vector<2048x8xf32>
    %reduce_sum3A = arith.constant dense<0.000000e+00> : vector<2048xf32>
    %reduce_sum3A_8 = vector.multi_reduction <add>, %exp3A, %reduce_sum3A [1] : vector<2048x8xf32> to vector<2048xf32>
    %broadcast_in_dim3A_9 = vector.shape_cast %reduce_sum3A_8 : vector<2048xf32> to vector<2048x1xf32>
    %div3A = vector.broadcast %broadcast_in_dim3A_9 : vector<2048x1xf32> to vector<2048x8xf32>
    %div3A_10 = arith.divf %exp3A, %div3A : vector<2048x8xf32>
    %iota3A = tpu.iota {dimensions = array<i32: 1>} : vector<2048x8xi32>
    %reduce_max3A_11 = arith.constant dense<0xFF800000> : vector<2048xf32>
    %reduce_max3A_12 = vector.multi_reduction <maximumf>, %div3A_10, %reduce_max3A_11 [1] : vector<2048x8xf32> to vector<2048xf32>
    %broadcast_in_dim3A_13 = vector.shape_cast %reduce_max3A_12 : vector<2048xf32> to vector<2048x1xf32>
    %eq3A = vector.broadcast %broadcast_in_dim3A_13 : vector<2048x1xf32> to vector<2048x8xf32>
    %eq3A_14 = arith.cmpf oeq, %div3A_10, %eq3A : vector<2048x8xf32>
    %jit3A = arith.constant 8 : i32
    %broadcast_in_dim3A_15 = vector.broadcast %jit3A : i32 to vector<2048x8xi32>
    %select_n3A = arith.select %eq3A_14, %iota3A, %broadcast_in_dim3A_15 : vector<2048x8xi1>, vector<2048x8xi32>
    %reduce_min3A = arith.constant dense<2147483647> : vector<2048xi32>
    %reduce_min3A_16 = vector.multi_reduction <minsi>, %select_n3A, %reduce_min3A [1] : vector<2048x8xi32> to vector<2048xi32>
    %broadcast_in_dim3A_17 = vector.shape_cast %reduce_min3A_16 : vector<2048xi32> to vector<2048x1xi32>
    %eq3A_18 = vector.broadcast %broadcast_in_dim3A_17 : vector<2048x1xi32> to vector<2048x8xi32>
    %eq3A_19 = arith.cmpi eq, %iota3A, %eq3A_18 : vector<2048x8xi32>
    %jit3A_20 = arith.constant -1.000000e+00 : f32
    %broadcast_in_dim3A_21 = vector.broadcast %jit3A_20 : f32 to vector<2048x8xf32>
    %select_n3A_22 = arith.select %eq3A_19, %broadcast_in_dim3A_21, %div3A_10 : vector<2048x8xi1>, vector<2048x8xf32>
    %reduce_max3A_23 = arith.constant dense<0xFF800000> : vector<2048xf32>
    %reduce_max3A_24 = vector.multi_reduction <maximumf>, %select_n3A_22, %reduce_max3A_23 [1] : vector<2048x8xf32> to vector<2048xf32>
    %broadcast_in_dim3A_25 = vector.shape_cast %reduce_max3A_24 : vector<2048xf32> to vector<2048x1xf32>
    %eq3A_26 = vector.broadcast %broadcast_in_dim3A_25 : vector<2048x1xf32> to vector<2048x8xf32>
    %eq3A_27 = arith.cmpf oeq, %select_n3A_22, %eq3A_26 : vector<2048x8xf32>
    %jit3A_28 = arith.constant 8 : i32
    %broadcast_in_dim3A_29 = vector.broadcast %jit3A_28 : i32 to vector<2048x8xi32>
    %select_n3A_30 = arith.select %eq3A_27, %iota3A, %broadcast_in_dim3A_29 : vector<2048x8xi1>, vector<2048x8xi32>
    %reduce_min3A_31 = arith.constant dense<2147483647> : vector<2048xi32>
    %reduce_min3A_32 = vector.multi_reduction <minsi>, %select_n3A_30, %reduce_min3A_31 [1] : vector<2048x8xi32> to vector<2048xi32>
    %broadcast_in_dim3A_33 = vector.shape_cast %reduce_min3A_32 : vector<2048xi32> to vector<2048x1xi32>
    %eq3A_34 = vector.broadcast %broadcast_in_dim3A_33 : vector<2048x1xi32> to vector<2048x8xi32>
    %eq3A_35 = arith.cmpi eq, %iota3A, %eq3A_34 : vector<2048x8xi32>
    %add3A = arith.addf %broadcast_in_dim3A_13, %broadcast_in_dim3A_25 : vector<2048x1xf32>
    %eq3A_36 = arith.constant 0.000000e+00 : f32
    %eq3A_37 = vector.broadcast %eq3A_36 : f32 to vector<2048x1xf32>
    %eq3A_38 = arith.cmpf oeq, %add3A, %eq3A_37 : vector<2048x1xf32>
    %jit3A_39 = arith.constant 1.000000e+00 : f32
    %broadcast_in_dim3A_40 = vector.broadcast %jit3A_39 : f32 to vector<2048x1xf32>
    %select_n3A_41 = arith.select %eq3A_38, %broadcast_in_dim3A_40, %add3A : vector<2048x1xi1>, vector<2048x1xf32>
    %div3A_42 = arith.divf %broadcast_in_dim3A_13, %select_n3A_41 : vector<2048x1xf32>
    %div3A_43 = arith.divf %broadcast_in_dim3A_25, %select_n3A_41 : vector<2048x1xf32>
    %broadcast_in_dim3A_44 = arith.constant 0.000000e+00 : f32
    %broadcast_in_dim3A_45 = vector.broadcast %broadcast_in_dim3A_44 : f32 to vector<2048x6xf32>
    %concatenate3A = tpu.concatenate %div3A_42, %div3A_43, %broadcast_in_dim3A_45 in 1 : vector<2048x1xf32>, vector<2048x1xf32>, vector<2048x6xf32> -> vector<2048x8xf32>
    %swap3A = arith.constant 0 : index
    %swap3A_46 = arith.constant 0 : index
    %swap3A_47 = vector.load %arg3[%swap3A, %swap3A_46] : memref<2048x8xf32, #tpu.memory_space<vmem>>, vector<2048x8xf32>
    tpu.vector_store %arg3[%swap3A, %swap3A_46], %concatenate3A {strides = array<i32>} : memref<2048x8xf32, #tpu.memory_space<vmem>>, vector<2048x8xf32>,
    %jit3A_48 = arith.constant 0.000000e+00 : f32
    %broadcast_in_dim3A_49 = vector.shape_cast %div3A_42 : vector<2048x1xf32> to vector<2048x1xf32>
    %broadcast_in_dim3A_50 = vector.broadcast %broadcast_in_dim3A_49 : vector<2048x1xf32> to vector<2048x8xf32>
    %broadcast_in_dim3A_51 = vector.broadcast %jit3A_48 : f32 to vector<2048x8xf32>
    %select_n3A_52 = arith.select %eq3A_19, %broadcast_in_dim3A_50, %broadcast_in_dim3A_51 : vector<2048x8xi1>, vector<2048x8xf32>
    %jit3A_53 = arith.constant 0.000000e+00 : f32
    %broadcast_in_dim3A_54 = vector.shape_cast %div3A_43 : vector<2048x1xf32> to vector<2048x1xf32>
    %broadcast_in_dim3A_55 = vector.broadcast %broadcast_in_dim3A_54 : vector<2048x1xf32> to vector<2048x8xf32>
    %broadcast_in_dim3A_56 = vector.broadcast %jit3A_53 : f32 to vector<2048x8xf32>
    %select_n3A_57 = arith.select %eq3A_35, %broadcast_in_dim3A_55, %broadcast_in_dim3A_56 : vector<2048x8xi1>, vector<2048x8xf32>
    %add3A_58 = arith.addf %select_n3A_52, %select_n3A_57 : vector<2048x8xf32>
    %gt3A = arith.constant 0.000000e+00 : f32
    %gt3A_59 = vector.broadcast %gt3A : f32 to vector<2048x8xf32>
    %gt3A_60 = arith.cmpf ogt, %add3A_58, %gt3A_59 : vector<2048x8xf32>
    %convert_element_type3A = arith.extui %gt3A_60 : vector<2048x8xi1> to vector<2048x8xi32>
    %convert_element_type3A_61 = arith.sitofp %convert_element_type3A : vector<2048x8xi32> to vector<2048x8xf32>
    %iota3A_62 = tpu.iota {dimensions = array<i32: 0>} : vector<256x256xi32>
    %iota3A_63 = tpu.iota {dimensions = array<i32: 1>} : vector<256x256xi32>
    %lt3A = arith.cmpi slt, %iota3A_63, %iota3A_62 : vector<256x256xi32>
    %convert_element_type3A_64 = arith.extui %lt3A : vector<256x256xi1> to vector<256x256xi32>
    %convert_element_type3A_65 = arith.sitofp %convert_element_type3A_64 : vector<256x256xi32> to vector<256x256xf32>
    %broadcast_in_dim3A_66 = arith.constant 1.000000e+00 : f32
    %broadcast_in_dim3A_67 = vector.broadcast %broadcast_in_dim3A_66 : f32 to vector<1x256xf32>
    %broadcast_in_dim3A_68 = arith.constant 0.000000e+00 : f32
    %broadcast_in_dim3A_69 = vector.broadcast %broadcast_in_dim3A_68 : f32 to vector<1x8xf32>
    %slice3A = vector.extract_strided_slice %convert_element_type3A_61 {offsets = [0, 0], sizes = [256, 8], strides = [1, 1]} : vector<2048x8xf32> to vector<256x8xf32>
    %dot_general3A_70 = arith.constant dense<0.000000e+00> : vector<256x8xf32>
    %dot_general3A_71 = tpu.matmul %convert_element_type3A_65, %slice3A, %dot_general3A_70 {dimension_numbers = #tpu.dot_dimension_numbers<[1], [0], [0], [1], [0, 0, 1, 1], [], []>, transpose_lhs_hint = false} : vector<256x256xf32>, vector<256x8xf32>, vector<256x8xf32> -> vector<256x8xf32>
    %add3A_72 = vector.broadcast %broadcast_in_dim3A_69 : vector<1x8xf32> to vector<256x8xf32>
    %add3A_73 = arith.addf %dot_general3A_71, %add3A_72 : vector<256x8xf32>
    %dot_general3A_74 = arith.constant dense<0.000000e+00> : vector<1x8xf32>
    %dot_general3A_75 = tpu.matmul %broadcast_in_dim3A_67, %slice3A, %dot_general3A_74 {dimension_numbers = #tpu.dot_dimension_numbers<[1], [0], [0], [1], [0, 0, 1, 1], [], []>, transpose_lhs_hint = false} : vector<1x256xf32>, vector<256x8xf32>, vector<1x8xf32> -> vector<1x8xf32>
    %add3A_76 = arith.addf %broadcast_in_dim3A_69, %dot_general3A_75 : vector<1x8xf32>
    %slice3A_77 = vector.extract_strided_slice %convert_element_type3A_61 {offsets = [256, 0], sizes = [256, 8], strides = [1, 1]} : vector<2048x8xf32> to vector<256x8xf32>
    %dot_general3A_78 = arith.constant dense<0.000000e+00> : vector<256x8xf32>
    %dot_general3A_79 = tpu.matmul %convert_element_type3A_65, %slice3A_77, %dot_general3A_78 {dimension_numbers = #tpu.dot_dimension_numbers<[1], [0], [0], [1], [0, 0, 1, 1], [], []>, transpose_lhs_hint = false} : vector<256x256xf32>, vector<256x8xf32>, vector<256x8xf32> -> vector<256x8xf32>
    %add3A_80 = vector.broadcast %add3A_76 : vector<1x8xf32> to vector<256x8xf32>
    %add3A_81 = arith.addf %dot_general3A_79, %add3A_80 : vector<256x8xf32>
    %dot_general3A_82 = arith.constant dense<0.000000e+00> : vector<1x8xf32>
    %dot_general3A_83 = tpu.matmul %broadcast_in_dim3A_67, %slice3A_77, %dot_general3A_82 {dimension_numbers = #tpu.dot_dimension_numbers<[1], [0], [0], [1], [0, 0, 1, 1], [], []>, transpose_lhs_hint = false} : vector<1x256xf32>, vector<256x8xf32>, vector<1x8xf32> -> vector<1x8xf32>
    %add3A_84 = arith.addf %add3A_76, %dot_general3A_83 : vector<1x8xf32>
    %slice3A_85 = vector.extract_strided_slice %convert_element_type3A_61 {offsets = [512, 0], sizes = [256, 8], strides = [1, 1]} : vector<2048x8xf32> to vector<256x8xf32>
    %dot_general3A_86 = arith.constant dense<0.000000e+00> : vector<256x8xf32>
    %dot_general3A_87 = tpu.matmul %convert_element_type3A_65, %slice3A_85, %dot_general3A_86 {dimension_numbers = #tpu.dot_dimension_numbers<[1], [0], [0], [1], [0, 0, 1, 1], [], []>, transpose_lhs_hint = false} : vector<256x256xf32>, vector<256x8xf32>, vector<256x8xf32> -> vector<256x8xf32>
    %add3A_88 = vector.broadcast %add3A_84 : vector<1x8xf32> to vector<256x8xf32>
    %add3A_89 = arith.addf %dot_general3A_87, %add3A_88 : vector<256x8xf32>
    %dot_general3A_90 = arith.constant dense<0.000000e+00> : vector<1x8xf32>
    %dot_general3A_91 = tpu.matmul %broadcast_in_dim3A_67, %slice3A_85, %dot_general3A_90 {dimension_numbers = #tpu.dot_dimension_numbers<[1], [0], [0], [1], [0, 0, 1, 1], [], []>, transpose_lhs_hint = false} : vector<1x256xf32>, vector<256x8xf32>, vector<1x8xf32> -> vector<1x8xf32>
    %add3A_92 = arith.addf %add3A_84, %dot_general3A_91 : vector<1x8xf32>
    %slice3A_93 = vector.extract_strided_slice %convert_element_type3A_61 {offsets = [768, 0], sizes = [256, 8], strides = [1, 1]} : vector<2048x8xf32> to vector<256x8xf32>
    %dot_general3A_94 = arith.constant dense<0.000000e+00> : vector<256x8xf32>
    %dot_general3A_95 = tpu.matmul %convert_element_type3A_65, %slice3A_93, %dot_general3A_94 {dimension_numbers = #tpu.dot_dimension_numbers<[1], [0], [0], [1], [0, 0, 1, 1], [], []>, transpose_lhs_hint = false} : vector<256x256xf32>, vector<256x8xf32>, vector<256x8xf32> -> vector<256x8xf32>
    %add3A_96 = vector.broadcast %add3A_92 : vector<1x8xf32> to vector<256x8xf32>
    %add3A_97 = arith.addf %dot_general3A_95, %add3A_96 : vector<256x8xf32>
    %dot_general3A_98 = arith.constant dense<0.000000e+00> : vector<1x8xf32>
    %dot_general3A_99 = tpu.matmul %broadcast_in_dim3A_67, %slice3A_93, %dot_general3A_98 {dimension_numbers = #tpu.dot_dimension_numbers<[1], [0], [0], [1], [0, 0, 1, 1], [], []>, transpose_lhs_hint = false} : vector<1x256xf32>, vector<256x8xf32>, vector<1x8xf32> -> vector<1x8xf32>
    %add3A_100 = arith.addf %add3A_92, %dot_general3A_99 : vector<1x8xf32>
    %slice3A_101 = vector.extract_strided_slice %convert_element_type3A_61 {offsets = [1024, 0], sizes = [256, 8], strides = [1, 1]} : vector<2048x8xf32> to vector<256x8xf32>
    %dot_general3A_102 = arith.constant dense<0.000000e+00> : vector<256x8xf32>
    %dot_general3A_103 = tpu.matmul %convert_element_type3A_65, %slice3A_101, %dot_general3A_102 {dimension_numbers = #tpu.dot_dimension_numbers<[1], [0], [0], [1], [0, 0, 1, 1], [], []>, transpose_lhs_hint = false} : vector<256x256xf32>, vector<256x8xf32>, vector<256x8xf32> -> vector<256x8xf32>
    %add3A_104 = vector.broadcast %add3A_100 : vector<1x8xf32> to vector<256x8xf32>
    %add3A_105 = arith.addf %dot_general3A_103, %add3A_104 : vector<256x8xf32>
    %dot_general3A_106 = arith.constant dense<0.000000e+00> : vector<1x8xf32>
    %dot_general3A_107 = tpu.matmul %broadcast_in_dim3A_67, %slice3A_101, %dot_general3A_106 {dimension_numbers = #tpu.dot_dimension_numbers<[1], [0], [0], [1], [0, 0, 1, 1], [], []>, transpose_lhs_hint = false} : vector<1x256xf32>, vector<256x8xf32>, vector<1x8xf32> -> vector<1x8xf32>
    %add3A_108 = arith.addf %add3A_100, %dot_general3A_107 : vector<1x8xf32>
    %slice3A_109 = vector.extract_strided_slice %convert_element_type3A_61 {offsets = [1280, 0], sizes = [256, 8], strides = [1, 1]} : vector<2048x8xf32> to vector<256x8xf32>
    %dot_general3A_110 = arith.constant dense<0.000000e+00> : vector<256x8xf32>
    %dot_general3A_111 = tpu.matmul %convert_element_type3A_65, %slice3A_109, %dot_general3A_110 {dimension_numbers = #tpu.dot_dimension_numbers<[1], [0], [0], [1], [0, 0, 1, 1], [], []>, transpose_lhs_hint = false} : vector<256x256xf32>, vector<256x8xf32>, vector<256x8xf32> -> vector<256x8xf32>
    %add3A_112 = vector.broadcast %add3A_108 : vector<1x8xf32> to vector<256x8xf32>
    %add3A_113 = arith.addf %dot_general3A_111, %add3A_112 : vector<256x8xf32>
    %dot_general3A_114 = arith.constant dense<0.000000e+00> : vector<1x8xf32>
    %dot_general3A_115 = tpu.matmul %broadcast_in_dim3A_67, %slice3A_109, %dot_general3A_114 {dimension_numbers = #tpu.dot_dimension_numbers<[1], [0], [0], [1], [0, 0, 1, 1], [], []>, transpose_lhs_hint = false} : vector<1x256xf32>, vector<256x8xf32>, vector<1x8xf32> -> vector<1x8xf32>
    %add3A_116 = arith.addf %add3A_108, %dot_general3A_115 : vector<1x8xf32>
    %slice3A_117 = vector.extract_strided_slice %convert_element_type3A_61 {offsets = [1536, 0], sizes = [256, 8], strides = [1, 1]} : vector<2048x8xf32> to vector<256x8xf32>
    %dot_general3A_118 = arith.constant dense<0.000000e+00> : vector<256x8xf32>
    %dot_general3A_119 = tpu.matmul %convert_element_type3A_65, %slice3A_117, %dot_general3A_118 {dimension_numbers = #tpu.dot_dimension_numbers<[1], [0], [0], [1], [0, 0, 1, 1], [], []>, transpose_lhs_hint = false} : vector<256x256xf32>, vector<256x8xf32>, vector<256x8xf32> -> vector<256x8xf32>
    %add3A_120 = vector.broadcast %add3A_116 : vector<1x8xf32> to vector<256x8xf32>
    %add3A_121 = arith.addf %dot_general3A_119, %add3A_120 : vector<256x8xf32>
    %dot_general3A_122 = arith.constant dense<0.000000e+00> : vector<1x8xf32>
    %dot_general3A_123 = tpu.matmul %broadcast_in_dim3A_67, %slice3A_117, %dot_general3A_122 {dimension_numbers = #tpu.dot_dimension_numbers<[1], [0], [0], [1], [0, 0, 1, 1], [], []>, transpose_lhs_hint = false} : vector<1x256xf32>, vector<256x8xf32>, vector<1x8xf32> -> vector<1x8xf32>
    %add3A_124 = arith.addf %add3A_116, %dot_general3A_123 : vector<1x8xf32>
    %slice3A_125 = vector.extract_strided_slice %convert_element_type3A_61 {offsets = [1792, 0], sizes = [256, 8], strides = [1, 1]} : vector<2048x8xf32> to vector<256x8xf32>
    %dot_general3A_126 = arith.constant dense<0.000000e+00> : vector<256x8xf32>
    %dot_general3A_127 = tpu.matmul %convert_element_type3A_65, %slice3A_125, %dot_general3A_126 {dimension_numbers = #tpu.dot_dimension_numbers<[1], [0], [0], [1], [0, 0, 1, 1], [], []>, transpose_lhs_hint = false} : vector<256x256xf32>, vector<256x8xf32>, vector<256x8xf32> -> vector<256x8xf32>
    %add3A_128 = vector.broadcast %add3A_124 : vector<1x8xf32> to vector<256x8xf32>
    %add3A_129 = arith.addf %dot_general3A_127, %add3A_128 : vector<256x8xf32>
    %dot_general3A_130 = arith.constant dense<0.000000e+00> : vector<1x8xf32>
    %dot_general3A_131 = tpu.matmul %broadcast_in_dim3A_67, %slice3A_125, %dot_general3A_130 {dimension_numbers = #tpu.dot_dimension_numbers<[1], [0], [0], [1], [0, 0, 1, 1], [], []>, transpose_lhs_hint = false} : vector<1x256xf32>, vector<256x8xf32>, vector<1x8xf32> -> vector<1x8xf32>
    %add3A_132 = arith.addf %add3A_124, %dot_general3A_131 : vector<1x8xf32>
    %concatenate3A_133 = tpu.concatenate %add3A_73, %add3A_81, %add3A_89, %add3A_97, %add3A_105, %add3A_113, %add3A_121, %add3A_129 in 0 : vector<256x8xf32>, vector<256x8xf32>, vector<256x8xf32>, vector<256x8xf32>, vector<256x8xf32>, vector<256x8xf32>, vector<256x8xf32>, vector<256x8xf32> -> vector<2048x8xf32>
    %mul3A = arith.constant 3.906250e-03 : f32
    %mul3A_134 = vector.broadcast %mul3A : f32 to vector<1x8xf32>
    %mul3A_135 = arith.mulf %add3A_132, %mul3A_134 : vector<1x8xf32>
    %ceil3A = math.ceil %mul3A_135 : vector<1x8xf32>
    %mul3A_136 = arith.constant 2.560000e+02 : f32
    %mul3A_137 = vector.broadcast %mul3A_136 : f32 to vector<1x8xf32>
    %mul3A_138 = arith.mulf %ceil3A, %mul3A_137 : vector<1x8xf32>
    %iota3A_139 = tpu.iota {dimensions = array<i32: 0>} : vector<8x8xi32>
    %iota3A_140 = tpu.iota {dimensions = array<i32: 1>} : vector<8x8xi32>
    %lt3A_141 = arith.cmpi slt, %iota3A_139, %iota3A_140 : vector<8x8xi32>
    %convert_element_type3A_142 = arith.extui %lt3A_141 : vector<8x8xi1> to vector<8x8xi32>
    %convert_element_type3A_143 = arith.sitofp %convert_element_type3A_142 : vector<8x8xi32> to vector<8x8xf32>
    %dot_general3A_144 = arith.constant dense<0.000000e+00> : vector<1x8xf32>
    %dot_general3A_145 = tpu.matmul %mul3A_138, %convert_element_type3A_143, %dot_general3A_144 {dimension_numbers = #tpu.dot_dimension_numbers<[1], [0], [0], [1], [0, 0, 1, 1], [], []>, transpose_lhs_hint = false} : vector<1x8xf32>, vector<8x8xf32>, vector<1x8xf32> -> vector<1x8xf32>
    %add3A_146 = vector.broadcast %dot_general3A_145 : vector<1x8xf32> to vector<2048x8xf32>
    %add3A_147 = arith.addf %add3A_146, %concatenate3A_133 : vector<2048x8xf32>
    %jit3A_148 = arith.constant 0.000000e+00 : f32
    %broadcast_in_dim3A_149 = vector.broadcast %jit3A_148 : f32 to vector<2048x8xf32>
    %select_n3A_150 = arith.select %eq3A_19, %add3A_147, %broadcast_in_dim3A_149 : vector<2048x8xi1>, vector<2048x8xf32>
    %reduce_sum3A_151 = arith.constant dense<0.000000e+00> : vector<2048xf32>
    %reduce_sum3A_152 = vector.multi_reduction <add>, %select_n3A_150, %reduce_sum3A_151 [1] : vector<2048x8xf32> to vector<2048xf32>
    %broadcast_in_dim3A_153 = vector.shape_cast %reduce_sum3A_152 : vector<2048xf32> to vector<2048x1xf32>
    %jit3A_154 = arith.constant 0.000000e+00 : f32
    %broadcast_in_dim3A_155 = vector.broadcast %jit3A_154 : f32 to vector<2048x8xf32>
    %select_n3A_156 = arith.select %eq3A_35, %add3A_147, %broadcast_in_dim3A_155 : vector<2048x8xi1>, vector<2048x8xf32>
    %reduce_sum3A_157 = arith.constant dense<0.000000e+00> : vector<2048xf32>
    %reduce_sum3A_158 = vector.multi_reduction <add>, %select_n3A_156, %reduce_sum3A_157 [1] : vector<2048x8xf32> to vector<2048xf32>
    %broadcast_in_dim3A_159 = vector.shape_cast %reduce_sum3A_158 : vector<2048xf32> to vector<2048x1xf32>
    %gt3A_160 = arith.constant 0.000000e+00 : f32
    %gt3A_161 = vector.broadcast %gt3A_160 : f32 to vector<2048x1xf32>
    %gt3A_162 = arith.cmpf ogt, %div3A_42, %gt3A_161 : vector<2048x1xf32>
    %jit3A_163 = arith.constant 6.144000e+03 : f32
    %broadcast_in_dim3A_164 = vector.broadcast %jit3A_163 : f32 to vector<2048x1xf32>
    %select_n3A_165 = arith.select %gt3A_162, %broadcast_in_dim3A_153, %broadcast_in_dim3A_164 : vector<2048x1xi1>, vector<2048x1xf32>
    %convert_element_type3A_166 = arith.fptosi %select_n3A_165 : vector<2048x1xf32> to vector<2048x1xi32>
    %swap3A_167 = arith.constant 0 : index
    %swap3A_168 = arith.constant 0 : index
    %swap3A_169 = vector.load %arg4[%swap3A_167, %swap3A_168] : memref<2048x1xi32, #tpu.memory_space<vmem>>, vector<2048x1xi32>
    tpu.vector_store %arg4[%swap3A_167, %swap3A_168], %convert_element_type3A_166 {strides = array<i32>} : memref<2048x1xi32, #tpu.memory_space<vmem>>, vector<2048x1xi32>,
    %gt3A_170 = arith.constant 0.000000e+00 : f32
    %gt3A_171 = vector.broadcast %gt3A_170 : f32 to vector<2048x1xf32>
    %gt3A_172 = arith.cmpf ogt, %div3A_43, %gt3A_171 : vector<2048x1xf32>
    %jit3A_173 = arith.constant 6.144000e+03 : f32
    %broadcast_in_dim3A_174 = vector.broadcast %jit3A_173 : f32 to vector<2048x1xf32>
    %select_n3A_175 = arith.select %gt3A_172, %broadcast_in_dim3A_159, %broadcast_in_dim3A_174 : vector<2048x1xi1>, vector<2048x1xf32>
    %convert_element_type3A_176 = arith.fptosi %select_n3A_175 : vector<2048x1xf32> to vector<2048x1xi32>
    %swap3A_177 = arith.constant 0 : index
    %swap3A_178 = arith.constant 0 : index
    %swap3A_179 = vector.load %arg5[%swap3A_177, %swap3A_178] : memref<2048x1xi32, #tpu.memory_space<vmem>>, vector<2048x1xi32>
    tpu.vector_store %arg5[%swap3A_177, %swap3A_178], %convert_element_type3A_176 {strides = array<i32>} : memref<2048x1xi32, #tpu.memory_space<vmem>>, vector<2048x1xi32>,
    %broadcast_in_dim3A_180 = arith.constant 1.000000e+00 : f32
    %broadcast_in_dim3A_181 = vector.broadcast %broadcast_in_dim3A_180 : f32 to vector<1x1xf32>
    %dot_general3A_182 = arith.constant dense<0.000000e+00> : vector<8x1xf32>
    %dot_general3A_183 = tpu.matmul %dot_general3A_145, %broadcast_in_dim3A_181, %dot_general3A_182 {dimension_numbers = #tpu.dot_dimension_numbers<[0], [0], [1], [1], [0, 1, 1, 1], [], []>, transpose_lhs_hint = false} : vector<1x8xf32>, vector<1x1xf32>, vector<8x1xf32> -> vector<8x1xf32>
    %iota3A_184 = tpu.iota {dimensions = array<i32: 1>} : vector<1x32xi32>
    %mul3A_185 = arith.constant 256 : i32
    %mul3A_186 = vector.broadcast %mul3A_185 : i32 to vector<1x32xi32>
    %mul3A_187 = arith.muli %iota3A_184, %mul3A_186 : vector<1x32xi32>
    %convert_element_type3A_188 = arith.sitofp %mul3A_187 : vector<1x32xi32> to vector<1x32xf32>
    %broadcast_in_dim3A_189 = vector.shape_cast %convert_element_type3A_188 : vector<1x32xf32> to vector<1x32xf32>
    %broadcast_in_dim3A_190 = vector.broadcast %broadcast_in_dim3A_189 : vector<1x32xf32> to vector<8x32xf32>
    %ge3A = vector.broadcast %dot_general3A_183 : vector<8x1xf32> to vector<8x32xf32>
    %ge3A_191 = arith.cmpf oge, %broadcast_in_dim3A_190, %ge3A : vector<8x32xf32>
    %convert_element_type3A_192 = arith.extui %ge3A_191 : vector<8x32xi1> to vector<8x32xi32>
    %convert_element_type3A_193 = arith.sitofp %convert_element_type3A_192 : vector<8x32xi32> to vector<8x32xf32>
    %reduce_sum3A_194 = arith.constant dense<0.000000e+00> : vector<32xf32>
    %reduce_sum3A_195 = vector.multi_reduction <add>, %convert_element_type3A_193, %reduce_sum3A_194 [0] : vector<8x32xf32> to vector<32xf32>
    %broadcast_in_dim3A_196 = vector.shape_cast %reduce_sum3A_195 : vector<32xf32> to vector<1x32xf32>
    %sub3A_197 = arith.constant 1.000000e+00 : f32
    %sub3A_198 = vector.broadcast %sub3A_197 : f32 to vector<1x32xf32>
    %sub3A_199 = arith.subf %broadcast_in_dim3A_196, %sub3A_198 : vector<1x32xf32>
    %jit3A_200 = arith.constant 0.000000e+00 : f32
    %jit3A_201 = arith.constant 7.000000e+00 : f32
    %max3A = vector.broadcast %jit3A_200 : f32 to vector<1x32xf32>
    %max3A_202 = arith.maximumf %max3A, %sub3A_199 : vector<1x32xf32>
    %min3A = vector.broadcast %jit3A_201 : f32 to vector<1x32xf32>
    %min3A_203 = arith.minimumf %min3A, %max3A_202 : vector<1x32xf32>
    %slice3A_204 = vector.extract_strided_slice %dot_general3A_145 {offsets = [0, 7], sizes = [1, 1], strides = [1, 1]} : vector<1x8xf32> to vector<1x1xf32>
    %slice3A_205 = vector.extract_strided_slice %mul3A_138 {offsets = [0, 7], sizes = [1, 1], strides = [1, 1]} : vector<1x8xf32> to vector<1x1xf32>
    %add3A_206 = arith.addf %slice3A_204, %slice3A_205 : vector<1x1xf32>
    %mul3A_207 = arith.constant 3.906250e-03 : f32
    %mul3A_208 = vector.broadcast %mul3A_207 : f32 to vector<1x1xf32>
    %mul3A_209 = arith.mulf %add3A_206, %mul3A_208 : vector<1x1xf32>
    %iota3A_210 = tpu.iota {dimensions = array<i32: 1>} : vector<1x32xi32>
    %eq3A_211 = arith.constant 31 : i32
    %eq3A_212 = vector.broadcast %eq3A_211 : i32 to vector<1x32xi32>
    %eq3A_213 = arith.cmpi eq, %iota3A_210, %eq3A_212 : vector<1x32xi32>
    %broadcast_in_dim3A_214 = vector.shape_cast %mul3A_209 : vector<1x1xf32> to vector<1x1xf32>
    %broadcast_in_dim3A_215 = vector.broadcast %broadcast_in_dim3A_214 : vector<1x1xf32> to vector<1x32xf32>
    %select_n3A_216 = arith.select %eq3A_213, %broadcast_in_dim3A_215, %min3A_203 : vector<1x32xi1>, vector<1x32xf32>
    %ge3A_217 = vector.broadcast %add3A_206 : vector<1x1xf32> to vector<1x32xf32>
    %ge3A_218 = arith.cmpf oge, %convert_element_type3A_188, %ge3A_217 : vector<1x32xf32>
    %eq3A_219 = arith.constant 31 : i32
    %eq3A_220 = vector.broadcast %eq3A_219 : i32 to vector<1x32xi32>
    %eq3A_221 = arith.cmpi eq, %iota3A_210, %eq3A_220 : vector<1x32xi32>
    %jit3A_222 = arith.constant 0.000000e+00 : f32
    %broadcast_in_dim3A_223 = vector.broadcast %jit3A_222 : f32 to vector<1x32xf32>
    %select_n3A_224 = arith.select %eq3A_221, %select_n3A_216, %broadcast_in_dim3A_223 : vector<1x32xi1>, vector<1x32xf32>
    %select_n3A_225 = arith.select %ge3A_218, %select_n3A_224, %select_n3A_216 : vector<1x32xi1>, vector<1x32xf32>
    %convert_element_type3A_226 = arith.fptosi %select_n3A_225 : vector<1x32xf32> to vector<1x32xi32>
    %swap3A_227 = arith.constant 0 : index
    %swap3A_228 = arith.constant 0 : index
    %swap3A_229 = vector.load %arg6[%swap3A_227, %swap3A_228] : memref<1x32xi32, #tpu.memory_space<vmem>>, vector<1x32xi32>
    tpu.vector_store %arg6[%swap3A_227, %swap3A_228], %convert_element_type3A_226 {strides = array<i32>} : memref<1x32xi32, #tpu.memory_space<vmem>>, vector<1x32xi32>,
    return
  }
  func.func @transform_0(%arg0: i32) -> (i32, i32) {
    %c0_i32 = arith.constant 0 : i32
    %c0_i32_0 = arith.constant 0 : i32
    %c0_i32_1 = arith.constant 0 : i32
    return %c0_i32, %c0_i32_0 : i32, i32
  }
  func.func @transform_1(%arg0: i32) -> (i32, i32) {
    %c0_i32 = arith.constant 0 : i32
    %c0_i32_0 = arith.constant 0 : i32
    %c0_i32_1 = arith.constant 0 : i32
    return %c0_i32, %c0_i32_0 : i32, i32
  }
  func.func @transform_2(%arg0: i32) -> (i32, i32) {
    %c0_i32 = arith.constant 0 : i32
    %c0_i32_0 = arith.constant 0 : i32
    %c0_i32_1 = arith.constant 0 : i32
    return %c0_i32, %c0_i32_0 : i32, i32
  }
  func.func @transform_3(%arg0: i32) -> (i32, i32) {
    %c0_i32 = arith.constant 0 : i32
    %c0_i32_0 = arith.constant 0 : i32
    %c0_i32_1 = arith.constant 0 : i32
    return %c0_i32, %c0_i32_0 : i32, i32
  }
  func.func @transform_4(%arg0: i32) -> (i32, i32) {
    %c0_i32 = arith.constant 0 : i32
    %c0_i32_0 = arith.constant 0 : i32
    %c0_i32_1 = arith.constant 0 : i32
    return %c0_i32, %c0_i32_0 : i32, i32
  }
  func.func @transform_5(%arg0: i32) -> (i32, i32) {
    %c0_i32 = arith.constant 0 : i32
    %c0_i32_0 = arith.constant 0 : i32
    %c0_i32_1 = arith.constant 0 : i32
    return %c0_i32, %c0_i32_0 : i32, i32
  }
}

module attributes {stable_mosaic.version = 14 : i64} {
  func.func @_group_mlp_kernel(%arg0: i32, %arg1: memref<32xi32, #tpu.memory_space<smem>>, %arg2: memref<256x1024xf32, #tpu.memory_space<vmem>>, %arg3: memref<1x1024x1024xf32, #tpu.memory_space<vmem>>, %arg4: memref<1x512x1024xf32, #tpu.memory_space<vmem>>, %arg5: memref<256x1024xf32, #tpu.memory_space<vmem>>) attributes {dimension_semantics = [#tpu.dimension_semantics<arbitrary>], iteration_bounds = array<i64: 25>, scalar_prefetch = 1 : i64, scratch_operands = 0 : i64, tpu.core_type = #tpu.core_type<tc>, window_params = [{transform_indices = @transform_0, window_bounds = array<i64: 256, 1024>}, {transform_indices = @transform_1, window_bounds = array<i64: 1, 1024, 1024>}, {transform_indices = @transform_2, window_bounds = array<i64: 1, 512, 1024>}, {transform_indices = @transform_3, window_bounds = array<i64: 256, 1024>}]} {
    %get3A = arith.constant 31 : index
    %get3A_0 = memref.load %arg1[%get3A] : memref<32xi32, #tpu.memory_space<smem>>
    %lt3A = arith.cmpi slt, %arg0, %get3A_0 : i32
    %convert_element_type3A = arith.extui %lt3A : i1 to i32
    %cond3A = arith.constant 0 : i32
    %cond3A_1 = arith.cmpi ne, %convert_element_type3A, %cond3A : i32
    scf.if %cond3A_1 {
      %get3A_7 = arith.constant 0 : index
      %get3A_8 = arith.constant 0 : index
      %get3A_9 = vector.load %arg2[%get3A_7, %get3A_8] : memref<256x1024xf32, #tpu.memory_space<vmem>>, vector<256x1024xf32>
      %get3A_10 = arith.constant 0 : index
      %get3A_11 = arith.constant 0 : index
      %get3A_12 = arith.constant 0 : index
      %get3A_13 = vector.load %arg3[%get3A_10, %get3A_11, %get3A_12] : memref<1x1024x1024xf32, #tpu.memory_space<vmem>>, vector<1x1024x1024xf32>
      %get3A_14 = vector.shape_cast %get3A_13 : vector<1x1024x1024xf32> to vector<1024x1024xf32>
      %dot_general3A = arith.constant dense<0.000000e+00> : vector<256x1024xf32>
      %dot_general3A_15 = tpu.matmul %get3A_9, %get3A_14, %dot_general3A {dimension_numbers = #tpu.dot_dimension_numbers<[1], [0], [0], [1], [0, 0, 1, 1], [], []>, transpose_lhs_hint = false} : vector<256x1024xf32>, vector<1024x1024xf32>, vector<256x1024xf32> -> vector<256x1024xf32>
      %slice3A = vector.extract_strided_slice %dot_general3A_15 {offsets = [0, 0], sizes = [256, 512], strides = [1, 1]} : vector<256x1024xf32> to vector<256x512xf32>
      %slice3A_16 = vector.extract_strided_slice %dot_general3A_15 {offsets = [0, 512], sizes = [256, 512], strides = [1, 1]} : vector<256x1024xf32> to vector<256x512xf32>
      %logistic3A = arith.negf %slice3A : vector<256x512xf32>
      %logistic3A_17 = math.exp %logistic3A : vector<256x512xf32>
      %logistic3A_18 = arith.constant 1.000000e+00 : f32
      %logistic3A_19 = vector.broadcast %logistic3A_18 : f32 to vector<256x512xf32>
      %logistic3A_20 = arith.addf %logistic3A_19, %logistic3A_17 : vector<256x512xf32>
      %logistic3A_21 = arith.divf %logistic3A_19, %logistic3A_20 : vector<256x512xf32>
      %mul3A = arith.mulf %slice3A, %logistic3A_21 : vector<256x512xf32>
      %mul3A_22 = arith.mulf %mul3A, %slice3A_16 : vector<256x512xf32>
      %get3A_23 = arith.constant 0 : index
      %get3A_24 = arith.constant 0 : index
      %get3A_25 = arith.constant 0 : index
      %get3A_26 = vector.load %arg4[%get3A_23, %get3A_24, %get3A_25] : memref<1x512x1024xf32, #tpu.memory_space<vmem>>, vector<1x512x1024xf32>
      %get3A_27 = vector.shape_cast %get3A_26 : vector<1x512x1024xf32> to vector<512x1024xf32>
      %dot_general3A_28 = arith.constant dense<0.000000e+00> : vector<256x1024xf32>
      %dot_general3A_29 = tpu.matmul %mul3A_22, %get3A_27, %dot_general3A_28 {dimension_numbers = #tpu.dot_dimension_numbers<[1], [0], [0], [1], [0, 0, 1, 1], [], []>, transpose_lhs_hint = false} : vector<256x512xf32>, vector<512x1024xf32>, vector<256x1024xf32> -> vector<256x1024xf32>
      %swap3A = arith.constant 0 : index
      %swap3A_30 = arith.constant 0 : index
      %swap3A_31 = vector.load %arg5[%swap3A, %swap3A_30] : memref<256x1024xf32, #tpu.memory_space<vmem>>, vector<256x1024xf32>
      tpu.vector_store %arg5[%swap3A, %swap3A_30], %dot_general3A_29 {strides = array<i32>} : memref<256x1024xf32, #tpu.memory_space<vmem>>, vector<256x1024xf32>,
    } else {
    }
    %get3A_2 = arith.constant 31 : index
    %get3A_3 = memref.load %arg1[%get3A_2] : memref<32xi32, #tpu.memory_space<smem>>
    %ge3A = arith.cmpi sge, %arg0, %get3A_3 : i32
    %convert_element_type3A_4 = arith.extui %ge3A : i1 to i32
    %cond3A_5 = arith.constant 0 : i32
    %cond3A_6 = arith.cmpi ne, %convert_element_type3A_4, %cond3A_5 : i32
    scf.if %cond3A_6 {
      %broadcast_in_dim3A = arith.constant 0.000000e+00 : f32
      %broadcast_in_dim3A_7 = vector.broadcast %broadcast_in_dim3A : f32 to vector<256x1024xf32>
      %swap3A = arith.constant 0 : index
      %swap3A_8 = arith.constant 0 : index
      %swap3A_9 = vector.load %arg5[%swap3A, %swap3A_8] : memref<256x1024xf32, #tpu.memory_space<vmem>>, vector<256x1024xf32>
      tpu.vector_store %arg5[%swap3A, %swap3A_8], %broadcast_in_dim3A_7 {strides = array<i32>} : memref<256x1024xf32, #tpu.memory_space<vmem>>, vector<256x1024xf32>,
    } else {
    }
    return
  }
  func.func @transform_0(%arg0: i32, %arg1: memref<32xi32, #tpu.memory_space<smem>>) -> (i32, i32) {
    %c0_i32 = arith.constant 0 : i32
    %c0_i32_0 = arith.constant 0 : i32
    return %arg0, %c0_i32 : i32, i32
  }
  func.func @transform_1(%arg0: i32, %arg1: memref<32xi32, #tpu.memory_space<smem>>) -> (i32, i32, i32) {
    %get3A = arith.index_cast %arg0 : i32 to index
    %get3A_0 = memref.load %arg1[%get3A] : memref<32xi32, #tpu.memory_space<smem>>
    %c0_i32 = arith.constant 0 : i32
    %c0_i32_1 = arith.constant 0 : i32
    %c0_i32_2 = arith.constant 0 : i32
    return %get3A_0, %c0_i32, %c0_i32_1 : i32, i32, i32
  }
  func.func @transform_2(%arg0: i32, %arg1: memref<32xi32, #tpu.memory_space<smem>>) -> (i32, i32, i32) {
    %get3A = arith.index_cast %arg0 : i32 to index
    %get3A_0 = memref.load %arg1[%get3A] : memref<32xi32, #tpu.memory_space<smem>>
    %c0_i32 = arith.constant 0 : i32
    %c0_i32_1 = arith.constant 0 : i32
    %c0_i32_2 = arith.constant 0 : i32
    return %get3A_0, %c0_i32, %c0_i32_1 : i32, i32, i32
  }
  func.func @transform_3(%arg0: i32, %arg1: memref<32xi32, #tpu.memory_space<smem>>) -> (i32, i32) {
    %c0_i32 = arith.constant 0 : i32
    %c0_i32_0 = arith.constant 0 : i32
    return %arg0, %c0_i32 : i32, i32
  }
}

module attributes {stable_mosaic.version = 14 : i64} {
  func.func @_combine_kernel(%arg0: i32, %arg1: memref<1024x1024xf32, #tpu.memory_space<vmem>>, %arg2: memref<1024x1024xf32, #tpu.memory_space<vmem>>, %arg3: memref<1024x1024xf32, #tpu.memory_space<vmem>>, %arg4: memref<1024x8xf32, #tpu.memory_space<vmem>>, %arg5: memref<1024x1024xf32, #tpu.memory_space<vmem>>) attributes {dimension_semantics = [#tpu.dimension_semantics<arbitrary>], iteration_bounds = array<i64: 2>, scalar_prefetch = 0 : i64, scratch_operands = 0 : i64, tpu.core_type = #tpu.core_type<tc>, window_params = [{transform_indices = @transform_0, window_bounds = array<i64: 1024, 1024>}, {transform_indices = @transform_1, window_bounds = array<i64: 1024, 1024>}, {transform_indices = @transform_2, window_bounds = array<i64: 1024, 1024>}, {transform_indices = @transform_3, window_bounds = array<i64: 1024, 8>}, {transform_indices = @transform_4, window_bounds = array<i64: 1024, 1024>}]} {
    %get3A = arith.constant 0 : index
    %get3A_0 = arith.constant 0 : index
    %get3A_1 = vector.load %arg4[%get3A, %get3A_0] : memref<1024x8xf32, #tpu.memory_space<vmem>>, vector<1024x1xf32>
    %get3A_2 = arith.constant 0 : index
    %get3A_3 = arith.constant 1 : index
    %get3A_4 = vector.load %arg4[%get3A_2, %get3A_3] : memref<1024x8xf32, #tpu.memory_space<vmem>>, vector<1024x1xf32>
    %gt3A = arith.constant 0.000000e+00 : f32
    %gt3A_5 = vector.broadcast %gt3A : f32 to vector<1024x1xf32>
    %gt3A_6 = arith.cmpf ogt, %get3A_1, %gt3A_5 : vector<1024x1xf32>
    %get3A_7 = arith.constant 0 : index
    %get3A_8 = arith.constant 0 : index
    %get3A_9 = vector.load %arg2[%get3A_7, %get3A_8] : memref<1024x1024xf32, #tpu.memory_space<vmem>>, vector<1024x1024xf32>
    %mul3A = vector.broadcast %get3A_1 : vector<1024x1xf32> to vector<1024x1024xf32>
    %mul3A_10 = arith.mulf %get3A_9, %mul3A : vector<1024x1024xf32>
    %jit3A = arith.constant 0.000000e+00 : f32
    %broadcast_in_dim3A = vector.shape_cast %gt3A_6 : vector<1024x1xi1> to vector<1024x1xi1>
    %broadcast_in_dim3A_11 = vector.broadcast %broadcast_in_dim3A : vector<1024x1xi1> to vector<1024x1024xi1>
    %broadcast_in_dim3A_12 = vector.broadcast %jit3A : f32 to vector<1024x1024xf32>
    %select_n3A = arith.select %broadcast_in_dim3A_11, %mul3A_10, %broadcast_in_dim3A_12 : vector<1024x1024xi1>, vector<1024x1024xf32>
    %gt3A_13 = arith.constant 0.000000e+00 : f32
    %gt3A_14 = vector.broadcast %gt3A_13 : f32 to vector<1024x1xf32>
    %gt3A_15 = arith.cmpf ogt, %get3A_4, %gt3A_14 : vector<1024x1xf32>
    %get3A_16 = arith.constant 0 : index
    %get3A_17 = arith.constant 0 : index
    %get3A_18 = vector.load %arg3[%get3A_16, %get3A_17] : memref<1024x1024xf32, #tpu.memory_space<vmem>>, vector<1024x1024xf32>
    %mul3A_19 = vector.broadcast %get3A_4 : vector<1024x1xf32> to vector<1024x1024xf32>
    %mul3A_20 = arith.mulf %get3A_18, %mul3A_19 : vector<1024x1024xf32>
    %jit3A_21 = arith.constant 0.000000e+00 : f32
    %broadcast_in_dim3A_22 = vector.shape_cast %gt3A_15 : vector<1024x1xi1> to vector<1024x1xi1>
    %broadcast_in_dim3A_23 = vector.broadcast %broadcast_in_dim3A_22 : vector<1024x1xi1> to vector<1024x1024xi1>
    %broadcast_in_dim3A_24 = vector.broadcast %jit3A_21 : f32 to vector<1024x1024xf32>
    %select_n3A_25 = arith.select %broadcast_in_dim3A_23, %mul3A_20, %broadcast_in_dim3A_24 : vector<1024x1024xi1>, vector<1024x1024xf32>
    %get3A_26 = arith.constant 0 : index
    %get3A_27 = arith.constant 0 : index
    %get3A_28 = vector.load %arg1[%get3A_26, %get3A_27] : memref<1024x1024xf32, #tpu.memory_space<vmem>>, vector<1024x1024xf32>
    %add3A = arith.addf %get3A_28, %select_n3A : vector<1024x1024xf32>
    %add3A_29 = arith.addf %add3A, %select_n3A_25 : vector<1024x1024xf32>
    %swap3A = arith.constant 0 : index
    %swap3A_30 = arith.constant 0 : index
    %swap3A_31 = vector.load %arg5[%swap3A, %swap3A_30] : memref<1024x1024xf32, #tpu.memory_space<vmem>>, vector<1024x1024xf32>
    tpu.vector_store %arg5[%swap3A, %swap3A_30], %add3A_29 {strides = array<i32>} : memref<1024x1024xf32, #tpu.memory_space<vmem>>, vector<1024x1024xf32>,
    return
  }
  func.func @transform_0(%arg0: i32) -> (i32, i32) {
    %c0_i32 = arith.constant 0 : i32
    %c0_i32_0 = arith.constant 0 : i32
    return %arg0, %c0_i32 : i32, i32
  }
  func.func @transform_1(%arg0: i32) -> (i32, i32) {
    %c0_i32 = arith.constant 0 : i32
    %c0_i32_0 = arith.constant 0 : i32
    return %arg0, %c0_i32 : i32, i32
  }
  func.func @transform_2(%arg0: i32) -> (i32, i32) {
    %c0_i32 = arith.constant 0 : i32
    %c0_i32_0 = arith.constant 0 : i32
    return %arg0, %c0_i32 : i32, i32
  }
  func.func @transform_3(%arg0: i32) -> (i32, i32) {
    %c0_i32 = arith.constant 0 : i32
    %c0_i32_0 = arith.constant 0 : i32
    return %arg0, %c0_i32 : i32, i32
  }
  func.func @transform_4(%arg0: i32) -> (i32, i32) {
    %c0_i32 = arith.constant 0 : i32
    %c0_i32_0 = arith.constant 0 : i32
    return %arg0, %c0_i32 : i32, i32
  }
}

</mosaic_0001>

<sc_bundles>
// kernel: gather_offload_async_start
scs
__scs_entry_jumppad:
0x0: {  	(pc) =	sbr.rel $0x88, $3  }
0x1: {  	(tag) =	ssettag $0x0;
	lr =	simm.s32 $0x1  }
0x2: {  	[smem:$0x3F97] =	sst lr;
	_ =	strace $0xD0000000  }
0x3: {  	_ = 	snop  }
0x4: {  	_ = 	snop  }
0x5: {  	_ = 	snop  }
0x6: {  	_ = 	snop  }
0x7: {  	_ = 	snop  }
__scs_overlays_trampoline_lowered:
0x8: {  	[smem:$0x3FA6] =	sst s0  }
0x9: {  	[smem:$0x3FA7] =	sst s1  }
0xa: {  	[smem:$0x3FA8] =	sst s2  }
0xb: {  	[smem:$0x3FA9] =	sst s3  }
0xc: {  	[smem:$0x3FAA] =	sst s4  }
0xd: {  	[smem:$0x3FAB] =	sst s5  }
0xe: {  	[smem:$0x3FAC] =	sst s6  }
0xf: {  	[smem:$0x3FAD] =	sst s7  }
0x10: {  	[smem:$0x3FAE] =	sst s8  }
0x11: {  	[smem:$0x3FAF] =	sst s9;
	s0 =	simm.s32 @!p0 $0x0  }
0x12: {  	s1 =	sld [smem:$0x3F95];
	s0 =	simm.s32 @p0 $0x1  }
0x13: {  	[smem:$0x3FB0] =	sst s0;
	s0 =	simm.s32 @!p1 $0x0  }
0x14: {  	s2 =	sld [smem:$0x3F94];
	s0 =	simm.s32 @p1 $0x1  }
0x15: {  	[smem:$0x3FB1] =	sst s0;
	s0 =	simm.s32 @!p2 $0x0  }
0x16: {  	s3 =	sld [smem:$0x3FDB];
	s0 =	simm.s32 @p2 $0x1  }
0x17: {  	s4 =	simm.s32 $0x1BF5;
	[smem:$0x3FB3] =	sst s0  }
0x18: {  	s0 =	sld [smem:$0x3F96];
	_ =	swait.ge [sflag:s4], $0x0  }
0x19: {  	s7 =	sld [smem:$0x3F97]  }
0x1a: {  	s8 =	sadd.s32 $0xFFFFE003, lr  }
0x1b: {  	s9 =	sadd.s32 $0xFFFFFEF7, lr;
	s5 =	simm.s32 $0xFFFFFFFF;
	p2 =	slt.u32 s8, $0xFFFFF086  }
0x1c: {  	p1 =	slt.u32 s9, $0xF7A;
	s5 =	simm.s32 @!p2 $0x0  }
0x1d: {  	s5 =	simm.s32 @p1 $0x1;
	p0 =	seq.s32 s7, s2  }
0x1e: {  	s7 =	smul.u32 @!p0 $0xF7A, s2;
	p2 =	seq.s32 @!p0 s5, $0x0  }
0x1f: {  	s9 =	smul.u32 $0xF7A, s1;
	s8 =	simm.s32 @!p0 $0x1BF5;
	p2 =	por !p2, p0  }
0x20: {  	[sflag:s8] =	ssyncset.s32 @!p0 $0xFFFFF086;
	s6 =	sadd.s32 @!p0 s3, s7;
	s7 =	simm.s32 @!p0 $0x108  }
0x21: {  	s3 =	sadd.s32 s3, s9;
	s6 =	sadd.s32 @!p0 $0x88, s6;
	s7 =	simm.s32 @p2 $0x1082  }
0x22: {  	[simem:s7], [sflag:s8] =	dma.local @!p0 [hbm:s6], $0xF7A  }
0x23: {  	s9 =	sor.u32 $0xD0000000, s2;
	s6 =	simm.s32 $0x108;
	_ =	swait.ge @!p0 [sflag:s8], $0x0  }
0x24: {  	s3 =	sadd.s32 $0x88, s3;
	s6 =	simm.s32 @!p1 $0x1082;
	[sflag:s4] =	ssyncset.s32 $0xFFFFF086  }
0x25: {  	[simem:s6], [sflag:s4] =	dma.local [hbm:s3], $0xF7A  }
0x26: {  	[smem:$0x3F97] =	sst s1;
	(tag) =	ssettag s2;
	_ =	strace s9  }
0x27: {  	s1 =	sld [smem:$0x3FA7]  }
0x28: {  	s2 =	sld [smem:$0x3FA8]  }
0x29: {  	s4 =	sld [smem:$0x3FAA]  }
0x2a: {  	p0 =	seq.s32 s5, $0x0;
	s5 =	sld [smem:$0x3FAB]  }
0x2b: {  	s6 =	sld [smem:$0x3FAC]  }
0x2c: {  	s7 =	sld [smem:$0x3FAD]  }
0x2d: {  	s3 =	simm.s32 $0x108;
	s8 =	sld [smem:$0x3FAE]  }
0x2e: {  	s3 =	simm.s32 @!p0 $0x1082;
	s9 =	sld [smem:$0x3FAF]  }
0x2f: {  	lr =	sadd.s32 s0, s3;
	s0 =	sld [smem:$0x3FA6]  }
0x30: {  	s3 =	sld [smem:$0x3FA9]  }
0x31: {  	[smem:$0x3FB2] =	sst s10  }
0x32: {  	s10 =	sld [smem:$0x3FB0];
	_ =	sdelay $0x3  }
0x33: {  	p0 =	seq.s32 s10, $0x1;
	s10 =	sld [smem:$0x3FB2];
	_ =	sdelay $0x3  }
0x34: {  	[smem:$0x3FB2] =	sst s10  }
0x35: {  	s10 =	sld [smem:$0x3FB1];
	_ =	sdelay $0x3  }
0x36: {  	p1 =	seq.s32 s10, $0x1;
	s10 =	sld [smem:$0x3FB2];
	_ =	sdelay $0x3  }
0x37: {  	[smem:$0x3FB2] =	sst s10  }
0x38: {  	s10 =	sld [smem:$0x3FB3]  }
0x39: {  	_ = 	snop;
	(pc) =	sbr.ind lr, $3  }
0x3a: {  	_ = 	snop  }
0x3b: {  	_ = 	snop  }
0x3c: {  	p2 =	seq.s32 s10, $0x1;
	s10 =	sld [smem:$0x3FB2]  }
0x3d: {  	_ =	shalt  }
0x3e: {  	_ =	shalt  }
0x3f: {  	_ =	shalt  }
0x40: {  	_ =	shalt  }
0x41: {  	_ =	shalt  }
0x42: {  	_ =	shalt  }
0x43: {  	_ =	shalt  }
0x44: {  	_ =	shalt  }
0x45: {  	_ =	shalt  }
0x46: {  	_ =	shalt  }
0x47: {  	_ =	shalt  }
0x48: {  	_ =	shalt  }
0x49: {  	_ =	shalt  }
0x4a: {  	_ =	shalt  }
0x4b: {  	_ =	shalt  }
0x4c: {  	_ =	shalt  }
0x4d: {  	_ =	shalt  }
0x4e: {  	_ =	shalt  }
0x4f: {  	_ =	shalt  }
0x50: {  	_ =	shalt  }
0x51: {  	_ =	shalt  }
0x52: {  	_ =	shalt  }
0x53: {  	_ =	shalt  }
0x54: {  	_ =	shalt  }
0x55: {  	_ =	shalt  }
0x56: {  	_ =	shalt  }
0x57: {  	_ =	shalt  }
0x58: {  	_ =	shalt  }
0x59: {  	_ =	shalt  }
0x5a: {  	_ =	shalt  }
0x5b: {  	_ =	shalt  }
0x5c: {  	_ =	shalt  }
0x5d: {  	_ =	shalt  }
0x5e: {  	_ =	shalt  }
0x5f: {  	_ =	shalt  }
0x60: {  	_ =	shalt  }
0x61: {  	_ =	shalt  }
0x62: {  	_ =	shalt  }
0x63: {  	_ =	shalt  }
0x64: {  	_ =	shalt  }
0x65: {  	_ =	shalt  }
0x66: {  	_ =	shalt  }
0x67: {  	_ =	shalt  }
0x68: {  	_ =	shalt  }
0x69: {  	_ =	shalt  }
0x6a: {  	_ =	shalt  }
0x6b: {  	_ =	shalt  }
0x6c: {  	_ =	shalt  }
0x6d: {  	_ =	shalt  }
0x6e: {  	_ =	shalt  }
0x6f: {  	_ =	shalt  }
0x70: {  	_ =	shalt  }
0x71: {  	_ =	shalt  }
0x72: {  	_ =	shalt  }
0x73: {  	_ =	shalt  }
0x74: {  	_ =	shalt  }
0x75: {  	_ =	shalt  }
0x76: {  	_ =	shalt  }
0x77: {  	_ =	shalt  }
0x78: {  	_ =	shalt  }
0x79: {  	_ =	shalt  }
0x7a: {  	_ =	shalt  }
0x7b: {  	_ =	shalt  }
0x7c: {  	_ =	shalt  }
0x7d: {  	_ =	shalt  }
0x7e: {  	_ =	shalt  }
0x7f: {  	_ =	shalt  }
0x80: {  	_ =	shalt  }
0x81: {  	_ =	shalt  }
0x82: {  	_ =	shalt  }
0x83: {  	_ =	shalt  }
0x84: {  	_ =	shalt  }
0x85: {  	_ =	shalt  }
0x86: {  	_ =	shalt  }
0x87: {  	_ =	shalt  }
.Lfunc_end0:
.L_simem_size_0:
called_computation_lowered:
.L_overlay_start_0:
0x88: {  	s2 =	sld [smem:$0x3FD9]  }
0x89: {  	s3 =	sld [smem:$0x3FFE];
	_ =	sdelay $0x1  }
0x8a: {  	s1 =	srdreg.scid  }
0x8b: {  	s0 =	sand.u32 $0x1, s1  }
0x8c: {  	s17 =	sshll.u32 s0, $0xA;
	s2 =	sadd.s32 s3, s2  }
0x8d: {  	s2 =	sadd.s32 s2, s17  }
0x8e: {  	[smem:$0x3FBE] =	sst s2  }
0x8f: {  	_ = 	snop  }
0x90: {  	s2 =	sld [smem:$0x3FC7]  }
0x91: {  	s18 =	sld [smem:$0x3FD0];
	(tm) =	ssettm $0x1  }
0x92: {  	s4 =	sld [smem:$0x3FFB];
	_ =	sdelay $0x3  }
0x93: {  	_ =	strace s4  }
0x94: {  	s4 =	sld [smem:$0x3FFC];
	_ =	sdelay $0x3  }
0x95: {  	_ =	strace s4  }
0x96: {  	s4 =	sld [smem:$0x3FFD];
	_ =	sdelay $0x3  }
0x97: {  	_ =	strace s4  }
0x98: {  	_ =	strace $0x8FFFFFFF  }
0x99: {  	s19 =	sld [smem:$0x3FDB];
	_ =	sdelay $0x1  }
0x9a: {  	s5 =	simm.s32 $_scs_section_size  }
0x9b: {  	s6 =	simm.s32 $_size__tile_overlayer_lowered;
	s7 =	simm.s32 $_tile_overlayer_lowered  }
0x9c: {  	s22 =	simm.s32 $0x1BFF;
	s21 =	sshll.u32 s7, $0x1;
	s4 =	sadd.s32 s5, s19  }
0x9d: {  	s8 =	simm.s32 $0x0;
	s20 =	sshll.u32 s6, $0x1;
	s6 =	sadd.s32 s21, s4  }
0x9e: {  	[timem:s8], [sflag:s22] =	dma.local [hbm:s6], s20  }
0x9f: {  	_ =	swait.ge [sflag:s22], s20  }
0xa0: {  	s5 =	ssub.s32 $0x0, s20;
	[sflag:s22] =	ssyncset.done $0x0  }
0xa1: {  	[sflag:s22] =	ssyncadd.s32 s5;
	_ =	sdelay $0x1  }
0xa2: {  	s23 =	simm.s32 $0x1B8B  }
0xa3: {  	_ =	swait.ge [sflag:s23], $0x1  }
0xa4: {  	[sflag:s23] =	ssyncset.done $0x0  }
0xa5: {  	s25 =	simm.s32 $0x1B8E;
	s24 =	sld [smem:$0x3FFE];
	[sflag:s23] =	ssyncadd.s32 $0xFFFFFFFF  }
0xa6: {  	s26 =	simm.s32 $execute0_lowered;
	[smem:$0x3FD2] =	sst s25  }
0xa7: {  	s6 =	sshll.u32 s26, $0x1;
	_ =	strace $0x80000046;
	[dreg:$0x1] =	wrdreg $0xFFFFFFFF  }
0xa8: {  	s28 =	simm.s32 $_size_execute0_lowered;
	s4 =	sadd.s32 s4, s6;
	[dreg:$0x0] =	wrdreg $0x0  }
0xa9: {  	s6 =	sshll.u32 s28, $0x1;
	[dreg:$0x2] =	wrdreg s4  }
0xaa: {  	[dreg:$0x3] =	wrdreg s6  }
0xab: {  	[dreg:$0x4] =	wrdreg $0xC0  }
0xac: {  	_ =	task [dreg:s8], $0x5FFFF  }
0xad: {  	[dreg:$0x1] =	wrdreg $0xFFFFFFFF  }
0xae: {  	[dreg:$0x0] =	wrdreg $0x60  }
0xaf: {  	[dreg:$0x2] =	wrdreg s2  }
0xb0: {  	[dreg:$0x3] =	wrdreg s24  }
0xb1: {  	[dreg:$0x4] =	wrdreg s18  }
0xb2: {  	[dreg:$0x5] =	wrdreg $0x9  }
0xb3: {  	_ =	task.clear_ibuf [dreg:s8], $0x6FFFF;
	_ =	strace $0x90000046  }
0xb4: {  	s29 =	simm.s32 $0x9;
	_ =	strace $0x80000048  }
0xb5: {  	_ =	swait.ge [sflag:s29], $0x1  }
0xb6: {  	[sflag:s29] =	ssyncadd.s32 $0xFFFFFFFF  }
0xb7: {  	_ =	strace $0x90000048  }
0xb8: {  	_ =	sfence  }
0xb9: {  	s30 =	sld [smem:$0x0];
	_ =	sdelay $0x2  }
0xba: {  	s31 =	sshll.u32 s1, $0xD;
	s1 =	sshrl.u32 s1, $0x2  }
0xbb: {  	s3 =	sand.u32 $0x4000, s31;
	s1 =	sadd.s32 s1, s30  }
0xbc: {  	s0 =	sor.u32 s3, s0;
	s1 =	sshll.u32 s1, $0x11  }
0xbd: {  	s0 =	sor.u32 s1, s0  }
0xbe: {  	s0 =	sadd.s32 $0x8F2B, s0  }
0xbf: {  	[sflag:s0] =	ssyncadd.remote.s32 $0x1  }
0xc0: {  	_ =	sfence.sel $0xFFFF  }
0xc1: {  	[dreg:$0x0] =	wrdreg $0xFFFFFFFF;
	(pc) =	sbr.abs _section_cstart, $3  }
0xc2: {  	[dreg:$0x1] =	wrdreg $0xFFFFFFFF  }
0xc3: {  	_ =	task.clear_ibuf [dreg:s8], $0x2FFFF;
	_ =	strace $0x9FFFFFFF  }
0xc4: {  	(tm) =	ssettm $0x7FFFFFFF  }
0xc5: {  	_ =	shalt  }
tec
execute0_lowered:
.L_overlay_start_1:
0x0: {  	(tag) =	ssettag $0x1  }
0x1: {  	s2 =	rddreg [dreg:$0x0]  }
0x2: {  	s7 =	rddreg [dreg:$0x1];
	s0 =	srdreg.scid  }
0x3: {  	s3 =	rddreg [dreg:$0x2];
	s1 =	stileid.u32;
	s6 =	simm.s32 $0x2  }
0x4: {  	s4 =	sshll.u32 s0, $0x4;
	s0 =	rddreg [dreg:$0x3];
	_ =	strace $0x80000047  }
.Ltmp0:
0x5: {  	s5 =	sand.u32 $0x10, s4;
	s4 =	simm.s32 $0x1;
	(pc) =	sbr.rel .LBB2_1-.Ltmp0, $4  }
0x6: {  	s9 =	simm.s32 $0x3;
	s5 =	sor.u32 s1, s5;
	[sflag:s4] =	ssyncpa.u1 $0x0  }
0x7: {  	s12 =	simm.s32 $0x0;
	s5 =	smul.u32 $0x30, s5;
	[sflag:s6] =	ssyncpa.u1 $0x0  }
0x8: {  	s11 =	simm.s32 $0x0;
	s7 =	sadd.s32 $0x3C00, s7;
	[sflag:s9] =	ssyncpa.u1 $0x0  }
0x9: {  	vm0 =	vmmov $0xff;
	vm1 =	vcmask $0x3F20;
	s9 =	simm.s32 $0x30;
	s8 =	sadd.s32 $0x30, s5;
	s10 =	smov.u32 s5  }
.LBB2_11:
0xa: {  	s12 =	sshrl.u32 s10, $0x3  }
0xb: {  	s13 =	sand.u32 $0x7, s10;
	s12 =	sadd.s32 s7, s12  }
0xc: {  	[tilespmem:s9], [sflag:$0x2] =	stream.linear.gather [hbm4b:s12+s13], $0x30, $0x38;
	[tilespmem:$0x18060] =	vst v63  }
.LBB2_12:
0xd: {  	s12 =	sadd.s32 $0x30, s10  }
0xe: {  	s13 =	smov.u32 s5;
	s11 =	sadd.s32 $0x1, s11;
	p0 =	slt.s32 s12, s8  }
0xf: {  	s13 =	smov.u32 @p0 s12;
	p0 =	sne.s32 s11, $0x3  }
.Ltmp1:
0x10: {  	_ = 	snop;
	(pc) =	sbr.rel @!p0 .LBB2_13-.Ltmp1, $2  }
0x11: {  	_ =	sdelay $0x2  }
0x12: {  	s12 =	smov.u32 s10;
	s10 =	smov.u32 s13  }
.LBB2_1:
0x13: {  	p0 =	seq.s32 s11, $0x0  }
.Ltmp2:
0x14: {  	_ = 	snop;
	(pc) =	sbr.rel @p0 .LBB2_11-.Ltmp2, $1  }
0x15: {  	_ =	sdelay $0x3  }
0x16: {  	p0 =	seq.s32 s11, $0x1  }
.Ltmp3:
0x17: {  	_ = 	snop;
	(pc) =	sbr.rel @!p0 .LBB2_10-.Ltmp3, $1  }
0x18: {  	_ =	sdelay $0x3  }
0x19: {  	_ =	swait.ge [sflag:s6], $0x30  }
0x1a: {  	[sflag:s6] =	ssyncset.done $0x0  }
0x1b: {  	s13 =	simm.s32 $0x0;
	s14 =	simm.s32 $0x60;
	[sflag:s6] =	ssyncadd.s32 $0xFFFFFFD0  }
.LBB2_4:
0x1c: {  	s15 =	sshll.u32 s13, $0x4  }
0x1d: {  	s15 =	sand.u32 $0x3FFFFFF0, s15  }
0x1e: {  	v0 =	vld.msk [tilespmem:s15+$0x30 ss:$0x1], $0xffff;
	_ =	sdelay $0x4  }
0x1f: {  	vm2 =	vgt.s32 v0, $0x0  }
0x20: {  	v0 =	vnsel vm2, $0x0, v0  }
0x21: {  	v0 =	vmin.u32 v0, $0x5FF  }
0x22: {  	v1 =	vshll.u32 v0, $0x7;
	v0 =	vshll.u32 v0, $0x4  }
0x23: {  	v1 =	vand.u32 $0x3FC00, v1;
	v0 =	vand.u32 $0x70, v0  }
0x24: {  	v0 =	vor.u32 v0, v1;
	_ =	sdelay $0x2  }
0x25: {  	s16 =	sadd.s32 $0xFFFFE000, s14  }
0x26: {  	s31 =	sadd.s32 $0xE000, s16;
	s16 =	sadd.s32 $0x10000, s16;
	s15 =	simm.s32 $0xFFFF9000  }
0x27: {  	v1 =	vadd.s32 $0x80, v0;
	[tilespmem:s31], [sflag:$0x1] =	stream.indirect_vreg.gather [hbm:s2], $0x80, v0, vm0, $0x38;
	[tilespmem:$0x18060] =	vst v63  }
.LBB2_5:
0x28: {  	[tilespmem:s16], [sflag:$0x1] =	stream.indirect_vreg.gather [hbm:s2], $0x80, v0, vm1, $0x38;
	[tilespmem:$0x18060] =	vst v63  }
0x29: {  	v0 =	vmov v1;
	p0 =	sne.s32 s15, $0xFFFFF000  }
.Ltmp4:
0x2a: {  	s16 =	sshra.s32 s15, $0x2;
	(pc) =	sbr.rel @p0 .LBB2_5-.Ltmp4, $4  }
0x2b: {  	s15 =	sadd.s32 $0x1000, s15;
	s16 =	sadd.s32 s16, s14  }
0x2c: {  	s17 =	sadd.s32 $0xE000, s16  }
0x2d: {  	[tilespmem:s17], [sflag:$0x1] =	stream.indirect_vreg.gather [hbm:s2], $0x80, v1, vm0, $0x38;
	[tilespmem:$0x18060] =	vst v63  }
0x2e: {  	s16 =	sadd.s32 $0x10000, s16;
	v1 =	vadd.s32 $0x80, v1  }
0x2f: {  	s13 =	sadd.s32 $0x1, s13  }
0x30: {  	p0 =	sne.s32 s13, $0x3  }
.Ltmp5:
0x31: {  	_ = 	snop;
	(pc) =	sbr.rel @p0 .LBB2_4-.Ltmp5, $3  }
0x32: {  	_ =	sdelay $0x1  }
0x33: {  	[tilespmem:s16], [sflag:$0x1] =	stream.indirect_vreg.gather [hbm:s2], $0x80, v0, vm1, $0x38;
	[tilespmem:$0x18060] =	vst v63  }
0x34: {  	s14 =	sadd.s32 $0x4000, s14  }
0x35: {  	s13 =	sshll.u32 s12, $0x7  }
0x36: {  	_ =	swait.ge [sflag:s4], $0xC000;
	s31 =	sshll.u32 s12, $0x4;
	s13 =	sand.u32 $0xFFFFFC00, s13  }
0x37: {  	s14 =	simm.s32 $0x400;
	s12 =	sand.u32 $0x70, s31;
	s13 =	sadd.s32 s13, s3  }
0x38: {  	s15 =	simm.s32 $0xE060;
	[sflag:s4] =	ssyncset.done $0x0;
	s12 =	sadd.s32 s12, s13  }
0x39: {  	[sflag:s4] =	ssyncadd.s32 $0xFFFF4000;
	s13 =	simm.s32 $0xC060;
	s16 =	sadd.s32 $0x0, s12  }
.LBB2_8:
0x3a: {  	[hbm:s16] =	stream.linear.scatter [tilespmem:s13], [sflag:$0x3], $0x2000, $0x38;
	[tilespmem:$0x18060] =	vst v63  }
0x3b: {  	s16 =	smov.u32 s14;
	s13 =	smov.u32 s15;
	p0 =	seq.s32 s14, $0x1400  }
.Ltmp6:
0x3c: {  	s14 =	sadd.s32 $0x400, s14;
	(pc) =	sbr.rel @!p0 .LBB2_8-.Ltmp6, $2  }
0x3d: {  	_ =	sdelay $0x2  }
0x3e: {  	s15 =	sadd.s32 $0x2000, s15;
	s16 =	sadd.s32 s16, s12  }
.Ltmp7:
0x3f: {  	(pc) =	sbr.rel .LBB2_12-.Ltmp7, $2  }
0x40: {  	_ =	sdelay $0x2  }
0x41: {  	[hbm:s16] =	stream.linear.scatter [tilespmem:s13], [sflag:$0x3], $0x2000, $0x38;
	[tilespmem:$0x18060] =	vst v63  }
.LBB2_10:
0x42: {  	s2 =	simm.s32 $0x3  }
0x43: {  	_ =	swait.ge [sflag:s2], $0xC000  }
0x44: {  	[sflag:s2] =	ssyncset.done $0x0  }
0x45: {  	[sflag:s2] =	ssyncadd.s32 $0xFFFF4000  }
.LBB2_13:
0x46: {  	_ =	sfence.sel $0x180000  }
0x47: {  	s2 =	simm.s32 $0x2;
	[bflag:$0x0] =	sbarrier.arrive $0xFFFF  }
0x48: {  	s30 =	simm.s32 $0x3;
	[sflag:s2] =	ssyncpa.u1 $0x1  }
0x49: {  	s31 =	simm.s32 $0x1;
	[sflag:s30] =	ssyncpa.u1 $0x1  }
0x4a: {  	[sflag:s31] =	ssyncpa.u1 $0x1  }
0x4b: {  	p0 =	sne.s32 s1, $0x0;
	_ =	strace $0x90000047  }
0x4c: {  	s0 =	sadd.s32 @!p0 $0x100000, s0;
	[bflag:$0x2] =	sbarrier.arrive $0xFFFF  }
0x4d: {  	[sflag:s0] =	ssyncadd.tile.s32 @!p0 $0x1;
	_ =	shalt  }
.Lfunc_end2:
_tile_overlayer_lowered:
.L_overlay_start_2:
0x4e: {  	(tag) =	ssettag $0x2  }
0x4f: {  	s0 =	rddreg [dreg:$0x0];
	s2 =	stileid.u32  }
0x50: {  	s1 =	rddreg [dreg:$0x1];
	p0 =	sne.s32 s2, $0x0  }
0x51: {  	s3 =	rddreg [dreg:$0x2];
	[bflag:$0x3] =	sbarrier.arrive $0xFFFF;
	s2 =	simm.s32 @!p0 $0x1C01  }
0x52: {  	[timem:s3], [sflag:s2] =	dma.local @!p0 [hbm:s0], s1  }
0x53: {  	s0 =	simm.s32 @!p0 $0x1  }
0x54: {  	_ =	swait.ge @!p0 [sflag:s0], s1  }
0x55: {  	s1 =	ssub.s32 @!p0 $0x0, s1;
	[sflag:s0] =	ssyncset.done @!p0 $0x0  }
0x56: {  	[sflag:s0] =	ssyncadd.s32 @!p0 s1  }
0x57: {  	[bflag:$0x3] =	sbarrier.arrive $0xFFFF  }
0x58: {  	_ =	shalt  }

// kernel: kernel.10.cloned.1.call-start
scs
__scs_entry_jumppad:
0x0: {  	(pc) =	sbr.rel $0x88, $3  }
0x1: {  	(tag) =	ssettag $0x0;
	lr =	simm.s32 $0x1  }
0x2: {  	[smem:$0x3F97] =	sst lr;
	_ =	strace $0xD0000000  }
0x3: {  	_ = 	snop  }
0x4: {  	_ = 	snop  }
0x5: {  	_ = 	snop  }
0x6: {  	_ = 	snop  }
0x7: {  	_ = 	snop  }
__scs_overlays_trampoline_lowered:
0x8: {  	[smem:$0x3FA6] =	sst s0  }
0x9: {  	[smem:$0x3FA7] =	sst s1  }
0xa: {  	[smem:$0x3FA8] =	sst s2  }
0xb: {  	[smem:$0x3FA9] =	sst s3  }
0xc: {  	[smem:$0x3FAA] =	sst s4  }
0xd: {  	[smem:$0x3FAB] =	sst s5  }
0xe: {  	[smem:$0x3FAC] =	sst s6  }
0xf: {  	[smem:$0x3FAD] =	sst s7  }
0x10: {  	[smem:$0x3FAE] =	sst s8  }
0x11: {  	[smem:$0x3FAF] =	sst s9;
	s0 =	simm.s32 @!p0 $0x0  }
0x12: {  	s1 =	sld [smem:$0x3F95];
	s0 =	simm.s32 @p0 $0x1  }
0x13: {  	[smem:$0x3FB0] =	sst s0;
	s0 =	simm.s32 @!p1 $0x0  }
0x14: {  	s2 =	sld [smem:$0x3F94];
	s0 =	simm.s32 @p1 $0x1  }
0x15: {  	[smem:$0x3FB1] =	sst s0;
	s0 =	simm.s32 @!p2 $0x0  }
0x16: {  	s3 =	sld [smem:$0x3FDB];
	s0 =	simm.s32 @p2 $0x1  }
0x17: {  	s4 =	simm.s32 $0x1BF5;
	[smem:$0x3FB3] =	sst s0  }
0x18: {  	s0 =	sld [smem:$0x3F96];
	_ =	swait.ge [sflag:s4], $0x0  }
0x19: {  	s7 =	sld [smem:$0x3F97]  }
0x1a: {  	s8 =	sadd.s32 $0xFFFFE003, lr  }
0x1b: {  	s9 =	sadd.s32 $0xFFFFFEF7, lr;
	s5 =	simm.s32 $0xFFFFFFFF;
	p2 =	slt.u32 s8, $0xFFFFF086  }
0x1c: {  	p1 =	slt.u32 s9, $0xF7A;
	s5 =	simm.s32 @!p2 $0x0  }
0x1d: {  	s5 =	simm.s32 @p1 $0x1;
	p0 =	seq.s32 s7, s2  }
0x1e: {  	s7 =	smul.u32 @!p0 $0xF7A, s2;
	p2 =	seq.s32 @!p0 s5, $0x0  }
0x1f: {  	s9 =	smul.u32 $0xF7A, s1;
	s8 =	simm.s32 @!p0 $0x1BF5;
	p2 =	por !p2, p0  }
0x20: {  	[sflag:s8] =	ssyncset.s32 @!p0 $0xFFFFF086;
	s6 =	sadd.s32 @!p0 s3, s7;
	s7 =	simm.s32 @!p0 $0x108  }
0x21: {  	s3 =	sadd.s32 s3, s9;
	s6 =	sadd.s32 @!p0 $0x88, s6;
	s7 =	simm.s32 @p2 $0x1082  }
0x22: {  	[simem:s7], [sflag:s8] =	dma.local @!p0 [hbm:s6], $0xF7A  }
0x23: {  	s9 =	sor.u32 $0xD0000000, s2;
	s6 =	simm.s32 $0x108;
	_ =	swait.ge @!p0 [sflag:s8], $0x0  }
0x24: {  	s3 =	sadd.s32 $0x88, s3;
	s6 =	simm.s32 @!p1 $0x1082;
	[sflag:s4] =	ssyncset.s32 $0xFFFFF086  }
0x25: {  	[simem:s6], [sflag:s4] =	dma.local [hbm:s3], $0xF7A  }
0x26: {  	[smem:$0x3F97] =	sst s1;
	(tag) =	ssettag s2;
	_ =	strace s9  }
0x27: {  	s1 =	sld [smem:$0x3FA7]  }
0x28: {  	s2 =	sld [smem:$0x3FA8]  }
0x29: {  	s4 =	sld [smem:$0x3FAA]  }
0x2a: {  	p0 =	seq.s32 s5, $0x0;
	s5 =	sld [smem:$0x3FAB]  }
0x2b: {  	s6 =	sld [smem:$0x3FAC]  }
0x2c: {  	s7 =	sld [smem:$0x3FAD]  }
0x2d: {  	s3 =	simm.s32 $0x108;
	s8 =	sld [smem:$0x3FAE]  }
0x2e: {  	s3 =	simm.s32 @!p0 $0x1082;
	s9 =	sld [smem:$0x3FAF]  }
0x2f: {  	lr =	sadd.s32 s0, s3;
	s0 =	sld [smem:$0x3FA6]  }
0x30: {  	s3 =	sld [smem:$0x3FA9]  }
0x31: {  	[smem:$0x3FB2] =	sst s10  }
0x32: {  	s10 =	sld [smem:$0x3FB0];
	_ =	sdelay $0x3  }
0x33: {  	p0 =	seq.s32 s10, $0x1;
	s10 =	sld [smem:$0x3FB2];
	_ =	sdelay $0x3  }
0x34: {  	[smem:$0x3FB2] =	sst s10  }
0x35: {  	s10 =	sld [smem:$0x3FB1];
	_ =	sdelay $0x3  }
0x36: {  	p1 =	seq.s32 s10, $0x1;
	s10 =	sld [smem:$0x3FB2];
	_ =	sdelay $0x3  }
0x37: {  	[smem:$0x3FB2] =	sst s10  }
0x38: {  	s10 =	sld [smem:$0x3FB3]  }
0x39: {  	_ = 	snop;
	(pc) =	sbr.ind lr, $3  }
0x3a: {  	_ = 	snop  }
0x3b: {  	_ = 	snop  }
0x3c: {  	p2 =	seq.s32 s10, $0x1;
	s10 =	sld [smem:$0x3FB2]  }
0x3d: {  	_ =	shalt  }
0x3e: {  	_ =	shalt  }
0x3f: {  	_ =	shalt  }
0x40: {  	_ =	shalt  }
0x41: {  	_ =	shalt  }
0x42: {  	_ =	shalt  }
0x43: {  	_ =	shalt  }
0x44: {  	_ =	shalt  }
0x45: {  	_ =	shalt  }
0x46: {  	_ =	shalt  }
0x47: {  	_ =	shalt  }
0x48: {  	_ =	shalt  }
0x49: {  	_ =	shalt  }
0x4a: {  	_ =	shalt  }
0x4b: {  	_ =	shalt  }
0x4c: {  	_ =	shalt  }
0x4d: {  	_ =	shalt  }
0x4e: {  	_ =	shalt  }
0x4f: {  	_ =	shalt  }
0x50: {  	_ =	shalt  }
0x51: {  	_ =	shalt  }
0x52: {  	_ =	shalt  }
0x53: {  	_ =	shalt  }
0x54: {  	_ =	shalt  }
0x55: {  	_ =	shalt  }
0x56: {  	_ =	shalt  }
0x57: {  	_ =	shalt  }
0x58: {  	_ =	shalt  }
0x59: {  	_ =	shalt  }
0x5a: {  	_ =	shalt  }
0x5b: {  	_ =	shalt  }
0x5c: {  	_ =	shalt  }
0x5d: {  	_ =	shalt  }
0x5e: {  	_ =	shalt  }
0x5f: {  	_ =	shalt  }
0x60: {  	_ =	shalt  }
0x61: {  	_ =	shalt  }
0x62: {  	_ =	shalt  }
0x63: {  	_ =	shalt  }
0x64: {  	_ =	shalt  }
0x65: {  	_ =	shalt  }
0x66: {  	_ =	shalt  }
0x67: {  	_ =	shalt  }
0x68: {  	_ =	shalt  }
0x69: {  	_ =	shalt  }
0x6a: {  	_ =	shalt  }
0x6b: {  	_ =	shalt  }
0x6c: {  	_ =	shalt  }
0x6d: {  	_ =	shalt  }
0x6e: {  	_ =	shalt  }
0x6f: {  	_ =	shalt  }
0x70: {  	_ =	shalt  }
0x71: {  	_ =	shalt  }
0x72: {  	_ =	shalt  }
0x73: {  	_ =	shalt  }
0x74: {  	_ =	shalt  }
0x75: {  	_ =	shalt  }
0x76: {  	_ =	shalt  }
0x77: {  	_ =	shalt  }
0x78: {  	_ =	shalt  }
0x79: {  	_ =	shalt  }
0x7a: {  	_ =	shalt  }
0x7b: {  	_ =	shalt  }
0x7c: {  	_ =	shalt  }
0x7d: {  	_ =	shalt  }
0x7e: {  	_ =	shalt  }
0x7f: {  	_ =	shalt  }
0x80: {  	_ =	shalt  }
0x81: {  	_ =	shalt  }
0x82: {  	_ =	shalt  }
0x83: {  	_ =	shalt  }
0x84: {  	_ =	shalt  }
0x85: {  	_ =	shalt  }
0x86: {  	_ =	shalt  }
0x87: {  	_ =	shalt  }
.Lfunc_end0:
.L_simem_size_0:
called_computation.1_lowered:
.L_overlay_start_0:
0x88: {  	s2 =	sld [smem:$0x3FD9]  }
0x89: {  	s3 =	sld [smem:$0x3FFE];
	_ =	sdelay $0x1  }
0x8a: {  	s1 =	srdreg.scid  }
0x8b: {  	s0 =	sand.u32 $0x1, s1  }
0x8c: {  	s16 =	sshll.u32 s0, $0xA;
	s2 =	sadd.s32 s3, s2  }
0x8d: {  	s2 =	sadd.s32 s2, s16  }
0x8e: {  	[smem:$0x3FBE] =	sst s2  }
0x8f: {  	_ = 	snop  }
0x90: {  	(tm) =	ssettm $0x1  }
0x91: {  	s17 =	sld [smem:$0x3FFB];
	_ =	sdelay $0x3  }
0x92: {  	_ =	strace s17  }
0x93: {  	s2 =	sld [smem:$0x3FFC];
	_ =	sdelay $0x3  }
0x94: {  	_ =	strace s2  }
0x95: {  	s2 =	sld [smem:$0x3FFD];
	_ =	sdelay $0x3  }
0x96: {  	_ =	strace s2  }
0x97: {  	_ =	strace $0x8FFFFFFF  }
0x98: {  	s18 =	sld [smem:$0x3FDB];
	_ =	sdelay $0x1  }
0x99: {  	s19 =	simm.s32 $_scs_section_size  }
0x9a: {  	s4 =	simm.s32 $_size__tile_overlayer_lowered;
	s5 =	simm.s32 $_tile_overlayer_lowered  }
0x9b: {  	s22 =	simm.s32 $0x1BFF;
	s21 =	sshll.u32 s5, $0x1;
	s2 =	sadd.s32 s19, s18  }
0x9c: {  	s6 =	simm.s32 $0x0;
	s20 =	sshll.u32 s4, $0x1;
	s4 =	sadd.s32 s21, s2  }
0x9d: {  	[timem:s6], [sflag:s22] =	dma.local [hbm:s4], s20  }
0x9e: {  	_ =	swait.ge [sflag:s22], s20  }
0x9f: {  	s3 =	ssub.s32 $0x0, s20;
	[sflag:s22] =	ssyncset.done $0x0  }
0xa0: {  	[sflag:s22] =	ssyncadd.s32 s3;
	_ =	sdelay $0x1  }
0xa1: {  	s23 =	simm.s32 $0x1B8B  }
0xa2: {  	_ =	swait.ge [sflag:s23], $0x1  }
0xa3: {  	[sflag:s23] =	ssyncset.done $0x0  }
0xa4: {  	s25 =	simm.s32 $0x1B8E;
	s24 =	sld [smem:$0x3FFE];
	[sflag:s23] =	ssyncadd.s32 $0xFFFFFFFF  }
0xa5: {  	s26 =	simm.s32 $execute0_lowered;
	[smem:$0x3FD2] =	sst s25  }
0xa6: {  	s4 =	sshll.u32 s26, $0x1;
	_ =	strace $0x80000049;
	[dreg:$0x1] =	wrdreg $0xFFFFFFFF  }
0xa7: {  	s28 =	simm.s32 $_size_execute0_lowered;
	s2 =	sadd.s32 s2, s4;
	[dreg:$0x0] =	wrdreg $0x0  }
0xa8: {  	s4 =	sshll.u32 s28, $0x1;
	[dreg:$0x2] =	wrdreg s2  }
0xa9: {  	[dreg:$0x3] =	wrdreg s4  }
0xaa: {  	[dreg:$0x4] =	wrdreg $0xC0  }
0xab: {  	_ =	task [dreg:s6], $0x5FFFF  }
0xac: {  	[dreg:$0x1] =	wrdreg $0xFFFFFFFF  }
0xad: {  	[dreg:$0x0] =	wrdreg $0x60  }
0xae: {  	[dreg:$0x2] =	wrdreg s24  }
0xaf: {  	[dreg:$0x3] =	wrdreg $0x9  }
0xb0: {  	_ =	task.clear_ibuf [dreg:s6], $0x4FFFF;
	_ =	strace $0x90000049  }
0xb1: {  	s29 =	simm.s32 $0x9;
	_ =	strace $0x8000004B  }
0xb2: {  	_ =	swait.ge [sflag:s29], $0x1  }
0xb3: {  	[sflag:s29] =	ssyncadd.s32 $0xFFFFFFFF  }
0xb4: {  	_ =	strace $0x9000004B  }
0xb5: {  	_ =	sfence  }
0xb6: {  	s30 =	sld [smem:$0x0];
	_ =	sdelay $0x2  }
0xb7: {  	s31 =	sshll.u32 s1, $0xD;
	s1 =	sshrl.u32 s1, $0x2  }
0xb8: {  	s3 =	sand.u32 $0x4000, s31;
	s1 =	sadd.s32 s1, s30  }
0xb9: {  	s0 =	sor.u32 s3, s0;
	s1 =	sshll.u32 s1, $0x11  }
0xba: {  	s0 =	sor.u32 s1, s0  }
0xbb: {  	s0 =	sadd.s32 $0x8F2B, s0  }
0xbc: {  	[sflag:s0] =	ssyncadd.remote.s32 $0x1  }
0xbd: {  	_ =	sfence.sel $0xFFFF  }
0xbe: {  	[dreg:$0x0] =	wrdreg $0xFFFFFFFF;
	(pc) =	sbr.abs _section_cstart, $3  }
0xbf: {  	[dreg:$0x1] =	wrdreg $0xFFFFFFFF  }
0xc0: {  	_ =	task.clear_ibuf [dreg:s6], $0x2FFFF;
	_ =	strace $0x9FFFFFFF  }
0xc1: {  	(tm) =	ssettm $0x7FFFFFFF  }
tec
execute0_lowered:
.L_overlay_start_1:
0x0: {  	(tag) =	ssettag $0x1  }
0x1: {  	s0 =	srdreg.scid  }
0x2: {  	s2 =	stileid.u32;
	s1 =	rddreg [dreg:$0x0]  }
0x3: {  	s26 =	simm.s32 $0x80;
	s8 =	simm.s32 $0x2;
	s18 =	simm.s32 $0x100  }
0x4: {  	s21 =	simm.s32 $0x1900;
	s22 =	simm.s32 $0x2100;
	s23 =	simm.s32 $0x2900  }
0x5: {  	s28 =	simm.s32 $0x4900;
	s29 =	simm.s32 $0x5100;
	s30 =	simm.s32 $0x5900  }
0x6: {  	s31 =	simm.s32 $0x6100;
	s10 =	simm.s32 $0x7900;
	s11 =	simm.s32 $0x8100  }
0x7: {  	s12 =	simm.s32 $0x8900;
	s13 =	simm.s32 $0x9100;
	s14 =	simm.s32 $0x9900  }
0x8: {  	s15 =	simm.s32 $0xA100;
	s16 =	simm.s32 $0xA900;
	s17 =	simm.s32 $0xB100  }
0x9: {  	s0 =	sand.u32 $0x1, s0;
	s3 =	sshll.u32 s2, $0x7;
	s2 =	simm.s32 $0x0  }
0xa: {  	s9 =	simm.s32 $0xB900;
	s4 =	sshll.u32 s0, $0x6;
	[smem:$0x7FF] =	sst s2  }
0xb: {  	s0 =	ssub.s32 $0x2, s0;
	s3 =	sor.u32 s4, s3;
	_ =	strace $0x8000004A  }
0xc: {  	s24 =	sshrl.u32 s0, $0x1;
	[dreg:$0x5] =	wrdreg s26;
	s4 =	sshrl.u32 s3, $0x3  }
0xd: {  	s26 =	simm.s32 $0x4100;
	s3 =	sshll.u32 s3, $0x7;
	s4 =	sadd.s32 s4, s1  }
0xe: {  	s0 =	ssub.s32 s0, s24;
	s24 =	simm.s32 $0x3100;
	s6 =	sadd.s32 $0x43C00, s4  }
0xf: {  	s5 =	sadd.s32 s3, s1;
	s4 =	sadd.s32 $0x43E00, s4;
	[dreg:$0x2] =	wrdreg s6  }
0x10: {  	v2 =	vlaneseq.u32;
	s3 =	sadd.s32 $0x44000, s1;
	s25 =	sadd.s32 $0x3C00, s5;
	[dreg:$0x3] =	wrdreg s4  }
0x11: {  	vm0 =	vmmov $0xffff;
	v1 =	vshrl.u32 v2, $0x3;
	s7 =	smax.u32 s0, $0x1;
	s5 =	sadd.s32 $0x44200, s1;
	[dreg:$0x4] =	wrdreg s25  }
0x12: {  	v0 =	vand.u32 $0x7, v2;
	v2 =	vor.u32 $0x8, v2;
	v1 =	vmul.u32 $0x8, v1;
	s4 =	sadd.s32 $0x44100, s1;
	s6 =	sadd.s32 $0x44300, s1;
	s25 =	simm.s32 $0x3900  }
.LBB2_1:
0x13: {  	s19 =	rddreg [dreg:$0x2]  }
0x14: {  	[tilespmem:s2], [sflag:$0x2] =	stream.linear.gather [hbm4b:s19+s2], $0x40, $0x38;
	[tilespmem:$0x10100] =	vst v63  }
0x15: {  	_ =	swait.ge [sflag:s8], $0x40  }
0x16: {  	s0 =	rddreg [dreg:$0x3];
	[sflag:s8] =	ssyncset.done $0x0  }
0x17: {  	s20 =	rddreg [dreg:$0x5];
	[sflag:s8] =	ssyncadd.s32 $0xFFFFFFC0  }
0x18: {  	[tilespmem:s20], [sflag:$0x2] =	stream.linear.gather [hbm4b:s0+s2], $0x40, $0x38;
	[tilespmem:$0x10100] =	vst v63  }
0x19: {  	_ =	swait.ge [sflag:s8], $0x40  }
0x1a: {  	[sflag:s8] =	ssyncset.done $0x0  }
0x1b: {  	s1 =	rddreg [dreg:$0x4];
	[sflag:s8] =	ssyncadd.s32 $0xFFFFFFC0  }
0x1c: {  	[tilespmem:s18], [sflag:$0x2] =	stream.linear.gather [hbm4b:s1+s2], $0x10000, $0x38;
	[tilespmem:$0x10100] =	vst v63  }
0x1d: {  	_ =	swait.ge [sflag:s8], $0x10000  }
0x1e: {  	[sflag:s8] =	ssyncset.done $0x0  }
0x1f: {  	[sflag:s8] =	ssyncadd.s32 $0xFFFF0000  }
0x20: {  	v3 =	vld [tilespmem:$0x0];
	_ =	sdelay $0x4  }
0x21: {  	v4 =	vshll.u32 v3, $0x3  }
0x22: {  	v3 =	vand.u32 $0x7, v3;
	v4 =	vand.u32 $0xFFFFFFC0, v4  }
0x23: {  	v3 =	vor.u32 v3, v4  }
0x24: {  	v4 =	vperm.xlane v3, v0;
	_ =	sdelay $0x1  }
0x25: {  	v4 =	vadd.s32 v1, v4;
	_ =	sdelay $0x4  }
0x26: {  	[hbm4b:s3+s2] =	stream.indirect_vreg.scatter [tilespmem:s18], [sflag:$0x1], $0x80, v4, vm0, $0xb8;
	[tilespmem:$0x10100] =	vst v63  }
0x27: {  	s19 =	simm.s32 $0x900;
	v3 =	vperm.xlane v3, v2  }
0x28: {  	[hbm4b:s4+s2] =	stream.indirect_vreg.scatter [tilespmem:s19], [sflag:$0x1], $0x80, v4, vm0, $0xb8;
	[tilespmem:$0x10100] =	vst v63  }
0x29: {  	s20 =	simm.s32 $0x1100;
	v3 =	vadd.s32 v1, v3  }
0x2a: {  	[hbm4b:s5+s2] =	stream.indirect_vreg.scatter [tilespmem:s20], [sflag:$0x1], $0x80, v4, vm0, $0xb8;
	[tilespmem:$0x10100] =	vst v63  }
0x2b: {  	_ = 	snop  }
0x2c: {  	[hbm4b:s6+s2] =	stream.indirect_vreg.scatter [tilespmem:s21], [sflag:$0x1], $0x80, v4, vm0, $0xb8;
	[tilespmem:$0x10100] =	vst v63  }
0x2d: {  	_ = 	snop  }
0x2e: {  	[hbm4b:s3+s2] =	stream.indirect_vreg.scatter [tilespmem:s22], [sflag:$0x1], $0x80, v3, vm0, $0xb8;
	[tilespmem:$0x10100] =	vst v63  }
0x2f: {  	_ = 	snop  }
0x30: {  	[hbm4b:s4+s2] =	stream.indirect_vreg.scatter [tilespmem:s23], [sflag:$0x1], $0x80, v3, vm0, $0xb8;
	[tilespmem:$0x10100] =	vst v63  }
0x31: {  	_ = 	snop  }
0x32: {  	[hbm4b:s5+s2] =	stream.indirect_vreg.scatter [tilespmem:s24], [sflag:$0x1], $0x80, v3, vm0, $0xb8;
	[tilespmem:$0x10100] =	vst v63  }
0x33: {  	_ = 	snop  }
0x34: {  	[hbm4b:s6+s2] =	stream.indirect_vreg.scatter [tilespmem:s25], [sflag:$0x1], $0x80, v3, vm0, $0xb8;
	[tilespmem:$0x10100] =	vst v63  }
0x35: {  	v3 =	vld [tilespmem:$0x10];
	_ =	sdelay $0x4  }
0x36: {  	v57 =	vshll.u32 v3, $0x3  }
0x37: {  	v3 =	vand.u32 $0x7, v3;
	v4 =	vand.u32 $0xFFFFFFC0, v57  }
0x38: {  	v3 =	vor.u32 v3, v4  }
0x39: {  	v4 =	vperm.xlane v3, v0;
	_ =	sdelay $0x1  }
0x3a: {  	v4 =	vadd.s32 v1, v4;
	_ =	sdelay $0x4  }
0x3b: {  	[hbm4b:s3+s2] =	stream.indirect_vreg.scatter [tilespmem:s26], [sflag:$0x1], $0x80, v4, vm0, $0xb8;
	[tilespmem:$0x10100] =	vst v63  }
0x3c: {  	v3 =	vperm.xlane v3, v2  }
0x3d: {  	[hbm4b:s4+s2] =	stream.indirect_vreg.scatter [tilespmem:s28], [sflag:$0x1], $0x80, v4, vm0, $0xb8;
	[tilespmem:$0x10100] =	vst v63  }
0x3e: {  	v3 =	vadd.s32 v1, v3  }
0x3f: {  	[hbm4b:s5+s2] =	stream.indirect_vreg.scatter [tilespmem:s29], [sflag:$0x1], $0x80, v4, vm0, $0xb8;
	[tilespmem:$0x10100] =	vst v63  }
0x40: {  	_ = 	snop  }
0x41: {  	[hbm4b:s6+s2] =	stream.indirect_vreg.scatter [tilespmem:s30], [sflag:$0x1], $0x80, v4, vm0, $0xb8;
	[tilespmem:$0x10100] =	vst v63  }
0x42: {  	_ = 	snop  }
0x43: {  	[hbm4b:s3+s2] =	stream.indirect_vreg.scatter [tilespmem:s31], [sflag:$0x1], $0x80, v3, vm0, $0xb8;
	[tilespmem:$0x10100] =	vst v63  }
0x44: {  	s1 =	simm.s32 $0x6900  }
0x45: {  	[hbm4b:s4+s2] =	stream.indirect_vreg.scatter [tilespmem:s1], [sflag:$0x1], $0x80, v3, vm0, $0xb8;
	[tilespmem:$0x10100] =	vst v63  }
0x46: {  	s0 =	simm.s32 $0x7100  }
0x47: {  	[hbm4b:s5+s2] =	stream.indirect_vreg.scatter [tilespmem:s0], [sflag:$0x1], $0x80, v3, vm0, $0xb8;
	[tilespmem:$0x10100] =	vst v63  }
0x48: {  	_ = 	snop  }
0x49: {  	[hbm4b:s6+s2] =	stream.indirect_vreg.scatter [tilespmem:s10], [sflag:$0x1], $0x80, v3, vm0, $0xb8;
	[tilespmem:$0x10100] =	vst v63  }
0x4a: {  	v3 =	vld [tilespmem:$0x20];
	_ =	sdelay $0x4  }
0x4b: {  	v58 =	vshll.u32 v3, $0x3  }
0x4c: {  	v3 =	vand.u32 $0x7, v3;
	v4 =	vand.u32 $0xFFFFFFC0, v58  }
0x4d: {  	v3 =	vor.u32 v3, v4  }
0x4e: {  	v4 =	vperm.xlane v3, v0;
	_ =	sdelay $0x1  }
0x4f: {  	v4 =	vadd.s32 v1, v4;
	_ =	sdelay $0x4  }
0x50: {  	[hbm4b:s3+s2] =	stream.indirect_vreg.scatter [tilespmem:s11], [sflag:$0x1], $0x80, v4, vm0, $0xb8;
	[tilespmem:$0x10100] =	vst v63  }
0x51: {  	v3 =	vperm.xlane v3, v2  }
0x52: {  	[hbm4b:s4+s2] =	stream.indirect_vreg.scatter [tilespmem:s12], [sflag:$0x1], $0x80, v4, vm0, $0xb8;
	[tilespmem:$0x10100] =	vst v63  }
0x53: {  	v3 =	vadd.s32 v1, v3  }
0x54: {  	[hbm4b:s5+s2] =	stream.indirect_vreg.scatter [tilespmem:s13], [sflag:$0x1], $0x80, v4, vm0, $0xb8;
	[tilespmem:$0x10100] =	vst v63  }
0x55: {  	_ = 	snop  }
0x56: {  	[hbm4b:s6+s2] =	stream.indirect_vreg.scatter [tilespmem:s14], [sflag:$0x1], $0x80, v4, vm0, $0xb8;
	[tilespmem:$0x10100] =	vst v63  }
0x57: {  	_ = 	snop  }
0x58: {  	[hbm4b:s3+s2] =	stream.indirect_vreg.scatter [tilespmem:s15], [sflag:$0x1], $0x80, v3, vm0, $0xb8;
	[tilespmem:$0x10100] =	vst v63  }
0x59: {  	_ = 	snop  }
0x5a: {  	[hbm4b:s4+s2] =	stream.indirect_vreg.scatter [tilespmem:s16], [sflag:$0x1], $0x80, v3, vm0, $0xb8;
	[tilespmem:$0x10100] =	vst v63  }
0x5b: {  	_ = 	snop  }
0x5c: {  	[hbm4b:s5+s2] =	stream.indirect_vreg.scatter [tilespmem:s17], [sflag:$0x1], $0x80, v3, vm0, $0xb8;
	[tilespmem:$0x10100] =	vst v63  }
0x5d: {  	_ = 	snop  }
0x5e: {  	[hbm4b:s6+s2] =	stream.indirect_vreg.scatter [tilespmem:s9], [sflag:$0x1], $0x80, v3, vm0, $0xb8;
	[tilespmem:$0x10100] =	vst v63  }
0x5f: {  	v3 =	vld [tilespmem:$0x30];
	_ =	sdelay $0x4  }
0x60: {  	v59 =	vshll.u32 v3, $0x3  }
0x61: {  	v3 =	vand.u32 $0x7, v3;
	v4 =	vand.u32 $0xFFFFFFC0, v59  }
0x62: {  	v3 =	vor.u32 v3, v4  }
0x63: {  	v4 =	vperm.xlane v3, v0;
	_ =	sdelay $0x1  }
0x64: {  	v4 =	vadd.s32 v1, v4;
	_ =	sdelay $0x3  }
0x65: {  	s0 =	simm.s32 $0xC100  }
0x66: {  	[hbm4b:s3+s2] =	stream.indirect_vreg.scatter [tilespmem:s0], [sflag:$0x1], $0x80, v4, vm0, $0xb8;
	[tilespmem:$0x10100] =	vst v63  }
0x67: {  	v3 =	vperm.xlane v3, v2;
	s0 =	simm.s32 $0xC900  }
0x68: {  	[hbm4b:s4+s2] =	stream.indirect_vreg.scatter [tilespmem:s0], [sflag:$0x1], $0x80, v4, vm0, $0xb8;
	[tilespmem:$0x10100] =	vst v63  }
0x69: {  	v3 =	vadd.s32 v1, v3;
	s0 =	simm.s32 $0xD100  }
0x6a: {  	[hbm4b:s5+s2] =	stream.indirect_vreg.scatter [tilespmem:s0], [sflag:$0x1], $0x80, v4, vm0, $0xb8;
	[tilespmem:$0x10100] =	vst v63  }
0x6b: {  	s0 =	simm.s32 $0xD900  }
0x6c: {  	[hbm4b:s6+s2] =	stream.indirect_vreg.scatter [tilespmem:s0], [sflag:$0x1], $0x80, v4, vm0, $0xb8;
	[tilespmem:$0x10100] =	vst v63  }
0x6d: {  	s0 =	simm.s32 $0xE100  }
0x6e: {  	[hbm4b:s3+s2] =	stream.indirect_vreg.scatter [tilespmem:s0], [sflag:$0x1], $0x80, v3, vm0, $0xb8;
	[tilespmem:$0x10100] =	vst v63  }
0x6f: {  	s0 =	simm.s32 $0xE900  }
0x70: {  	[hbm4b:s4+s2] =	stream.indirect_vreg.scatter [tilespmem:s0], [sflag:$0x1], $0x80, v3, vm0, $0xb8;
	[tilespmem:$0x10100] =	vst v63  }
0x71: {  	s0 =	simm.s32 $0xF100  }
0x72: {  	[hbm4b:s5+s2] =	stream.indirect_vreg.scatter [tilespmem:s0], [sflag:$0x1], $0x80, v3, vm0, $0xb8;
	[tilespmem:$0x10100] =	vst v63  }
0x73: {  	s0 =	simm.s32 $0xF900  }
0x74: {  	[hbm4b:s6+s2] =	stream.indirect_vreg.scatter [tilespmem:s0], [sflag:$0x1], $0x80, v3, vm0, $0xb8;
	[tilespmem:$0x10100] =	vst v63  }
0x75: {  	v3 =	vld [tilespmem:$0x80];
	_ =	sdelay $0x4  }
0x76: {  	v60 =	vshll.u32 v3, $0x3  }
0x77: {  	v3 =	vand.u32 $0x7, v3;
	v4 =	vand.u32 $0xFFFFFFC0, v60  }
0x78: {  	v3 =	vor.u32 v3, v4  }
0x79: {  	v4 =	vperm.xlane v3, v0;
	_ =	sdelay $0x1  }
0x7a: {  	v4 =	vadd.s32 v1, v4;
	_ =	sdelay $0x4  }
0x7b: {  	[hbm4b:s3+s2] =	stream.indirect_vreg.scatter [tilespmem:s18], [sflag:$0x1], $0x80, v4, vm0, $0xb8;
	[tilespmem:$0x10100] =	vst v63  }
0x7c: {  	v3 =	vperm.xlane v3, v2  }
0x7d: {  	[hbm4b:s4+s2] =	stream.indirect_vreg.scatter [tilespmem:s19], [sflag:$0x1], $0x80, v4, vm0, $0xb8;
	[tilespmem:$0x10100] =	vst v63  }
0x7e: {  	v3 =	vadd.s32 v1, v3  }
0x7f: {  	[hbm4b:s5+s2] =	stream.indirect_vreg.scatter [tilespmem:s20], [sflag:$0x1], $0x80, v4, vm0, $0xb8;
	[tilespmem:$0x10100] =	vst v63  }
0x80: {  	_ = 	snop  }
0x81: {  	[hbm4b:s6+s2] =	stream.indirect_vreg.scatter [tilespmem:s21], [sflag:$0x1], $0x80, v4, vm0, $0xb8;
	[tilespmem:$0x10100] =	vst v63  }
0x82: {  	_ = 	snop  }
0x83: {  	[hbm4b:s3+s2] =	stream.indirect_vreg.scatter [tilespmem:s22], [sflag:$0x1], $0x80, v3, vm0, $0xb8;
	[tilespmem:$0x10100] =	vst v63  }
0x84: {  	_ = 	snop  }
0x85: {  	[hbm4b:s4+s2] =	stream.indirect_vreg.scatter [tilespmem:s23], [sflag:$0x1], $0x80, v3, vm0, $0xb8;
	[tilespmem:$0x10100] =	vst v63  }
0x86: {  	_ = 	snop  }
0x87: {  	[hbm4b:s5+s2] =	stream.indirect_vreg.scatter [tilespmem:s24], [sflag:$0x1], $0x80, v3, vm0, $0xb8;
	[tilespmem:$0x10100] =	vst v63  }
0x88: {  	_ = 	snop  }
0x89: {  	[hbm4b:s6+s2] =	stream.indirect_vreg.scatter [tilespmem:s25], [sflag:$0x1], $0x80, v3, vm0, $0xb8;
	[tilespmem:$0x10100] =	vst v63  }
0x8a: {  	v3 =	vld [tilespmem:$0x90];
	_ =	sdelay $0x4  }
0x8b: {  	v61 =	vshll.u32 v3, $0x3  }
0x8c: {  	v3 =	vand.u32 $0x7, v3;
	v4 =	vand.u32 $0xFFFFFFC0, v61  }
0x8d: {  	v3 =	vor.u32 v3, v4  }
0x8e: {  	v4 =	vperm.xlane v3, v0;
	_ =	sdelay $0x1  }
0x8f: {  	v4 =	vadd.s32 v1, v4;
	_ =	sdelay $0x4  }
0x90: {  	[hbm4b:s3+s2] =	stream.indirect_vreg.scatter [tilespmem:s26], [sflag:$0x1], $0x80, v4, vm0, $0xb8;
	[tilespmem:$0x10100] =	vst v63  }
0x91: {  	v3 =	vperm.xlane v3, v2  }
0x92: {  	[hbm4b:s4+s2] =	stream.indirect_vreg.scatter [tilespmem:s28], [sflag:$0x1], $0x80, v4, vm0, $0xb8;
	[tilespmem:$0x10100] =	vst v63  }
0x93: {  	v3 =	vadd.s32 v1, v3  }
0x94: {  	[hbm4b:s5+s2] =	stream.indirect_vreg.scatter [tilespmem:s29], [sflag:$0x1], $0x80, v4, vm0, $0xb8;
	[tilespmem:$0x10100] =	vst v63  }
0x95: {  	_ = 	snop  }
0x96: {  	[hbm4b:s6+s2] =	stream.indirect_vreg.scatter [tilespmem:s30], [sflag:$0x1], $0x80, v4, vm0, $0xb8;
	[tilespmem:$0x10100] =	vst v63  }
0x97: {  	_ = 	snop  }
0x98: {  	[hbm4b:s3+s2] =	stream.indirect_vreg.scatter [tilespmem:s31], [sflag:$0x1], $0x80, v3, vm0, $0xb8;
	[tilespmem:$0x10100] =	vst v63  }
0x99: {  	_ = 	snop  }
0x9a: {  	[hbm4b:s4+s2] =	stream.indirect_vreg.scatter [tilespmem:s1], [sflag:$0x1], $0x80, v3, vm0, $0xb8;
	[tilespmem:$0x10100] =	vst v63  }
0x9b: {  	s20 =	simm.s32 $0x7100  }
0x9c: {  	[hbm4b:s5+s2] =	stream.indirect_vreg.scatter [tilespmem:s20], [sflag:$0x1], $0x80, v3, vm0, $0xb8;
	[tilespmem:$0x10100] =	vst v63  }
0x9d: {  	_ = 	snop  }
0x9e: {  	[hbm4b:s6+s2] =	stream.indirect_vreg.scatter [tilespmem:s10], [sflag:$0x1], $0x80, v3, vm0, $0xb8;
	[tilespmem:$0x10100] =	vst v63  }
0x9f: {  	v3 =	vld [tilespmem:$0xA0];
	_ =	sdelay $0x4  }
0xa0: {  	v62 =	vshll.u32 v3, $0x3  }
0xa1: {  	v3 =	vand.u32 $0x7, v3;
	v4 =	vand.u32 $0xFFFFFFC0, v62  }
0xa2: {  	v3 =	vor.u32 v3, v4  }
0xa3: {  	v4 =	vperm.xlane v3, v0;
	_ =	sdelay $0x1  }
0xa4: {  	v4 =	vadd.s32 v1, v4;
	_ =	sdelay $0x4  }
0xa5: {  	[hbm4b:s3+s2] =	stream.indirect_vreg.scatter [tilespmem:s11], [sflag:$0x1], $0x80, v4, vm0, $0xb8;
	[tilespmem:$0x10100] =	vst v63  }
0xa6: {  	v3 =	vperm.xlane v3, v2  }
0xa7: {  	[hbm4b:s4+s2] =	stream.indirect_vreg.scatter [tilespmem:s12], [sflag:$0x1], $0x80, v4, vm0, $0xb8;
	[tilespmem:$0x10100] =	vst v63  }
0xa8: {  	v3 =	vadd.s32 v1, v3  }
0xa9: {  	[hbm4b:s5+s2] =	stream.indirect_vreg.scatter [tilespmem:s13], [sflag:$0x1], $0x80, v4, vm0, $0xb8;
	[tilespmem:$0x10100] =	vst v63  }
0xaa: {  	_ = 	snop  }
0xab: {  	[hbm4b:s6+s2] =	stream.indirect_vreg.scatter [tilespmem:s14], [sflag:$0x1], $0x80, v4, vm0, $0xb8;
	[tilespmem:$0x10100] =	vst v63  }
0xac: {  	_ = 	snop  }
0xad: {  	[hbm4b:s3+s2] =	stream.indirect_vreg.scatter [tilespmem:s15], [sflag:$0x1], $0x80, v3, vm0, $0xb8;
	[tilespmem:$0x10100] =	vst v63  }
0xae: {  	_ = 	snop  }
0xaf: {  	[hbm4b:s4+s2] =	stream.indirect_vreg.scatter [tilespmem:s16], [sflag:$0x1], $0x80, v3, vm0, $0xb8;
	[tilespmem:$0x10100] =	vst v63  }
0xb0: {  	_ = 	snop  }
0xb1: {  	[hbm4b:s5+s2] =	stream.indirect_vreg.scatter [tilespmem:s17], [sflag:$0x1], $0x80, v3, vm0, $0xb8;
	[tilespmem:$0x10100] =	vst v63  }
0xb2: {  	_ = 	snop  }
0xb3: {  	[hbm4b:s6+s2] =	stream.indirect_vreg.scatter [tilespmem:s9], [sflag:$0x1], $0x80, v3, vm0, $0xb8;
	[tilespmem:$0x10100] =	vst v63  }
0xb4: {  	v3 =	vld [tilespmem:$0xB0];
	_ =	sdelay $0x4  }
0xb5: {  	v63 =	vshll.u32 v3, $0x3  }
0xb6: {  	v3 =	vand.u32 $0x7, v3;
	v4 =	vand.u32 $0xFFFFFFC0, v63  }
0xb7: {  	v3 =	vor.u32 v3, v4  }
0xb8: {  	v4 =	vperm.xlane v3, v0;
	_ =	sdelay $0x1  }
0xb9: {  	v4 =	vadd.s32 v1, v4;
	_ =	sdelay $0x3  }
0xba: {  	s19 =	simm.s32 $0xC100  }
0xbb: {  	[hbm4b:s3+s2] =	stream.indirect_vreg.scatter [tilespmem:s19], [sflag:$0x1], $0x80, v4, vm0, $0xb8;
	[tilespmem:$0x10100] =	vst v63  }
0xbc: {  	s20 =	simm.s32 $0xC900;
	v3 =	vperm.xlane v3, v2  }
0xbd: {  	[hbm4b:s4+s2] =	stream.indirect_vreg.scatter [tilespmem:s20], [sflag:$0x1], $0x80, v4, vm0, $0xb8;
	[tilespmem:$0x10100] =	vst v63  }
0xbe: {  	v3 =	vadd.s32 v1, v3;
	s19 =	simm.s32 $0xD100  }
0xbf: {  	[hbm4b:s5+s2] =	stream.indirect_vreg.scatter [tilespmem:s19], [sflag:$0x1], $0x80, v4, vm0, $0xb8;
	[tilespmem:$0x10100] =	vst v63  }
0xc0: {  	s20 =	simm.s32 $0xD900  }
0xc1: {  	[hbm4b:s6+s2] =	stream.indirect_vreg.scatter [tilespmem:s20], [sflag:$0x1], $0x80, v4, vm0, $0xb8;
	[tilespmem:$0x10100] =	vst v63  }
0xc2: {  	s19 =	simm.s32 $0xE100  }
0xc3: {  	[hbm4b:s3+s2] =	stream.indirect_vreg.scatter [tilespmem:s19], [sflag:$0x1], $0x80, v3, vm0, $0xb8;
	[tilespmem:$0x10100] =	vst v63  }
0xc4: {  	s20 =	simm.s32 $0xE900  }
0xc5: {  	[hbm4b:s4+s2] =	stream.indirect_vreg.scatter [tilespmem:s20], [sflag:$0x1], $0x80, v3, vm0, $0xb8;
	[tilespmem:$0x10100] =	vst v63  }
0xc6: {  	s19 =	simm.s32 $0xF100  }
0xc7: {  	[hbm4b:s5+s2] =	stream.indirect_vreg.scatter [tilespmem:s19], [sflag:$0x1], $0x80, v3, vm0, $0xb8;
	[tilespmem:$0x10100] =	vst v63  }
0xc8: {  	s20 =	simm.s32 $0x1  }
0xc9: {  	[hbm4b:s6+s2] =	stream.indirect_vreg.scatter [tilespmem:s0], [sflag:$0x1], $0x80, v3, vm0, $0xb8;
	[tilespmem:$0x10100] =	vst v63  }
0xca: {  	p0 =	sne.s32 s7, $0x1;
	_ =	swait.ge [sflag:s20], $0x10000  }
.Ltmp0:
0xcb: {  	[sflag:s20] =	ssyncset.done $0x0;
	(pc) =	sbr.rel @p0 .LBB2_1-.Ltmp0, $4  }
0xcc: {  	[sflag:s20] =	ssyncadd.s32 $0xFFFF0000  }
0xcd: {  	_ =	swait.ge [sflag:s20], $0x10000  }
0xce: {  	[sflag:s20] =	ssyncset.done $0x0  }
0xcf: {  	s7 =	sadd.s32 $0xFFFFFFFF, s7;
	[sflag:s20] =	ssyncadd.s32 $0xFFFF0000  }
0xd0: {  	_ =	sfence.sel $0x180000  }
0xd1: {  	[bflag:$0x0] =	sbarrier.arrive $0xFFFF  }
0xd2: {  	_ =	strace $0x9000004A  }
0xd3: {  	s0 =	stileid.u32;
	[bflag:$0x2] =	sbarrier.arrive $0xFFFF  }
0xd4: {  	p0 =	sne.s32 s0, $0x0;
	s0 =	rddreg [dreg:$0x1]  }
0xd5: {  	s0 =	sadd.s32 @!p0 $0x100000, s0  }
0xd6: {  	[sflag:s0] =	ssyncadd.tile.s32 @!p0 $0x1;
	_ =	shalt  }
.Lfunc_end2:
_tile_overlayer_lowered:
.L_overlay_start_2:
0xd7: {  	(tag) =	ssettag $0x2  }
0xd8: {  	s0 =	rddreg [dreg:$0x0];
	s2 =	stileid.u32  }
0xd9: {  	s1 =	rddreg [dreg:$0x1];
	p0 =	sne.s32 s2, $0x0  }
0xda: {  	s3 =	rddreg [dreg:$0x2];
	[bflag:$0x3] =	sbarrier.arrive $0xFFFF;
	s2 =	simm.s32 @!p0 $0x1C02  }
0xdb: {  	[timem:s3], [sflag:s2] =	dma.local @!p0 [hbm:s0], s1  }
0xdc: {  	s0 =	simm.s32 @!p0 $0x2  }
0xdd: {  	_ =	swait.ge @!p0 [sflag:s0], s1  }
0xde: {  	s1 =	ssub.s32 @!p0 $0x0, s1;
	[sflag:s0] =	ssyncset.done @!p0 $0x0  }
0xdf: {  	[sflag:s0] =	ssyncadd.s32 @!p0 s1  }
0xe0: {  	[bflag:$0x3] =	sbarrier.arrive $0xFFFF  }
0xe1: {  	_ =	shalt  }

// kernel: kernel.13.cloned.1.call-start
scs
__scs_entry_jumppad:
0x0: {  	(pc) =	sbr.rel $0x88, $3  }
0x1: {  	(tag) =	ssettag $0x0;
	lr =	simm.s32 $0x1  }
0x2: {  	[smem:$0x3F97] =	sst lr;
	_ =	strace $0xD0000000  }
0x3: {  	_ = 	snop  }
0x4: {  	_ = 	snop  }
0x5: {  	_ = 	snop  }
0x6: {  	_ = 	snop  }
0x7: {  	_ = 	snop  }
__scs_overlays_trampoline_lowered:
0x8: {  	[smem:$0x3FA6] =	sst s0  }
0x9: {  	[smem:$0x3FA7] =	sst s1  }
0xa: {  	[smem:$0x3FA8] =	sst s2  }
0xb: {  	[smem:$0x3FA9] =	sst s3  }
0xc: {  	[smem:$0x3FAA] =	sst s4  }
0xd: {  	[smem:$0x3FAB] =	sst s5  }
0xe: {  	[smem:$0x3FAC] =	sst s6  }
0xf: {  	[smem:$0x3FAD] =	sst s7  }
0x10: {  	[smem:$0x3FAE] =	sst s8  }
0x11: {  	[smem:$0x3FAF] =	sst s9;
	s0 =	simm.s32 @!p0 $0x0  }
0x12: {  	s1 =	sld [smem:$0x3F95];
	s0 =	simm.s32 @p0 $0x1  }
0x13: {  	[smem:$0x3FB0] =	sst s0;
	s0 =	simm.s32 @!p1 $0x0  }
0x14: {  	s2 =	sld [smem:$0x3F94];
	s0 =	simm.s32 @p1 $0x1  }
0x15: {  	[smem:$0x3FB1] =	sst s0;
	s0 =	simm.s32 @!p2 $0x0  }
0x16: {  	s3 =	sld [smem:$0x3FDB];
	s0 =	simm.s32 @p2 $0x1  }
0x17: {  	s4 =	simm.s32 $0x1BF5;
	[smem:$0x3FB3] =	sst s0  }
0x18: {  	s0 =	sld [smem:$0x3F96];
	_ =	swait.ge [sflag:s4], $0x0  }
0x19: {  	s7 =	sld [smem:$0x3F97]  }
0x1a: {  	s8 =	sadd.s32 $0xFFFFE003, lr  }
0x1b: {  	s9 =	sadd.s32 $0xFFFFFEF7, lr;
	s5 =	simm.s32 $0xFFFFFFFF;
	p2 =	slt.u32 s8, $0xFFFFF086  }
0x1c: {  	p1 =	slt.u32 s9, $0xF7A;
	s5 =	simm.s32 @!p2 $0x0  }
0x1d: {  	s5 =	simm.s32 @p1 $0x1;
	p0 =	seq.s32 s7, s2  }
0x1e: {  	s7 =	smul.u32 @!p0 $0xF7A, s2;
	p2 =	seq.s32 @!p0 s5, $0x0  }
0x1f: {  	s9 =	smul.u32 $0xF7A, s1;
	s8 =	simm.s32 @!p0 $0x1BF5;
	p2 =	por !p2, p0  }
0x20: {  	[sflag:s8] =	ssyncset.s32 @!p0 $0xFFFFF086;
	s6 =	sadd.s32 @!p0 s3, s7;
	s7 =	simm.s32 @!p0 $0x108  }
0x21: {  	s3 =	sadd.s32 s3, s9;
	s6 =	sadd.s32 @!p0 $0x88, s6;
	s7 =	simm.s32 @p2 $0x1082  }
0x22: {  	[simem:s7], [sflag:s8] =	dma.local @!p0 [hbm:s6], $0xF7A  }
0x23: {  	s9 =	sor.u32 $0xD0000000, s2;
	s6 =	simm.s32 $0x108;
	_ =	swait.ge @!p0 [sflag:s8], $0x0  }
0x24: {  	s3 =	sadd.s32 $0x88, s3;
	s6 =	simm.s32 @!p1 $0x1082;
	[sflag:s4] =	ssyncset.s32 $0xFFFFF086  }
0x25: {  	[simem:s6], [sflag:s4] =	dma.local [hbm:s3], $0xF7A  }
0x26: {  	[smem:$0x3F97] =	sst s1;
	(tag) =	ssettag s2;
	_ =	strace s9  }
0x27: {  	s1 =	sld [smem:$0x3FA7]  }
0x28: {  	s2 =	sld [smem:$0x3FA8]  }
0x29: {  	s4 =	sld [smem:$0x3FAA]  }
0x2a: {  	p0 =	seq.s32 s5, $0x0;
	s5 =	sld [smem:$0x3FAB]  }
0x2b: {  	s6 =	sld [smem:$0x3FAC]  }
0x2c: {  	s7 =	sld [smem:$0x3FAD]  }
0x2d: {  	s3 =	simm.s32 $0x108;
	s8 =	sld [smem:$0x3FAE]  }
0x2e: {  	s3 =	simm.s32 @!p0 $0x1082;
	s9 =	sld [smem:$0x3FAF]  }
0x2f: {  	lr =	sadd.s32 s0, s3;
	s0 =	sld [smem:$0x3FA6]  }
0x30: {  	s3 =	sld [smem:$0x3FA9]  }
0x31: {  	[smem:$0x3FB2] =	sst s10  }
0x32: {  	s10 =	sld [smem:$0x3FB0];
	_ =	sdelay $0x3  }
0x33: {  	p0 =	seq.s32 s10, $0x1;
	s10 =	sld [smem:$0x3FB2];
	_ =	sdelay $0x3  }
0x34: {  	[smem:$0x3FB2] =	sst s10  }
0x35: {  	s10 =	sld [smem:$0x3FB1];
	_ =	sdelay $0x3  }
0x36: {  	p1 =	seq.s32 s10, $0x1;
	s10 =	sld [smem:$0x3FB2];
	_ =	sdelay $0x3  }
0x37: {  	[smem:$0x3FB2] =	sst s10  }
0x38: {  	s10 =	sld [smem:$0x3FB3]  }
0x39: {  	_ = 	snop;
	(pc) =	sbr.ind lr, $3  }
0x3a: {  	_ = 	snop  }
0x3b: {  	_ = 	snop  }
0x3c: {  	p2 =	seq.s32 s10, $0x1;
	s10 =	sld [smem:$0x3FB2]  }
0x3d: {  	_ =	shalt  }
0x3e: {  	_ =	shalt  }
0x3f: {  	_ =	shalt  }
0x40: {  	_ =	shalt  }
0x41: {  	_ =	shalt  }
0x42: {  	_ =	shalt  }
0x43: {  	_ =	shalt  }
0x44: {  	_ =	shalt  }
0x45: {  	_ =	shalt  }
0x46: {  	_ =	shalt  }
0x47: {  	_ =	shalt  }
0x48: {  	_ =	shalt  }
0x49: {  	_ =	shalt  }
0x4a: {  	_ =	shalt  }
0x4b: {  	_ =	shalt  }
0x4c: {  	_ =	shalt  }
0x4d: {  	_ =	shalt  }
0x4e: {  	_ =	shalt  }
0x4f: {  	_ =	shalt  }
0x50: {  	_ =	shalt  }
0x51: {  	_ =	shalt  }
0x52: {  	_ =	shalt  }
0x53: {  	_ =	shalt  }
0x54: {  	_ =	shalt  }
0x55: {  	_ =	shalt  }
0x56: {  	_ =	shalt  }
0x57: {  	_ =	shalt  }
0x58: {  	_ =	shalt  }
0x59: {  	_ =	shalt  }
0x5a: {  	_ =	shalt  }
0x5b: {  	_ =	shalt  }
0x5c: {  	_ =	shalt  }
0x5d: {  	_ =	shalt  }
0x5e: {  	_ =	shalt  }
0x5f: {  	_ =	shalt  }
0x60: {  	_ =	shalt  }
0x61: {  	_ =	shalt  }
0x62: {  	_ =	shalt  }
0x63: {  	_ =	shalt  }
0x64: {  	_ =	shalt  }
0x65: {  	_ =	shalt  }
0x66: {  	_ =	shalt  }
0x67: {  	_ =	shalt  }
0x68: {  	_ =	shalt  }
0x69: {  	_ =	shalt  }
0x6a: {  	_ =	shalt  }
0x6b: {  	_ =	shalt  }
0x6c: {  	_ =	shalt  }
0x6d: {  	_ =	shalt  }
0x6e: {  	_ =	shalt  }
0x6f: {  	_ =	shalt  }
0x70: {  	_ =	shalt  }
0x71: {  	_ =	shalt  }
0x72: {  	_ =	shalt  }
0x73: {  	_ =	shalt  }
0x74: {  	_ =	shalt  }
0x75: {  	_ =	shalt  }
0x76: {  	_ =	shalt  }
0x77: {  	_ =	shalt  }
0x78: {  	_ =	shalt  }
0x79: {  	_ =	shalt  }
0x7a: {  	_ =	shalt  }
0x7b: {  	_ =	shalt  }
0x7c: {  	_ =	shalt  }
0x7d: {  	_ =	shalt  }
0x7e: {  	_ =	shalt  }
0x7f: {  	_ =	shalt  }
0x80: {  	_ =	shalt  }
0x81: {  	_ =	shalt  }
0x82: {  	_ =	shalt  }
0x83: {  	_ =	shalt  }
0x84: {  	_ =	shalt  }
0x85: {  	_ =	shalt  }
0x86: {  	_ =	shalt  }
0x87: {  	_ =	shalt  }
.Lfunc_end0:
.L_simem_size_0:
called_computation.2_lowered:
.L_overlay_start_0:
0x88: {  	s2 =	sld [smem:$0x3FD9]  }
0x89: {  	s3 =	sld [smem:$0x3FFE];
	_ =	sdelay $0x1  }
0x8a: {  	s1 =	srdreg.scid  }
0x8b: {  	s0 =	sand.u32 $0x1, s1  }
0x8c: {  	s16 =	sshll.u32 s0, $0xA;
	s2 =	sadd.s32 s3, s2  }
0x8d: {  	s2 =	sadd.s32 s2, s16  }
0x8e: {  	[smem:$0x3FBE] =	sst s2  }
0x8f: {  	_ = 	snop  }
0x90: {  	(tm) =	ssettm $0x1  }
0x91: {  	s17 =	sld [smem:$0x3FFB];
	_ =	sdelay $0x3  }
0x92: {  	_ =	strace s17  }
0x93: {  	s2 =	sld [smem:$0x3FFC];
	_ =	sdelay $0x3  }
0x94: {  	_ =	strace s2  }
0x95: {  	s2 =	sld [smem:$0x3FFD];
	_ =	sdelay $0x3  }
0x96: {  	_ =	strace s2  }
0x97: {  	_ =	strace $0x8FFFFFFF  }
0x98: {  	s18 =	sld [smem:$0x3FDB];
	_ =	sdelay $0x1  }
0x99: {  	s19 =	simm.s32 $_scs_section_size  }
0x9a: {  	s4 =	simm.s32 $_size__tile_overlayer_lowered;
	s5 =	simm.s32 $_tile_overlayer_lowered  }
0x9b: {  	s22 =	simm.s32 $0x1BFF;
	s21 =	sshll.u32 s5, $0x1;
	s2 =	sadd.s32 s19, s18  }
0x9c: {  	s6 =	simm.s32 $0x0;
	s20 =	sshll.u32 s4, $0x1;
	s4 =	sadd.s32 s21, s2  }
0x9d: {  	[timem:s6], [sflag:s22] =	dma.local [hbm:s4], s20  }
0x9e: {  	_ =	swait.ge [sflag:s22], s20  }
0x9f: {  	s3 =	ssub.s32 $0x0, s20;
	[sflag:s22] =	ssyncset.done $0x0  }
0xa0: {  	[sflag:s22] =	ssyncadd.s32 s3;
	_ =	sdelay $0x1  }
0xa1: {  	s23 =	simm.s32 $0x1B8B  }
0xa2: {  	_ =	swait.ge [sflag:s23], $0x1  }
0xa3: {  	[sflag:s23] =	ssyncset.done $0x0  }
0xa4: {  	s25 =	simm.s32 $0x1B8E;
	s24 =	sld [smem:$0x3FFE];
	[sflag:s23] =	ssyncadd.s32 $0xFFFFFFFF  }
0xa5: {  	s26 =	simm.s32 $execute0_lowered;
	[smem:$0x3FD2] =	sst s25  }
0xa6: {  	s4 =	sshll.u32 s26, $0x1;
	_ =	strace $0x8000004C;
	[dreg:$0x1] =	wrdreg $0xFFFFFFFF  }
0xa7: {  	s28 =	simm.s32 $_size_execute0_lowered;
	s2 =	sadd.s32 s2, s4;
	[dreg:$0x0] =	wrdreg $0x0  }
0xa8: {  	s4 =	sshll.u32 s28, $0x1;
	[dreg:$0x2] =	wrdreg s2  }
0xa9: {  	[dreg:$0x3] =	wrdreg s4  }
0xaa: {  	[dreg:$0x4] =	wrdreg $0xC0  }
0xab: {  	_ =	task [dreg:s6], $0x5FFFF  }
0xac: {  	[dreg:$0x1] =	wrdreg $0xFFFFFFFF  }
0xad: {  	[dreg:$0x0] =	wrdreg $0x60  }
0xae: {  	[dreg:$0x2] =	wrdreg s24  }
0xaf: {  	[dreg:$0x3] =	wrdreg $0x9  }
0xb0: {  	_ =	task.clear_ibuf [dreg:s6], $0x4FFFF;
	_ =	strace $0x9000004C  }
0xb1: {  	s29 =	simm.s32 $0x9;
	_ =	strace $0x8000004E  }
0xb2: {  	_ =	swait.ge [sflag:s29], $0x1  }
0xb3: {  	[sflag:s29] =	ssyncadd.s32 $0xFFFFFFFF  }
0xb4: {  	_ =	strace $0x9000004E  }
0xb5: {  	_ =	sfence  }
0xb6: {  	s30 =	sld [smem:$0x0];
	_ =	sdelay $0x2  }
0xb7: {  	s31 =	sshll.u32 s1, $0xD;
	s1 =	sshrl.u32 s1, $0x2  }
0xb8: {  	s3 =	sand.u32 $0x4000, s31;
	s1 =	sadd.s32 s1, s30  }
0xb9: {  	s0 =	sor.u32 s3, s0;
	s1 =	sshll.u32 s1, $0x11  }
0xba: {  	s0 =	sor.u32 s1, s0  }
0xbb: {  	s0 =	sadd.s32 $0x8F2B, s0  }
0xbc: {  	[sflag:s0] =	ssyncadd.remote.s32 $0x1  }
0xbd: {  	_ =	sfence.sel $0xFFFF  }
0xbe: {  	[dreg:$0x0] =	wrdreg $0xFFFFFFFF;
	(pc) =	sbr.abs _section_cstart, $3  }
0xbf: {  	[dreg:$0x1] =	wrdreg $0xFFFFFFFF  }
0xc0: {  	_ =	task.clear_ibuf [dreg:s6], $0x2FFFF;
	_ =	strace $0x9FFFFFFF  }
0xc1: {  	(tm) =	ssettm $0x7FFFFFFF  }
tec
execute0_lowered:
.L_overlay_start_1:
0x0: {  	(tag) =	ssettag $0x1  }
0x1: {  	s0 =	rddreg [dreg:$0x0]  }
0x2: {  	s1 =	srdreg.scid;
	s3 =	stileid.u32  }
0x3: {  	s2 =	simm.s32 $0x0;
	s26 =	simm.s32 $0x80;
	s8 =	simm.s32 $0x2  }
0x4: {  	s18 =	simm.s32 $0x1;
	s21 =	simm.s32 $0x1100;
	s28 =	simm.s32 $0x4100  }
0x5: {  	s29 =	simm.s32 $0x4900;
	s30 =	simm.s32 $0x5100;
	s31 =	simm.s32 $0x5900  }
0x6: {  	s10 =	simm.s32 $0x7100;
	s11 =	simm.s32 $0x7900;
	s12 =	simm.s32 $0x8100  }
0x7: {  	s13 =	simm.s32 $0x8900;
	s14 =	simm.s32 $0x9100;
	s15 =	simm.s32 $0x9900  }
0x8: {  	s16 =	simm.s32 $0xA100;
	s17 =	simm.s32 $0xA900;
	s9 =	simm.s32 $0xB100  }
0x9: {  	s1 =	sand.u32 $0x1, s1;
	s3 =	sshll.u32 s3, $0x7;
	[smem:$0x7FF] =	sst s2  }
0xa: {  	s4 =	sshll.u32 s1, $0x6;
	_ =	strace $0x8000004D;
	s1 =	ssub.s32 $0x2, s1  }
0xb: {  	[dreg:$0x6] =	wrdreg s26;
	s26 =	simm.s32 $0x3900;
	s4 =	sor.u32 s4, s3  }
0xc: {  	s3 =	sadd.s32 $0x10C000, s0;
	s22 =	sshrl.u32 s1, $0x1;
	s5 =	sshrl.u32 s4, $0x3  }
0xd: {  	s4 =	sshll.u32 s4, $0x7;
	s1 =	ssub.s32 s1, s22;
	s5 =	sadd.s32 s5, s0  }
0xe: {  	s22 =	simm.s32 $0x1900;
	s6 =	sadd.s32 s4, s0;
	s7 =	sadd.s32 $0x43C00, s5  }
0xf: {  	s4 =	sadd.s32 $0x10C100, s0;
	s23 =	sadd.s32 $0x43E00, s5;
	[dreg:$0x2] =	wrdreg s7  }
0x10: {  	s24 =	sadd.s32 $0x3C00, s6;
	s5 =	sadd.s32 $0x10C200, s0;
	[dreg:$0x3] =	wrdreg s23  }
0x11: {  	v2 =	vlaneseq.u32;
	s25 =	sadd.s32 $0x44000, s6;
	s6 =	sadd.s32 $0x10C300, s0;
	[dreg:$0x4] =	wrdreg s24  }
0x12: {  	vm0 =	vmmov $0xffff;
	v1 =	vshrl.u32 v2, $0x3;
	s0 =	simm.s32 $0x100;
	[dreg:$0x5] =	wrdreg s25;
	s7 =	smax.u32 s1, $0x1  }
0x13: {  	v0 =	vand.u32 $0x7, v2;
	v2 =	vor.u32 $0x8, v2;
	v1 =	vmul.u32 $0x8, v1;
	s23 =	simm.s32 $0x2100;
	s24 =	simm.s32 $0x2900;
	s25 =	simm.s32 $0x3100  }
.LBB2_1:
0x14: {  	s19 =	rddreg [dreg:$0x2]  }
0x15: {  	[tilespmem:s2], [sflag:$0x2] =	stream.linear.gather [hbm4b:s19+s2], $0x40, $0x38;
	[tilespmem:$0x10100] =	vst v63  }
0x16: {  	_ =	swait.ge [sflag:s8], $0x40  }
0x17: {  	s1 =	rddreg [dreg:$0x3];
	[sflag:s8] =	ssyncset.done $0x0  }
0x18: {  	s20 =	rddreg [dreg:$0x6];
	[sflag:s8] =	ssyncadd.s32 $0xFFFFFFC0  }
0x19: {  	[tilespmem:s20], [sflag:$0x2] =	stream.linear.gather [hbm4b:s1+s2], $0x40, $0x38;
	[tilespmem:$0x10100] =	vst v63  }
0x1a: {  	_ =	swait.ge [sflag:s8], $0x40  }
0x1b: {  	[sflag:s8] =	ssyncset.done $0x0  }
0x1c: {  	[sflag:s8] =	ssyncadd.s32 $0xFFFFFFC0  }
0x1d: {  	v3 =	vld [tilespmem:$0x0];
	_ =	sdelay $0x4  }
0x1e: {  	v4 =	vshll.u32 v3, $0x3  }
0x1f: {  	v3 =	vand.u32 $0x7, v3;
	v4 =	vand.u32 $0xFFFFFFC0, v4  }
0x20: {  	v3 =	vor.u32 v3, v4  }
0x21: {  	v4 =	vperm.xlane v3, v0;
	_ =	sdelay $0x1  }
0x22: {  	v4 =	vadd.s32 v1, v4;
	_ =	sdelay $0x4  }
0x23: {  	[tilespmem:s0], [sflag:$0x1] =	stream.indirect_vreg.gather [hbm4b:s3+s2], $0x80, v4, vm0, $0xb8;
	[tilespmem:$0x10100] =	vst v63  }
0x24: {  	s20 =	simm.s32 $0x900;
	v3 =	vperm.xlane v3, v2  }
0x25: {  	[tilespmem:s20], [sflag:$0x1] =	stream.indirect_vreg.gather [hbm4b:s4+s2], $0x80, v4, vm0, $0xb8;
	[tilespmem:$0x10100] =	vst v63  }
0x26: {  	v3 =	vadd.s32 v1, v3  }
0x27: {  	[tilespmem:s21], [sflag:$0x1] =	stream.indirect_vreg.gather [hbm4b:s5+s2], $0x80, v4, vm0, $0xb8;
	[tilespmem:$0x10100] =	vst v63  }
0x28: {  	_ = 	snop  }
0x29: {  	[tilespmem:s22], [sflag:$0x1] =	stream.indirect_vreg.gather [hbm4b:s6+s2], $0x80, v4, vm0, $0xb8;
	[tilespmem:$0x10100] =	vst v63  }
0x2a: {  	_ = 	snop  }
0x2b: {  	[tilespmem:s23], [sflag:$0x1] =	stream.indirect_vreg.gather [hbm4b:s3+s2], $0x80, v3, vm0, $0xb8;
	[tilespmem:$0x10100] =	vst v63  }
0x2c: {  	_ = 	snop  }
0x2d: {  	[tilespmem:s24], [sflag:$0x1] =	stream.indirect_vreg.gather [hbm4b:s4+s2], $0x80, v3, vm0, $0xb8;
	[tilespmem:$0x10100] =	vst v63  }
0x2e: {  	_ = 	snop  }
0x2f: {  	[tilespmem:s25], [sflag:$0x1] =	stream.indirect_vreg.gather [hbm4b:s5+s2], $0x80, v3, vm0, $0xb8;
	[tilespmem:$0x10100] =	vst v63  }
0x30: {  	_ = 	snop  }
0x31: {  	[tilespmem:s26], [sflag:$0x1] =	stream.indirect_vreg.gather [hbm4b:s6+s2], $0x80, v3, vm0, $0xb8;
	[tilespmem:$0x10100] =	vst v63  }
0x32: {  	v3 =	vld [tilespmem:$0x10];
	_ =	sdelay $0x4  }
0x33: {  	v57 =	vshll.u32 v3, $0x3  }
0x34: {  	v3 =	vand.u32 $0x7, v3;
	v4 =	vand.u32 $0xFFFFFFC0, v57  }
0x35: {  	v3 =	vor.u32 v3, v4  }
0x36: {  	v4 =	vperm.xlane v3, v0;
	_ =	sdelay $0x1  }
0x37: {  	v4 =	vadd.s32 v1, v4;
	_ =	sdelay $0x4  }
0x38: {  	[tilespmem:s28], [sflag:$0x1] =	stream.indirect_vreg.gather [hbm4b:s3+s2], $0x80, v4, vm0, $0xb8;
	[tilespmem:$0x10100] =	vst v63  }
0x39: {  	v3 =	vperm.xlane v3, v2  }
0x3a: {  	[tilespmem:s29], [sflag:$0x1] =	stream.indirect_vreg.gather [hbm4b:s4+s2], $0x80, v4, vm0, $0xb8;
	[tilespmem:$0x10100] =	vst v63  }
0x3b: {  	v3 =	vadd.s32 v1, v3  }
0x3c: {  	[tilespmem:s30], [sflag:$0x1] =	stream.indirect_vreg.gather [hbm4b:s5+s2], $0x80, v4, vm0, $0xb8;
	[tilespmem:$0x10100] =	vst v63  }
0x3d: {  	_ = 	snop  }
0x3e: {  	[tilespmem:s31], [sflag:$0x1] =	stream.indirect_vreg.gather [hbm4b:s6+s2], $0x80, v4, vm0, $0xb8;
	[tilespmem:$0x10100] =	vst v63  }
0x3f: {  	s1 =	simm.s32 $0x6100  }
0x40: {  	[tilespmem:s1], [sflag:$0x1] =	stream.indirect_vreg.gather [hbm4b:s3+s2], $0x80, v3, vm0, $0xb8;
	[tilespmem:$0x10100] =	vst v63  }
0x41: {  	s1 =	simm.s32 $0x6900  }
0x42: {  	[tilespmem:s1], [sflag:$0x1] =	stream.indirect_vreg.gather [hbm4b:s4+s2], $0x80, v3, vm0, $0xb8;
	[tilespmem:$0x10100] =	vst v63  }
0x43: {  	_ = 	snop  }
0x44: {  	[tilespmem:s10], [sflag:$0x1] =	stream.indirect_vreg.gather [hbm4b:s5+s2], $0x80, v3, vm0, $0xb8;
	[tilespmem:$0x10100] =	vst v63  }
0x45: {  	_ = 	snop  }
0x46: {  	[tilespmem:s11], [sflag:$0x1] =	stream.indirect_vreg.gather [hbm4b:s6+s2], $0x80, v3, vm0, $0xb8;
	[tilespmem:$0x10100] =	vst v63  }
0x47: {  	v3 =	vld [tilespmem:$0x20];
	_ =	sdelay $0x4  }
0x48: {  	v58 =	vshll.u32 v3, $0x3  }
0x49: {  	v3 =	vand.u32 $0x7, v3;
	v4 =	vand.u32 $0xFFFFFFC0, v58  }
0x4a: {  	v3 =	vor.u32 v3, v4  }
0x4b: {  	v4 =	vperm.xlane v3, v0;
	_ =	sdelay $0x1  }
0x4c: {  	v4 =	vadd.s32 v1, v4;
	_ =	sdelay $0x4  }
0x4d: {  	[tilespmem:s12], [sflag:$0x1] =	stream.indirect_vreg.gather [hbm4b:s3+s2], $0x80, v4, vm0, $0xb8;
	[tilespmem:$0x10100] =	vst v63  }
0x4e: {  	v3 =	vperm.xlane v3, v2  }
0x4f: {  	[tilespmem:s13], [sflag:$0x1] =	stream.indirect_vreg.gather [hbm4b:s4+s2], $0x80, v4, vm0, $0xb8;
	[tilespmem:$0x10100] =	vst v63  }
0x50: {  	v3 =	vadd.s32 v1, v3  }
0x51: {  	[tilespmem:s14], [sflag:$0x1] =	stream.indirect_vreg.gather [hbm4b:s5+s2], $0x80, v4, vm0, $0xb8;
	[tilespmem:$0x10100] =	vst v63  }
0x52: {  	_ = 	snop  }
0x53: {  	[tilespmem:s15], [sflag:$0x1] =	stream.indirect_vreg.gather [hbm4b:s6+s2], $0x80, v4, vm0, $0xb8;
	[tilespmem:$0x10100] =	vst v63  }
0x54: {  	_ = 	snop  }
0x55: {  	[tilespmem:s16], [sflag:$0x1] =	stream.indirect_vreg.gather [hbm4b:s3+s2], $0x80, v3, vm0, $0xb8;
	[tilespmem:$0x10100] =	vst v63  }
0x56: {  	_ = 	snop  }
0x57: {  	[tilespmem:s17], [sflag:$0x1] =	stream.indirect_vreg.gather [hbm4b:s4+s2], $0x80, v3, vm0, $0xb8;
	[tilespmem:$0x10100] =	vst v63  }
0x58: {  	_ = 	snop  }
0x59: {  	[tilespmem:s9], [sflag:$0x1] =	stream.indirect_vreg.gather [hbm4b:s5+s2], $0x80, v3, vm0, $0xb8;
	[tilespmem:$0x10100] =	vst v63  }
0x5a: {  	s19 =	simm.s32 $0xB900  }
0x5b: {  	[tilespmem:s19], [sflag:$0x1] =	stream.indirect_vreg.gather [hbm4b:s6+s2], $0x80, v3, vm0, $0xb8;
	[tilespmem:$0x10100] =	vst v63  }
0x5c: {  	v3 =	vld [tilespmem:$0x30];
	_ =	sdelay $0x4  }
0x5d: {  	v59 =	vshll.u32 v3, $0x3  }
0x5e: {  	v3 =	vand.u32 $0x7, v3;
	v4 =	vand.u32 $0xFFFFFFC0, v59  }
0x5f: {  	v3 =	vor.u32 v3, v4  }
0x60: {  	v4 =	vperm.xlane v3, v0;
	_ =	sdelay $0x1  }
0x61: {  	v4 =	vadd.s32 v1, v4;
	_ =	sdelay $0x3  }
0x62: {  	s19 =	simm.s32 $0xC100  }
0x63: {  	[tilespmem:s19], [sflag:$0x1] =	stream.indirect_vreg.gather [hbm4b:s3+s2], $0x80, v4, vm0, $0xb8;
	[tilespmem:$0x10100] =	vst v63  }
0x64: {  	v3 =	vperm.xlane v3, v2;
	s19 =	simm.s32 $0xC900  }
0x65: {  	[tilespmem:s19], [sflag:$0x1] =	stream.indirect_vreg.gather [hbm4b:s4+s2], $0x80, v4, vm0, $0xb8;
	[tilespmem:$0x10100] =	vst v63  }
0x66: {  	v3 =	vadd.s32 v1, v3;
	s19 =	simm.s32 $0xD100  }
0x67: {  	[tilespmem:s19], [sflag:$0x1] =	stream.indirect_vreg.gather [hbm4b:s5+s2], $0x80, v4, vm0, $0xb8;
	[tilespmem:$0x10100] =	vst v63  }
0x68: {  	s19 =	simm.s32 $0xD900  }
0x69: {  	[tilespmem:s19], [sflag:$0x1] =	stream.indirect_vreg.gather [hbm4b:s6+s2], $0x80, v4, vm0, $0xb8;
	[tilespmem:$0x10100] =	vst v63  }
0x6a: {  	s19 =	simm.s32 $0xE100  }
0x6b: {  	[tilespmem:s19], [sflag:$0x1] =	stream.indirect_vreg.gather [hbm4b:s3+s2], $0x80, v3, vm0, $0xb8;
	[tilespmem:$0x10100] =	vst v63  }
0x6c: {  	s19 =	simm.s32 $0xE900  }
0x6d: {  	[tilespmem:s19], [sflag:$0x1] =	stream.indirect_vreg.gather [hbm4b:s4+s2], $0x80, v3, vm0, $0xb8;
	[tilespmem:$0x10100] =	vst v63  }
0x6e: {  	s19 =	simm.s32 $0xF100  }
0x6f: {  	[tilespmem:s19], [sflag:$0x1] =	stream.indirect_vreg.gather [hbm4b:s5+s2], $0x80, v3, vm0, $0xb8;
	[tilespmem:$0x10100] =	vst v63  }
0x70: {  	s19 =	simm.s32 $0xF900  }
0x71: {  	[tilespmem:s19], [sflag:$0x1] =	stream.indirect_vreg.gather [hbm4b:s6+s2], $0x80, v3, vm0, $0xb8;
	[tilespmem:$0x10100] =	vst v63  }
0x72: {  	_ =	swait.ge [sflag:s18], $0x10000  }
0x73: {  	[sflag:s18] =	ssyncset.done $0x0  }
0x74: {  	s19 =	rddreg [dreg:$0x4];
	[sflag:s18] =	ssyncadd.s32 $0xFFFF0000  }
0x75: {  	[hbm4b:s19+s2] =	stream.linear.scatter [tilespmem:s0], [sflag:$0x2], $0x10000, $0x38;
	[tilespmem:$0x10100] =	vst v63  }
0x76: {  	_ =	swait.ge [sflag:s8], $0x10000  }
0x77: {  	[sflag:s8] =	ssyncset.done $0x0  }
0x78: {  	[sflag:s8] =	ssyncadd.s32 $0xFFFF0000  }
0x79: {  	v3 =	vld [tilespmem:$0x80];
	_ =	sdelay $0x4  }
0x7a: {  	v60 =	vshll.u32 v3, $0x3  }
0x7b: {  	v3 =	vand.u32 $0x7, v3;
	v4 =	vand.u32 $0xFFFFFFC0, v60  }
0x7c: {  	v3 =	vor.u32 v3, v4  }
0x7d: {  	v4 =	vperm.xlane v3, v0;
	_ =	sdelay $0x1  }
0x7e: {  	v4 =	vadd.s32 v1, v4;
	_ =	sdelay $0x4  }
0x7f: {  	[tilespmem:s0], [sflag:$0x1] =	stream.indirect_vreg.gather [hbm4b:s3+s2], $0x80, v4, vm0, $0xb8;
	[tilespmem:$0x10100] =	vst v63  }
0x80: {  	v3 =	vperm.xlane v3, v2  }
0x81: {  	[tilespmem:s20], [sflag:$0x1] =	stream.indirect_vreg.gather [hbm4b:s4+s2], $0x80, v4, vm0, $0xb8;
	[tilespmem:$0x10100] =	vst v63  }
0x82: {  	v3 =	vadd.s32 v1, v3  }
0x83: {  	[tilespmem:s21], [sflag:$0x1] =	stream.indirect_vreg.gather [hbm4b:s5+s2], $0x80, v4, vm0, $0xb8;
	[tilespmem:$0x10100] =	vst v63  }
0x84: {  	_ = 	snop  }
0x85: {  	[tilespmem:s22], [sflag:$0x1] =	stream.indirect_vreg.gather [hbm4b:s6+s2], $0x80, v4, vm0, $0xb8;
	[tilespmem:$0x10100] =	vst v63  }
0x86: {  	_ = 	snop  }
0x87: {  	[tilespmem:s23], [sflag:$0x1] =	stream.indirect_vreg.gather [hbm4b:s3+s2], $0x80, v3, vm0, $0xb8;
	[tilespmem:$0x10100] =	vst v63  }
0x88: {  	_ = 	snop  }
0x89: {  	[tilespmem:s24], [sflag:$0x1] =	stream.indirect_vreg.gather [hbm4b:s4+s2], $0x80, v3, vm0, $0xb8;
	[tilespmem:$0x10100] =	vst v63  }
0x8a: {  	_ = 	snop  }
0x8b: {  	[tilespmem:s25], [sflag:$0x1] =	stream.indirect_vreg.gather [hbm4b:s5+s2], $0x80, v3, vm0, $0xb8;
	[tilespmem:$0x10100] =	vst v63  }
0x8c: {  	_ = 	snop  }
0x8d: {  	[tilespmem:s26], [sflag:$0x1] =	stream.indirect_vreg.gather [hbm4b:s6+s2], $0x80, v3, vm0, $0xb8;
	[tilespmem:$0x10100] =	vst v63  }
0x8e: {  	v3 =	vld [tilespmem:$0x90];
	_ =	sdelay $0x4  }
0x8f: {  	v61 =	vshll.u32 v3, $0x3  }
0x90: {  	v3 =	vand.u32 $0x7, v3;
	v4 =	vand.u32 $0xFFFFFFC0, v61  }
0x91: {  	v3 =	vor.u32 v3, v4  }
0x92: {  	v4 =	vperm.xlane v3, v0;
	_ =	sdelay $0x1  }
0x93: {  	v4 =	vadd.s32 v1, v4;
	_ =	sdelay $0x4  }
0x94: {  	[tilespmem:s28], [sflag:$0x1] =	stream.indirect_vreg.gather [hbm4b:s3+s2], $0x80, v4, vm0, $0xb8;
	[tilespmem:$0x10100] =	vst v63  }
0x95: {  	v3 =	vperm.xlane v3, v2  }
0x96: {  	[tilespmem:s29], [sflag:$0x1] =	stream.indirect_vreg.gather [hbm4b:s4+s2], $0x80, v4, vm0, $0xb8;
	[tilespmem:$0x10100] =	vst v63  }
0x97: {  	v3 =	vadd.s32 v1, v3  }
0x98: {  	[tilespmem:s30], [sflag:$0x1] =	stream.indirect_vreg.gather [hbm4b:s5+s2], $0x80, v4, vm0, $0xb8;
	[tilespmem:$0x10100] =	vst v63  }
0x99: {  	_ = 	snop  }
0x9a: {  	[tilespmem:s31], [sflag:$0x1] =	stream.indirect_vreg.gather [hbm4b:s6+s2], $0x80, v4, vm0, $0xb8;
	[tilespmem:$0x10100] =	vst v63  }
0x9b: {  	s20 =	simm.s32 $0x6100  }
0x9c: {  	[tilespmem:s20], [sflag:$0x1] =	stream.indirect_vreg.gather [hbm4b:s3+s2], $0x80, v3, vm0, $0xb8;
	[tilespmem:$0x10100] =	vst v63  }
0x9d: {  	_ = 	snop  }
0x9e: {  	[tilespmem:s1], [sflag:$0x1] =	stream.indirect_vreg.gather [hbm4b:s4+s2], $0x80, v3, vm0, $0xb8;
	[tilespmem:$0x10100] =	vst v63  }
0x9f: {  	_ = 	snop  }
0xa0: {  	[tilespmem:s10], [sflag:$0x1] =	stream.indirect_vreg.gather [hbm4b:s5+s2], $0x80, v3, vm0, $0xb8;
	[tilespmem:$0x10100] =	vst v63  }
0xa1: {  	_ = 	snop  }
0xa2: {  	[tilespmem:s11], [sflag:$0x1] =	stream.indirect_vreg.gather [hbm4b:s6+s2], $0x80, v3, vm0, $0xb8;
	[tilespmem:$0x10100] =	vst v63  }
0xa3: {  	v3 =	vld [tilespmem:$0xA0];
	_ =	sdelay $0x4  }
0xa4: {  	v62 =	vshll.u32 v3, $0x3  }
0xa5: {  	v3 =	vand.u32 $0x7, v3;
	v4 =	vand.u32 $0xFFFFFFC0, v62  }
0xa6: {  	v3 =	vor.u32 v3, v4  }
0xa7: {  	v4 =	vperm.xlane v3, v0;
	_ =	sdelay $0x1  }
0xa8: {  	v4 =	vadd.s32 v1, v4;
	_ =	sdelay $0x4  }
0xa9: {  	[tilespmem:s12], [sflag:$0x1] =	stream.indirect_vreg.gather [hbm4b:s3+s2], $0x80, v4, vm0, $0xb8;
	[tilespmem:$0x10100] =	vst v63  }
0xaa: {  	v3 =	vperm.xlane v3, v2  }
0xab: {  	[tilespmem:s13], [sflag:$0x1] =	stream.indirect_vreg.gather [hbm4b:s4+s2], $0x80, v4, vm0, $0xb8;
	[tilespmem:$0x10100] =	vst v63  }
0xac: {  	v3 =	vadd.s32 v1, v3  }
0xad: {  	[tilespmem:s14], [sflag:$0x1] =	stream.indirect_vreg.gather [hbm4b:s5+s2], $0x80, v4, vm0, $0xb8;
	[tilespmem:$0x10100] =	vst v63  }
0xae: {  	_ = 	snop  }
0xaf: {  	[tilespmem:s15], [sflag:$0x1] =	stream.indirect_vreg.gather [hbm4b:s6+s2], $0x80, v4, vm0, $0xb8;
	[tilespmem:$0x10100] =	vst v63  }
0xb0: {  	_ = 	snop  }
0xb1: {  	[tilespmem:s16], [sflag:$0x1] =	stream.indirect_vreg.gather [hbm4b:s3+s2], $0x80, v3, vm0, $0xb8;
	[tilespmem:$0x10100] =	vst v63  }
0xb2: {  	_ = 	snop  }
0xb3: {  	[tilespmem:s17], [sflag:$0x1] =	stream.indirect_vreg.gather [hbm4b:s4+s2], $0x80, v3, vm0, $0xb8;
	[tilespmem:$0x10100] =	vst v63  }
0xb4: {  	_ = 	snop  }
0xb5: {  	[tilespmem:s9], [sflag:$0x1] =	stream.indirect_vreg.gather [hbm4b:s5+s2], $0x80, v3, vm0, $0xb8;
	[tilespmem:$0x10100] =	vst v63  }
0xb6: {  	s19 =	simm.s32 $0xB900  }
0xb7: {  	[tilespmem:s19], [sflag:$0x1] =	stream.indirect_vreg.gather [hbm4b:s6+s2], $0x80, v3, vm0, $0xb8;
	[tilespmem:$0x10100] =	vst v63  }
0xb8: {  	v3 =	vld [tilespmem:$0xB0];
	_ =	sdelay $0x4  }
0xb9: {  	v63 =	vshll.u32 v3, $0x3  }
0xba: {  	v3 =	vand.u32 $0x7, v3;
	v4 =	vand.u32 $0xFFFFFFC0, v63  }
0xbb: {  	v3 =	vor.u32 v3, v4  }
0xbc: {  	v4 =	vperm.xlane v3, v0;
	_ =	sdelay $0x1  }
0xbd: {  	v4 =	vadd.s32 v1, v4;
	_ =	sdelay $0x3  }
0xbe: {  	s20 =	simm.s32 $0xC100  }
0xbf: {  	[tilespmem:s20], [sflag:$0x1] =	stream.indirect_vreg.gather [hbm4b:s3+s2], $0x80, v4, vm0, $0xb8;
	[tilespmem:$0x10100] =	vst v63  }
0xc0: {  	s19 =	simm.s32 $0xC900;
	v3 =	vperm.xlane v3, v2  }
0xc1: {  	[tilespmem:s19], [sflag:$0x1] =	stream.indirect_vreg.gather [hbm4b:s4+s2], $0x80, v4, vm0, $0xb8;
	[tilespmem:$0x10100] =	vst v63  }
0xc2: {  	v3 =	vadd.s32 v1, v3;
	s20 =	simm.s32 $0xD100  }
0xc3: {  	[tilespmem:s20], [sflag:$0x1] =	stream.indirect_vreg.gather [hbm4b:s5+s2], $0x80, v4, vm0, $0xb8;
	[tilespmem:$0x10100] =	vst v63  }
0xc4: {  	s19 =	simm.s32 $0xD900  }
0xc5: {  	[tilespmem:s19], [sflag:$0x1] =	stream.indirect_vreg.gather [hbm4b:s6+s2], $0x80, v4, vm0, $0xb8;
	[tilespmem:$0x10100] =	vst v63  }
0xc6: {  	s20 =	simm.s32 $0xE100  }
0xc7: {  	[tilespmem:s20], [sflag:$0x1] =	stream.indirect_vreg.gather [hbm4b:s3+s2], $0x80, v3, vm0, $0xb8;
	[tilespmem:$0x10100] =	vst v63  }
0xc8: {  	s19 =	simm.s32 $0xE900  }
0xc9: {  	[tilespmem:s19], [sflag:$0x1] =	stream.indirect_vreg.gather [hbm4b:s4+s2], $0x80, v3, vm0, $0xb8;
	[tilespmem:$0x10100] =	vst v63  }
0xca: {  	s20 =	simm.s32 $0xF100  }
0xcb: {  	[tilespmem:s20], [sflag:$0x1] =	stream.indirect_vreg.gather [hbm4b:s5+s2], $0x80, v3, vm0, $0xb8;
	[tilespmem:$0x10100] =	vst v63  }
0xcc: {  	s19 =	simm.s32 $0xF900  }
0xcd: {  	[tilespmem:s19], [sflag:$0x1] =	stream.indirect_vreg.gather [hbm4b:s6+s2], $0x80, v3, vm0, $0xb8;
	[tilespmem:$0x10100] =	vst v63  }
0xce: {  	_ =	swait.ge [sflag:s18], $0x10000  }
0xcf: {  	p0 =	sne.s32 s7, $0x1;
	[sflag:s18] =	ssyncset.done $0x0  }
.Ltmp0:
0xd0: {  	s20 =	rddreg [dreg:$0x5];
	[sflag:s18] =	ssyncadd.s32 $0xFFFF0000;
	(pc) =	sbr.rel @p0 .LBB2_1-.Ltmp0, $4  }
0xd1: {  	[hbm4b:s20+s2] =	stream.linear.scatter [tilespmem:s0], [sflag:$0x2], $0x10000, $0x38;
	[tilespmem:$0x10100] =	vst v63  }
0xd2: {  	_ =	swait.ge [sflag:s8], $0x10000  }
0xd3: {  	[sflag:s8] =	ssyncset.done $0x0  }
0xd4: {  	s7 =	sadd.s32 $0xFFFFFFFF, s7;
	[sflag:s8] =	ssyncadd.s32 $0xFFFF0000  }
0xd5: {  	_ =	sfence.sel $0x180000  }
0xd6: {  	[bflag:$0x0] =	sbarrier.arrive $0xFFFF  }
0xd7: {  	_ =	strace $0x9000004D  }
0xd8: {  	s0 =	stileid.u32;
	[bflag:$0x2] =	sbarrier.arrive $0xFFFF  }
0xd9: {  	p0 =	sne.s32 s0, $0x0;
	s0 =	rddreg [dreg:$0x1]  }
0xda: {  	s0 =	sadd.s32 @!p0 $0x100000, s0  }
0xdb: {  	[sflag:s0] =	ssyncadd.tile.s32 @!p0 $0x1;
	_ =	shalt  }
.Lfunc_end2:
_tile_overlayer_lowered:
.L_overlay_start_2:
0xdc: {  	(tag) =	ssettag $0x2  }
0xdd: {  	s0 =	rddreg [dreg:$0x0];
	s2 =	stileid.u32  }
0xde: {  	s1 =	rddreg [dreg:$0x1];
	p0 =	sne.s32 s2, $0x0  }
0xdf: {  	s3 =	rddreg [dreg:$0x2];
	[bflag:$0x3] =	sbarrier.arrive $0xFFFF;
	s2 =	simm.s32 @!p0 $0x1C02  }
0xe0: {  	[timem:s3], [sflag:s2] =	dma.local @!p0 [hbm:s0], s1  }
0xe1: {  	s0 =	simm.s32 @!p0 $0x2  }
0xe2: {  	_ =	swait.ge @!p0 [sflag:s0], s1  }
0xe3: {  	s1 =	ssub.s32 @!p0 $0x0, s1;
	[sflag:s0] =	ssyncset.done @!p0 $0x0  }
0xe4: {  	[sflag:s0] =	ssyncadd.s32 @!p0 s1  }
0xe5: {  	[bflag:$0x3] =	sbarrier.arrive $0xFFFF  }
0xe6: {  	_ =	shalt  }

</sc_bundles>
